<compile_context>
chip_gen: v7x
topology: tpu7x:2x2x1
jax: 0.10.2.dev20260603
libtpu: 0.0.44.dev20260713+nightly
codegen_flags: <defaults>
</compile_context>

<pallas_src>
import functools

import jax
import jax.numpy as jnp
from jax import lax
from jax.experimental import pallas as pl
from jax.experimental.pallas import tpu as pltpu
from jax.experimental.pallas import tpu_sc as plsc

N = 10000
E = 320000
F_IN = 128
C = 64
CP = 128

NC = 2
NS = 16
NW = NC * NS

K = 128
EPAD = 327680
WPW = EPAD // (NW * K)
TOTWIN = EPAD // K
NPAD = 10240
RPT = NPAD // NS
CHUNK = 128
DEG_Q = 8

_MESH = plsc.VectorSubcoreMesh(core_axis_name="c", subcore_axis_name="s")


@functools.partial(
    pl.kernel,
    out_type=jax.ShapeDtypeStruct((NC, NPAD, CP), jnp.float32),
    mesh=_MESH,
    scratch_types=[
        pltpu.VMEM((WPW, K), jnp.int32),
        pltpu.VMEM((K, CP), jnp.float32),
        pltpu.VMEM((CHUNK, CP), jnp.float32),
        pltpu.VMEM_SHARED((NPAD, CP), jnp.float32),
        pltpu.SemaphoreType.DMA,
    ],
)
def _deg_partials(roww_hbm, ones_hbm, zeros_hbm, out_hbm,
                  idx_v, ones_v, buf_v, acc_sh, sem):
    c = lax.axis_index("c")
    s = lax.axis_index("s")
    w = c * NS + s
    pltpu.sync_copy(roww_hbm.at[pl.ds(w * WPW, WPW), :], idx_v)
    pltpu.sync_copy(ones_hbm, ones_v)
    pltpu.sync_copy(zeros_hbm, buf_v)
    for j in range(RPT // CHUNK):
        pltpu.sync_copy(buf_v, acc_sh.at[pl.ds(s * RPT + j * CHUNK, CHUNK), :])
    plsc.subcore_barrier()

    for q in range(DEG_Q):
        pltpu.async_copy(ones_v, acc_sh.at[idx_v.at[q]], sem, add=True)

    def body(t, carry):
        pltpu.make_async_copy(ones_v, acc_sh.at[idx_v.at[t]], sem).wait()
        nxt = jnp.minimum(t + DEG_Q, WPW - 1)

        @pl.when(t + DEG_Q < WPW)
        def _():
            pltpu.async_copy(ones_v, acc_sh.at[idx_v.at[nxt]], sem, add=True)

        return carry

    lax.fori_loop(0, WPW, body, 0)
    plsc.subcore_barrier()
    for j in range(RPT // CHUNK):
        r0 = s * RPT + j * CHUNK
        pltpu.sync_copy(acc_sh.at[pl.ds(r0, CHUNK), :], buf_v)
        pltpu.sync_copy(buf_v, out_hbm.at[c, pl.ds(r0, CHUNK), :])


@functools.partial(
    pl.kernel,
    out_type=jax.ShapeDtypeStruct((NC, NPAD, CP), jnp.float32),
    mesh=_MESH,
    scratch_types=[
        pltpu.VMEM((WPW // 2, K), jnp.int32),
        pltpu.VMEM((WPW // 2, K), jnp.int32),
        pltpu.VMEM((K, CP), jnp.float32),
        pltpu.VMEM((K, CP), jnp.float32),
        pltpu.VMEM_SHARED((NPAD, CP), jnp.float32),
        pltpu.SemaphoreType.DMA,
        pltpu.SemaphoreType.DMA,
        pltpu.SemaphoreType.DMA,
        pltpu.SemaphoreType.DMA,
    ],
)
def _aggregate(g_hbm, roww_hbm, colw_hbm, zeros_hbm, out_hbm,
               ridx_v, cidx_v, rows_a, rows_b, acc_sh,
               sem_ga, sem_gb, sem_sa, sem_sb):
    c = lax.axis_index("c")
    s = lax.axis_index("s")
    w = c * NS + s
    pltpu.sync_copy(zeros_hbm, rows_a)
    for j in range(RPT // CHUNK):
        pltpu.sync_copy(rows_a, acc_sh.at[pl.ds(s * RPT + j * CHUNK, CHUNK), :])
    plsc.subcore_barrier()

    def gather(i, rows, sem):
        return pltpu.async_copy(g_hbm.at[ridx_v.at[i]], rows, sem)

    def gather_wait(i, rows, sem):
        pltpu.make_async_copy(g_hbm.at[ridx_v.at[i]], rows, sem).wait()

    def scat(i, rows, sem):
        return pltpu.async_copy(rows, acc_sh.at[cidx_v.at[i]], sem, add=True)

    def scat_wait(i, rows, sem):
        pltpu.make_async_copy(rows, acc_sh.at[cidx_v.at[i]], sem).wait()

    HALF = WPW // 2
    for h in range(2):
        w0 = w * WPW + h * HALF
        pltpu.sync_copy(roww_hbm.at[pl.ds(w0, HALF), :], ridx_v)
        pltpu.sync_copy(colw_hbm.at[pl.ds(w0, HALF), :], cidx_v)
        gather(0, rows_a, sem_ga)

        def body(t, carry):
            i0 = 2 * t
            i1 = 2 * t + 1
            i2 = jnp.minimum(2 * t + 2, HALF - 1)
            gather_wait(i0, rows_a, sem_ga)
            scat(i0, rows_a, sem_sa)
            gather(i1, rows_b, sem_gb)
            gather_wait(i1, rows_b, sem_gb)
            scat(i1, rows_b, sem_sb)
            scat_wait(i0, rows_a, sem_sa)
            gather(i2, rows_a, sem_ga)
            scat_wait(i1, rows_b, sem_sb)
            return carry

        lax.fori_loop(0, HALF // 2, body, 0)
        gather_wait(HALF - 1, rows_a, sem_ga)
    plsc.subcore_barrier()
    for j in range(RPT // CHUNK):
        r0 = s * RPT + j * CHUNK
        pltpu.sync_copy(acc_sh.at[pl.ds(r0, CHUNK), :], rows_a)
        pltpu.sync_copy(rows_a, out_hbm.at[c, pl.ds(r0, CHUNK), :])


BLK = 1000


def _dinv_block(dp_ref):
    deg = dp_ref[0] + dp_ref[1]
    return jnp.where(deg > 0.0, lax.rsqrt(deg), 0.0)[:, :1]


def _mm_scale_body(dp_ref, x_ref, w_ref, o_ref):
    h = jnp.dot(x_ref[...], w_ref[...], preferred_element_type=jnp.float32)
    o_ref[...] = h * _dinv_block(dp_ref)


def _combine_scale_mid_body(dp_ref, s_ref, o_ref):
    dinv = _dinv_block(dp_ref)
    o_ref[...] = (s_ref[0] + s_ref[1]) * (dinv * dinv)


def _combine_scale_out_body(dp_ref, s_ref, o_ref):
    dinv = _dinv_block(dp_ref)
    o_ref[...] = ((s_ref[0] + s_ref[1]) * dinv)[:, :C]


_dp_spec = pl.BlockSpec((NC, BLK, CP), lambda j: (0, j, 0))
_s_spec = pl.BlockSpec((NC, BLK, CP), lambda j: (0, j, 0))

_mm_scale = pl.pallas_call(
    _mm_scale_body,
    grid=(N // BLK,),
    in_specs=[
        _dp_spec,
        pl.BlockSpec((BLK, F_IN), lambda j: (j, 0)),
        pl.BlockSpec((F_IN, CP), lambda j: (0, 0)),
    ],
    out_specs=pl.BlockSpec((BLK, CP), lambda j: (j, 0)),
    out_shape=jax.ShapeDtypeStruct((NPAD, CP), jnp.float32),
)

_combine_scale_mid = pl.pallas_call(
    _combine_scale_mid_body,
    grid=(N // BLK,),
    in_specs=[_dp_spec, _s_spec],
    out_specs=pl.BlockSpec((BLK, CP), lambda j: (j, 0)),
    out_shape=jax.ShapeDtypeStruct((NPAD, CP), jnp.float32),
)

_combine_scale_out = pl.pallas_call(
    _combine_scale_out_body,
    grid=(N // BLK,),
    in_specs=[_dp_spec, _s_spec],
    out_specs=pl.BlockSpec((BLK, C), lambda j: (j, 0)),
    out_shape=jax.ShapeDtypeStruct((N, C), jnp.float32),
)


def kernel(x, edge_index, weight):
    row = edge_index[0]
    col = edge_index[1]
    pad = N + (jnp.arange(EPAD - E, dtype=jnp.int32) % (NPAD - N))
    roww = jnp.concatenate([row, pad]).reshape(TOTWIN, K)
    colw = jnp.concatenate([col, pad]).reshape(TOTWIN, K)
    wp = jnp.zeros((F_IN, CP), jnp.float32).at[:, :C].set(weight)
    onesC = jnp.ones((K, CP), jnp.float32)
    zerosC = jnp.zeros((CHUNK, CP), jnp.float32)

    dp = _deg_partials(roww, onesC, zerosC)
    g0 = _mm_scale(dp, x, wp)
    s1 = _aggregate(g0, roww, colw, zerosC)
    g1 = _combine_scale_mid(dp, s1)
    s2 = _aggregate(g1, roww, colw, zerosC)
    return _combine_scale_out(dp, s2)

# --- scband reference (transcript-rebuilt; emitter-appended) ---
"""Pipeline reference for scband-simple-gcn-14551349198942 (READ-ONLY COPY).

The authoritative reference and input builder live on the scoring server;
editing this copy changes nothing except your own understanding.
"""

import jax, jax.numpy as jnp
import numpy as np

N = 10000
E = 320000
F_IN = 128
C = 64
NUM_LAYERS = 2

def setup_inputs(seed: int = 0) -> dict:
    key = jax.random.key(seed)
    k1, k2, k3 = jax.random.split(key, 3)
    x = jax.random.normal(k1, (N, F_IN), dtype=jnp.float32)
    edge_index = jax.random.randint(k2, (2, E), 0, N, dtype=jnp.int32)
    # glorot-initialized linear weight [num_feats, num_classes]
    a = float(np.sqrt(6.0 / (F_IN + C)))
    weight = jax.random.uniform(k3, (F_IN, C), dtype=jnp.float32, minval=-a, maxval=a)
    return {"x": x, "edge_index": edge_index, "weight": weight}

def reference(x, edge_index, weight):
    row = edge_index[0]
    col = edge_index[1]
    # symmetric normalization coefficients (computed once, cached in torch module)
    edge_weight = jnp.ones((E,), dtype=x.dtype)
    deg = jax.ops.segment_sum(edge_weight, row, num_segments=N)
    deg_inv_sqrt = deg ** -0.5
    deg_inv_sqrt = jnp.where(jnp.isinf(deg_inv_sqrt), 0.0, deg_inv_sqrt)
    norm = (deg_inv_sqrt[row] * edge_weight * deg_inv_sqrt[col])[:, None]
    # dropout p=0.0 -> identity; linear transform num_feats -> num_classes
    h = x @ weight
    # num_layers rounds of gather -> scale -> scatter-add; batch_norm(type_norm='None') is identity
    for _ in range(NUM_LAYERS):
        x_j = h[row]  # gather source-node features per edge
        h = jax.ops.segment_sum(norm * x_j, col, num_segments=N)  # scatter-add to dst nodes
    return h

if __name__ == "__main__":
    import jax
    _d = setup_inputs()
    print(jax.jit(kernel)(*tuple(_d.values())))

</pallas_src>

<mosaic_0001>
#map = affine_map<(d0, d1) -> (0, 0)>
#map1 = affine_map<(d0, d1) -> (0, 0, 0)>
module attributes {stable_mosaic.version = 14 : i64} {
  func.func @_deg_partials(%arg0: i32, %arg1: i32, %arg2: memref<2560x128xi32, #tpu.memory_space<hbm>>, %arg3: memref<128x128xf32, #tpu.memory_space<hbm>>, %arg4: memref<128x128xf32, #tpu.memory_space<hbm>>, %arg5: memref<2x10240x128xf32, #tpu.memory_space<hbm>>, %arg6: memref<80x128xi32, #tpu.memory_space<vmem>>, %arg7: memref<128x128xf32, #tpu.memory_space<vmem>>, %arg8: memref<128x128xf32, #tpu.memory_space<vmem>>, %arg9: memref<10240x128xf32, #tpu.memory_space<vmem_shared>>, %arg10: memref<!tpu.dma_semaphore, #tpu.memory_space<semaphore_mem>>) attributes {dimension_semantics = [#tpu.dimension_semantics<core_parallel>, #tpu.dimension_semantics<subcore_parallel>], iteration_bounds = array<i64: 2, 16>, scalar_prefetch = 0 : i64, scratch_operands = 5 : i64, tpu.core_type = #tpu.core_type<sc_vector_subcore>, window_params = [{transform_indices = #map}, {transform_indices = #map}, {transform_indices = #map}, {transform_indices = #map1}]} {
    %mul3A = arith.constant 16 : i32
    %mul3A_0 = arith.muli %arg0, %mul3A : i32
    %add3A = arith.addi %mul3A_0, %arg1 : i32
    %mul3A_1 = arith.constant 80 : i32
    %mul3A_2 = arith.muli %add3A, %mul3A_1 : i32
    "tpu.region"() ({
      %run_scoped3A = tpu.sem_alloc : memref<!tpu.dma_semaphore, #tpu.memory_space<semaphore_mem>>
      %dma_start3A_104 = arith.constant 0 : i32
      %dma_start3A_105 = tpu.memref_slice %arg2[%mul3A_2, %dma_start3A_104] : memref<2560x128xi32, #tpu.memory_space<hbm>> -> memref<80x128xi32, #tpu.memory_space<hbm>>
      %dma_start3A_106 = arith.constant 0 : i32
      %dma_start3A_107 = tpu.memref_slice %arg2[%mul3A_2, %dma_start3A_106] : memref<2560x128xi32, #tpu.memory_space<hbm>> -> memref<80x128xi32, #tpu.memory_space<hbm>>
      tpu.enqueue_dma source(%dma_start3A_107 : memref<80x128xi32, #tpu.memory_space<hbm>>) target(%arg6 : memref<80x128xi32, #tpu.memory_space<vmem>>) target_semaphore(%run_scoped3A : memref<!tpu.dma_semaphore, #tpu.memory_space<semaphore_mem>>)
      %dma_wait3A = arith.constant 0 : i32
      %dma_wait3A_108 = tpu.memref_slice %arg2[%mul3A_2, %dma_wait3A] : memref<2560x128xi32, #tpu.memory_space<hbm>> -> memref<80x128xi32, #tpu.memory_space<hbm>>
      %dma_wait3A_109 = arith.constant 0 : i32
      %dma_wait3A_110 = tpu.memref_slice %arg2[%mul3A_2, %dma_wait3A_109] : memref<2560x128xi32, #tpu.memory_space<hbm>> -> memref<80x128xi32, #tpu.memory_space<hbm>>
      tpu.wait_dma2 semaphore(%run_scoped3A : memref<!tpu.dma_semaphore, #tpu.memory_space<semaphore_mem>>) src(%dma_wait3A_110 : memref<80x128xi32, #tpu.memory_space<hbm>>) dst(%arg6 : memref<80x128xi32, #tpu.memory_space<vmem>>)
      tpu.yield
    }) : () -> ()
    "tpu.region"() ({
      %run_scoped3A = tpu.sem_alloc : memref<!tpu.dma_semaphore, #tpu.memory_space<semaphore_mem>>
      tpu.enqueue_dma source(%arg3 : memref<128x128xf32, #tpu.memory_space<hbm>>) target(%arg7 : memref<128x128xf32, #tpu.memory_space<vmem>>) target_semaphore(%run_scoped3A : memref<!tpu.dma_semaphore, #tpu.memory_space<semaphore_mem>>)
      tpu.wait_dma2 semaphore(%run_scoped3A : memref<!tpu.dma_semaphore, #tpu.memory_space<semaphore_mem>>) src(%arg3 : memref<128x128xf32, #tpu.memory_space<hbm>>) dst(%arg7 : memref<128x128xf32, #tpu.memory_space<vmem>>)
      tpu.yield
    }) : () -> ()
    "tpu.region"() ({
      %run_scoped3A = tpu.sem_alloc : memref<!tpu.dma_semaphore, #tpu.memory_space<semaphore_mem>>
      tpu.enqueue_dma source(%arg4 : memref<128x128xf32, #tpu.memory_space<hbm>>) target(%arg8 : memref<128x128xf32, #tpu.memory_space<vmem>>) target_semaphore(%run_scoped3A : memref<!tpu.dma_semaphore, #tpu.memory_space<semaphore_mem>>)
      tpu.wait_dma2 semaphore(%run_scoped3A : memref<!tpu.dma_semaphore, #tpu.memory_space<semaphore_mem>>) src(%arg4 : memref<128x128xf32, #tpu.memory_space<hbm>>) dst(%arg8 : memref<128x128xf32, #tpu.memory_space<vmem>>)
      tpu.yield
    }) : () -> ()
    %mul3A_3 = arith.constant 640 : i32
    %mul3A_4 = arith.muli %arg1, %mul3A_3 : i32
    %add3A_5 = arith.constant 0 : i32
    %add3A_6 = arith.addi %mul3A_4, %add3A_5 : i32
    "tpu.region"() ({
      %run_scoped3A = tpu.sem_alloc : memref<!tpu.dma_semaphore, #tpu.memory_space<semaphore_mem>>
      %dma_start3A_104 = arith.constant 0 : i32
      %dma_start3A_105 = tpu.memref_slice %arg9[%add3A_6, %dma_start3A_104] : memref<10240x128xf32, #tpu.memory_space<vmem_shared>> -> memref<128x128xf32, #tpu.memory_space<vmem_shared>>
      %dma_start3A_106 = arith.constant 0 : i32
      %dma_start3A_107 = tpu.memref_slice %arg9[%add3A_6, %dma_start3A_106] : memref<10240x128xf32, #tpu.memory_space<vmem_shared>> -> memref<128x128xf32, #tpu.memory_space<vmem_shared>>
      tpu.enqueue_dma source(%arg8 : memref<128x128xf32, #tpu.memory_space<vmem>>) target(%dma_start3A_107 : memref<128x128xf32, #tpu.memory_space<vmem_shared>>) target_semaphore(%run_scoped3A : memref<!tpu.dma_semaphore, #tpu.memory_space<semaphore_mem>>)
      %dma_wait3A = arith.constant 0 : i32
      %dma_wait3A_108 = tpu.memref_slice %arg9[%add3A_6, %dma_wait3A] : memref<10240x128xf32, #tpu.memory_space<vmem_shared>> -> memref<128x128xf32, #tpu.memory_space<vmem_shared>>
      %dma_wait3A_109 = arith.constant 0 : i32
      %dma_wait3A_110 = tpu.memref_slice %arg9[%add3A_6, %dma_wait3A_109] : memref<10240x128xf32, #tpu.memory_space<vmem_shared>> -> memref<128x128xf32, #tpu.memory_space<vmem_shared>>
      tpu.wait_dma2 semaphore(%run_scoped3A : memref<!tpu.dma_semaphore, #tpu.memory_space<semaphore_mem>>) src(%arg8 : memref<128x128xf32, #tpu.memory_space<vmem>>) dst(%dma_wait3A_110 : memref<128x128xf32, #tpu.memory_space<vmem_shared>>)
      tpu.yield
    }) : () -> ()
    %mul3A_7 = arith.constant 640 : i32
    %mul3A_8 = arith.muli %arg1, %mul3A_7 : i32
    %add3A_9 = arith.constant 128 : i32
    %add3A_10 = arith.addi %mul3A_8, %add3A_9 : i32
    "tpu.region"() ({
      %run_scoped3A = tpu.sem_alloc : memref<!tpu.dma_semaphore, #tpu.memory_space<semaphore_mem>>
      %dma_start3A_104 = arith.constant 0 : i32
      %dma_start3A_105 = tpu.memref_slice %arg9[%add3A_10, %dma_start3A_104] : memref<10240x128xf32, #tpu.memory_space<vmem_shared>> -> memref<128x128xf32, #tpu.memory_space<vmem_shared>>
      %dma_start3A_106 = arith.constant 0 : i32
      %dma_start3A_107 = tpu.memref_slice %arg9[%add3A_10, %dma_start3A_106] : memref<10240x128xf32, #tpu.memory_space<vmem_shared>> -> memref<128x128xf32, #tpu.memory_space<vmem_shared>>
      tpu.enqueue_dma source(%arg8 : memref<128x128xf32, #tpu.memory_space<vmem>>) target(%dma_start3A_107 : memref<128x128xf32, #tpu.memory_space<vmem_shared>>) target_semaphore(%run_scoped3A : memref<!tpu.dma_semaphore, #tpu.memory_space<semaphore_mem>>)
      %dma_wait3A = arith.constant 0 : i32
      %dma_wait3A_108 = tpu.memref_slice %arg9[%add3A_10, %dma_wait3A] : memref<10240x128xf32, #tpu.memory_space<vmem_shared>> -> memref<128x128xf32, #tpu.memory_space<vmem_shared>>
      %dma_wait3A_109 = arith.constant 0 : i32
      %dma_wait3A_110 = tpu.memref_slice %arg9[%add3A_10, %dma_wait3A_109] : memref<10240x128xf32, #tpu.memory_space<vmem_shared>> -> memref<128x128xf32, #tpu.memory_space<vmem_shared>>
      tpu.wait_dma2 semaphore(%run_scoped3A : memref<!tpu.dma_semaphore, #tpu.memory_space<semaphore_mem>>) src(%arg8 : memref<128x128xf32, #tpu.memory_space<vmem>>) dst(%dma_wait3A_110 : memref<128x128xf32, #tpu.memory_space<vmem_shared>>)
      tpu.yield
    }) : () -> ()
    %mul3A_11 = arith.constant 640 : i32
    %mul3A_12 = arith.muli %arg1, %mul3A_11 : i32
    %add3A_13 = arith.constant 256 : i32
    %add3A_14 = arith.addi %mul3A_12, %add3A_13 : i32
    "tpu.region"() ({
      %run_scoped3A = tpu.sem_alloc : memref<!tpu.dma_semaphore, #tpu.memory_space<semaphore_mem>>
      %dma_start3A_104 = arith.constant 0 : i32
      %dma_start3A_105 = tpu.memref_slice %arg9[%add3A_14, %dma_start3A_104] : memref<10240x128xf32, #tpu.memory_space<vmem_shared>> -> memref<128x128xf32, #tpu.memory_space<vmem_shared>>
      %dma_start3A_106 = arith.constant 0 : i32
      %dma_start3A_107 = tpu.memref_slice %arg9[%add3A_14, %dma_start3A_106] : memref<10240x128xf32, #tpu.memory_space<vmem_shared>> -> memref<128x128xf32, #tpu.memory_space<vmem_shared>>
      tpu.enqueue_dma source(%arg8 : memref<128x128xf32, #tpu.memory_space<vmem>>) target(%dma_start3A_107 : memref<128x128xf32, #tpu.memory_space<vmem_shared>>) target_semaphore(%run_scoped3A : memref<!tpu.dma_semaphore, #tpu.memory_space<semaphore_mem>>)
      %dma_wait3A = arith.constant 0 : i32
      %dma_wait3A_108 = tpu.memref_slice %arg9[%add3A_14, %dma_wait3A] : memref<10240x128xf32, #tpu.memory_space<vmem_shared>> -> memref<128x128xf32, #tpu.memory_space<vmem_shared>>
      %dma_wait3A_109 = arith.constant 0 : i32
      %dma_wait3A_110 = tpu.memref_slice %arg9[%add3A_14, %dma_wait3A_109] : memref<10240x128xf32, #tpu.memory_space<vmem_shared>> -> memref<128x128xf32, #tpu.memory_space<vmem_shared>>
      tpu.wait_dma2 semaphore(%run_scoped3A : memref<!tpu.dma_semaphore, #tpu.memory_space<semaphore_mem>>) src(%arg8 : memref<128x128xf32, #tpu.memory_space<vmem>>) dst(%dma_wait3A_110 : memref<128x128xf32, #tpu.memory_space<vmem_shared>>)
      tpu.yield
    }) : () -> ()
    %mul3A_15 = arith.constant 640 : i32
    %mul3A_16 = arith.muli %arg1, %mul3A_15 : i32
    %add3A_17 = arith.constant 384 : i32
    %add3A_18 = arith.addi %mul3A_16, %add3A_17 : i32
    "tpu.region"() ({
      %run_scoped3A = tpu.sem_alloc : memref<!tpu.dma_semaphore, #tpu.memory_space<semaphore_mem>>
      %dma_start3A_104 = arith.constant 0 : i32
      %dma_start3A_105 = tpu.memref_slice %arg9[%add3A_18, %dma_start3A_104] : memref<10240x128xf32, #tpu.memory_space<vmem_shared>> -> memref<128x128xf32, #tpu.memory_space<vmem_shared>>
      %dma_start3A_106 = arith.constant 0 : i32
      %dma_start3A_107 = tpu.memref_slice %arg9[%add3A_18, %dma_start3A_106] : memref<10240x128xf32, #tpu.memory_space<vmem_shared>> -> memref<128x128xf32, #tpu.memory_space<vmem_shared>>
      tpu.enqueue_dma source(%arg8 : memref<128x128xf32, #tpu.memory_space<vmem>>) target(%dma_start3A_107 : memref<128x128xf32, #tpu.memory_space<vmem_shared>>) target_semaphore(%run_scoped3A : memref<!tpu.dma_semaphore, #tpu.memory_space<semaphore_mem>>)
      %dma_wait3A = arith.constant 0 : i32
      %dma_wait3A_108 = tpu.memref_slice %arg9[%add3A_18, %dma_wait3A] : memref<10240x128xf32, #tpu.memory_space<vmem_shared>> -> memref<128x128xf32, #tpu.memory_space<vmem_shared>>
      %dma_wait3A_109 = arith.constant 0 : i32
      %dma_wait3A_110 = tpu.memref_slice %arg9[%add3A_18, %dma_wait3A_109] : memref<10240x128xf32, #tpu.memory_space<vmem_shared>> -> memref<128x128xf32, #tpu.memory_space<vmem_shared>>
      tpu.wait_dma2 semaphore(%run_scoped3A : memref<!tpu.dma_semaphore, #tpu.memory_space<semaphore_mem>>) src(%arg8 : memref<128x128xf32, #tpu.memory_space<vmem>>) dst(%dma_wait3A_110 : memref<128x128xf32, #tpu.memory_space<vmem_shared>>)
      tpu.yield
    }) : () -> ()
    %mul3A_19 = arith.constant 640 : i32
    %mul3A_20 = arith.muli %arg1, %mul3A_19 : i32
    %add3A_21 = arith.constant 512 : i32
    %add3A_22 = arith.addi %mul3A_20, %add3A_21 : i32
    "tpu.region"() ({
      %run_scoped3A = tpu.sem_alloc : memref<!tpu.dma_semaphore, #tpu.memory_space<semaphore_mem>>
      %dma_start3A_104 = arith.constant 0 : i32
      %dma_start3A_105 = tpu.memref_slice %arg9[%add3A_22, %dma_start3A_104] : memref<10240x128xf32, #tpu.memory_space<vmem_shared>> -> memref<128x128xf32, #tpu.memory_space<vmem_shared>>
      %dma_start3A_106 = arith.constant 0 : i32
      %dma_start3A_107 = tpu.memref_slice %arg9[%add3A_22, %dma_start3A_106] : memref<10240x128xf32, #tpu.memory_space<vmem_shared>> -> memref<128x128xf32, #tpu.memory_space<vmem_shared>>
      tpu.enqueue_dma source(%arg8 : memref<128x128xf32, #tpu.memory_space<vmem>>) target(%dma_start3A_107 : memref<128x128xf32, #tpu.memory_space<vmem_shared>>) target_semaphore(%run_scoped3A : memref<!tpu.dma_semaphore, #tpu.memory_space<semaphore_mem>>)
      %dma_wait3A = arith.constant 0 : i32
      %dma_wait3A_108 = tpu.memref_slice %arg9[%add3A_22, %dma_wait3A] : memref<10240x128xf32, #tpu.memory_space<vmem_shared>> -> memref<128x128xf32, #tpu.memory_space<vmem_shared>>
      %dma_wait3A_109 = arith.constant 0 : i32
      %dma_wait3A_110 = tpu.memref_slice %arg9[%add3A_22, %dma_wait3A_109] : memref<10240x128xf32, #tpu.memory_space<vmem_shared>> -> memref<128x128xf32, #tpu.memory_space<vmem_shared>>
      tpu.wait_dma2 semaphore(%run_scoped3A : memref<!tpu.dma_semaphore, #tpu.memory_space<semaphore_mem>>) src(%arg8 : memref<128x128xf32, #tpu.memory_space<vmem>>) dst(%dma_wait3A_110 : memref<128x128xf32, #tpu.memory_space<vmem_shared>>)
      tpu.yield
    }) : () -> ()
    %barrier3A = arith.constant 0 : index
    tpu.barrier barrier_id(%barrier3A)
    %dma_start3A = arith.constant 0 : i32
    %dma_start3A_23 = arith.constant 0 : i32
    %dma_start3A_24 = tpu.memref_slice %arg6[%dma_start3A, %dma_start3A_23] : memref<80x128xi32, #tpu.memory_space<vmem>> -> memref<1x128xi32, #tpu.memory_space<vmem>>
    %dma_start3A_25 = tpu.memref_squeeze %dma_start3A_24 : memref<1x128xi32, #tpu.memory_space<vmem>> -> memref<128xi32, #tpu.memory_space<vmem>>
    %dma_start3A_26 = arith.constant 0 : i32
    %dma_start3A_27 = arith.constant 0 : i32
    %dma_start3A_28 = tpu.memref_slice %arg9[%dma_start3A_26, %dma_start3A_27] : memref<10240x128xf32, #tpu.memory_space<vmem_shared>> -> memref<10240x128xf32, #tpu.memory_space<vmem_shared>>
    tpu.enqueue_indirect_dma source(%arg7 : memref<128x128xf32, #tpu.memory_space<vmem>>) target(%dma_start3A_28 : memref<10240x128xf32, #tpu.memory_space<vmem_shared>>) offsets(%dma_start3A_25 : memref<128xi32, #tpu.memory_space<vmem>>) semaphore(%arg10 : memref<!tpu.dma_semaphore, #tpu.memory_space<semaphore_mem>>) {add = true}
    %dma_start3A_29 = arith.constant 1 : i32
    %dma_start3A_30 = arith.constant 0 : i32
    %dma_start3A_31 = tpu.memref_slice %arg6[%dma_start3A_29, %dma_start3A_30] : memref<80x128xi32, #tpu.memory_space<vmem>> -> memref<1x128xi32, #tpu.memory_space<vmem>>
    %dma_start3A_32 = tpu.memref_squeeze %dma_start3A_31 : memref<1x128xi32, #tpu.memory_space<vmem>> -> memref<128xi32, #tpu.memory_space<vmem>>
    %dma_start3A_33 = arith.constant 0 : i32
    %dma_start3A_34 = arith.constant 0 : i32
    %dma_start3A_35 = tpu.memref_slice %arg9[%dma_start3A_33, %dma_start3A_34] : memref<10240x128xf32, #tpu.memory_space<vmem_shared>> -> memref<10240x128xf32, #tpu.memory_space<vmem_shared>>
    tpu.enqueue_indirect_dma source(%arg7 : memref<128x128xf32, #tpu.memory_space<vmem>>) target(%dma_start3A_35 : memref<10240x128xf32, #tpu.memory_space<vmem_shared>>) offsets(%dma_start3A_32 : memref<128xi32, #tpu.memory_space<vmem>>) semaphore(%arg10 : memref<!tpu.dma_semaphore, #tpu.memory_space<semaphore_mem>>) {add = true}
    %dma_start3A_36 = arith.constant 2 : i32
    %dma_start3A_37 = arith.constant 0 : i32
    %dma_start3A_38 = tpu.memref_slice %arg6[%dma_start3A_36, %dma_start3A_37] : memref<80x128xi32, #tpu.memory_space<vmem>> -> memref<1x128xi32, #tpu.memory_space<vmem>>
    %dma_start3A_39 = tpu.memref_squeeze %dma_start3A_38 : memref<1x128xi32, #tpu.memory_space<vmem>> -> memref<128xi32, #tpu.memory_space<vmem>>
    %dma_start3A_40 = arith.constant 0 : i32
    %dma_start3A_41 = arith.constant 0 : i32
    %dma_start3A_42 = tpu.memref_slice %arg9[%dma_start3A_40, %dma_start3A_41] : memref<10240x128xf32, #tpu.memory_space<vmem_shared>> -> memref<10240x128xf32, #tpu.memory_space<vmem_shared>>
    tpu.enqueue_indirect_dma source(%arg7 : memref<128x128xf32, #tpu.memory_space<vmem>>) target(%dma_start3A_42 : memref<10240x128xf32, #tpu.memory_space<vmem_shared>>) offsets(%dma_start3A_39 : memref<128xi32, #tpu.memory_space<vmem>>) semaphore(%arg10 : memref<!tpu.dma_semaphore, #tpu.memory_space<semaphore_mem>>) {add = true}
    %dma_start3A_43 = arith.constant 3 : i32
    %dma_start3A_44 = arith.constant 0 : i32
    %dma_start3A_45 = tpu.memref_slice %arg6[%dma_start3A_43, %dma_start3A_44] : memref<80x128xi32, #tpu.memory_space<vmem>> -> memref<1x128xi32, #tpu.memory_space<vmem>>
    %dma_start3A_46 = tpu.memref_squeeze %dma_start3A_45 : memref<1x128xi32, #tpu.memory_space<vmem>> -> memref<128xi32, #tpu.memory_space<vmem>>
    %dma_start3A_47 = arith.constant 0 : i32
    %dma_start3A_48 = arith.constant 0 : i32
    %dma_start3A_49 = tpu.memref_slice %arg9[%dma_start3A_47, %dma_start3A_48] : memref<10240x128xf32, #tpu.memory_space<vmem_shared>> -> memref<10240x128xf32, #tpu.memory_space<vmem_shared>>
    tpu.enqueue_indirect_dma source(%arg7 : memref<128x128xf32, #tpu.memory_space<vmem>>) target(%dma_start3A_49 : memref<10240x128xf32, #tpu.memory_space<vmem_shared>>) offsets(%dma_start3A_46 : memref<128xi32, #tpu.memory_space<vmem>>) semaphore(%arg10 : memref<!tpu.dma_semaphore, #tpu.memory_space<semaphore_mem>>) {add = true}
    %dma_start3A_50 = arith.constant 4 : i32
    %dma_start3A_51 = arith.constant 0 : i32
    %dma_start3A_52 = tpu.memref_slice %arg6[%dma_start3A_50, %dma_start3A_51] : memref<80x128xi32, #tpu.memory_space<vmem>> -> memref<1x128xi32, #tpu.memory_space<vmem>>
    %dma_start3A_53 = tpu.memref_squeeze %dma_start3A_52 : memref<1x128xi32, #tpu.memory_space<vmem>> -> memref<128xi32, #tpu.memory_space<vmem>>
    %dma_start3A_54 = arith.constant 0 : i32
    %dma_start3A_55 = arith.constant 0 : i32
    %dma_start3A_56 = tpu.memref_slice %arg9[%dma_start3A_54, %dma_start3A_55] : memref<10240x128xf32, #tpu.memory_space<vmem_shared>> -> memref<10240x128xf32, #tpu.memory_space<vmem_shared>>
    tpu.enqueue_indirect_dma source(%arg7 : memref<128x128xf32, #tpu.memory_space<vmem>>) target(%dma_start3A_56 : memref<10240x128xf32, #tpu.memory_space<vmem_shared>>) offsets(%dma_start3A_53 : memref<128xi32, #tpu.memory_space<vmem>>) semaphore(%arg10 : memref<!tpu.dma_semaphore, #tpu.memory_space<semaphore_mem>>) {add = true}
    %dma_start3A_57 = arith.constant 5 : i32
    %dma_start3A_58 = arith.constant 0 : i32
    %dma_start3A_59 = tpu.memref_slice %arg6[%dma_start3A_57, %dma_start3A_58] : memref<80x128xi32, #tpu.memory_space<vmem>> -> memref<1x128xi32, #tpu.memory_space<vmem>>
    %dma_start3A_60 = tpu.memref_squeeze %dma_start3A_59 : memref<1x128xi32, #tpu.memory_space<vmem>> -> memref<128xi32, #tpu.memory_space<vmem>>
    %dma_start3A_61 = arith.constant 0 : i32
    %dma_start3A_62 = arith.constant 0 : i32
    %dma_start3A_63 = tpu.memref_slice %arg9[%dma_start3A_61, %dma_start3A_62] : memref<10240x128xf32, #tpu.memory_space<vmem_shared>> -> memref<10240x128xf32, #tpu.memory_space<vmem_shared>>
    tpu.enqueue_indirect_dma source(%arg7 : memref<128x128xf32, #tpu.memory_space<vmem>>) target(%dma_start3A_63 : memref<10240x128xf32, #tpu.memory_space<vmem_shared>>) offsets(%dma_start3A_60 : memref<128xi32, #tpu.memory_space<vmem>>) semaphore(%arg10 : memref<!tpu.dma_semaphore, #tpu.memory_space<semaphore_mem>>) {add = true}
    %dma_start3A_64 = arith.constant 6 : i32
    %dma_start3A_65 = arith.constant 0 : i32
    %dma_start3A_66 = tpu.memref_slice %arg6[%dma_start3A_64, %dma_start3A_65] : memref<80x128xi32, #tpu.memory_space<vmem>> -> memref<1x128xi32, #tpu.memory_space<vmem>>
    %dma_start3A_67 = tpu.memref_squeeze %dma_start3A_66 : memref<1x128xi32, #tpu.memory_space<vmem>> -> memref<128xi32, #tpu.memory_space<vmem>>
    %dma_start3A_68 = arith.constant 0 : i32
    %dma_start3A_69 = arith.constant 0 : i32
    %dma_start3A_70 = tpu.memref_slice %arg9[%dma_start3A_68, %dma_start3A_69] : memref<10240x128xf32, #tpu.memory_space<vmem_shared>> -> memref<10240x128xf32, #tpu.memory_space<vmem_shared>>
    tpu.enqueue_indirect_dma source(%arg7 : memref<128x128xf32, #tpu.memory_space<vmem>>) target(%dma_start3A_70 : memref<10240x128xf32, #tpu.memory_space<vmem_shared>>) offsets(%dma_start3A_67 : memref<128xi32, #tpu.memory_space<vmem>>) semaphore(%arg10 : memref<!tpu.dma_semaphore, #tpu.memory_space<semaphore_mem>>) {add = true}
    %dma_start3A_71 = arith.constant 7 : i32
    %dma_start3A_72 = arith.constant 0 : i32
    %dma_start3A_73 = tpu.memref_slice %arg6[%dma_start3A_71, %dma_start3A_72] : memref<80x128xi32, #tpu.memory_space<vmem>> -> memref<1x128xi32, #tpu.memory_space<vmem>>
    %dma_start3A_74 = tpu.memref_squeeze %dma_start3A_73 : memref<1x128xi32, #tpu.memory_space<vmem>> -> memref<128xi32, #tpu.memory_space<vmem>>
    %dma_start3A_75 = arith.constant 0 : i32
    %dma_start3A_76 = arith.constant 0 : i32
    %dma_start3A_77 = tpu.memref_slice %arg9[%dma_start3A_75, %dma_start3A_76] : memref<10240x128xf32, #tpu.memory_space<vmem_shared>> -> memref<10240x128xf32, #tpu.memory_space<vmem_shared>>
    tpu.enqueue_indirect_dma source(%arg7 : memref<128x128xf32, #tpu.memory_space<vmem>>) target(%dma_start3A_77 : memref<10240x128xf32, #tpu.memory_space<vmem_shared>>) offsets(%dma_start3A_74 : memref<128xi32, #tpu.memory_space<vmem>>) semaphore(%arg10 : memref<!tpu.dma_semaphore, #tpu.memory_space<semaphore_mem>>) {add = true}
    %scan3A = arith.constant 0 : i32
    %scan3A_78 = arith.constant 0 : i32
    %scan3A_79 = arith.constant 80 : i32
    %scan3A_80 = arith.addi %scan3A_78, %scan3A_79 : i32
    %scan3A_81 = arith.constant 1 : i32
    scf.for %scan3A_104 = %scan3A_78 to %scan3A_80 step %scan3A_81  : i32 {
      %dma_wait3A = arith.constant 0 : i32
      %dma_wait3A_105 = tpu.memref_slice %arg6[%scan3A_104, %dma_wait3A] : memref<80x128xi32, #tpu.memory_space<vmem>> -> memref<1x128xi32, #tpu.memory_space<vmem>>
      %dma_wait3A_106 = tpu.memref_squeeze %dma_wait3A_105 : memref<1x128xi32, #tpu.memory_space<vmem>> -> memref<128xi32, #tpu.memory_space<vmem>>
      %dma_wait3A_107 = arith.constant 0 : i32
      %dma_wait3A_108 = arith.constant 0 : i32
      %dma_wait3A_109 = tpu.memref_slice %arg9[%dma_wait3A_107, %dma_wait3A_108] : memref<10240x128xf32, #tpu.memory_space<vmem_shared>> -> memref<10240x128xf32, #tpu.memory_space<vmem_shared>>
      tpu.wait_indirect_dma semaphore(%arg10 : memref<!tpu.dma_semaphore, #tpu.memory_space<semaphore_mem>>) src(%arg7 : memref<128x128xf32, #tpu.memory_space<vmem>>) dst(%dma_wait3A_109 : memref<10240x128xf32, #tpu.memory_space<vmem_shared>>)
      %add3A_110 = arith.constant 8 : i32
      %add3A_111 = arith.addi %scan3A_104, %add3A_110 : i32
      %min3A = arith.constant 79 : i32
      %min3A_112 = arith.minsi %add3A_111, %min3A : i32
      %add3A_113 = arith.constant 8 : i32
      %add3A_114 = arith.addi %scan3A_104, %add3A_113 : i32
      %lt3A = arith.constant 80 : i32
      %lt3A_115 = arith.cmpi slt, %add3A_114, %lt3A : i32
      %convert_element_type3A = arith.extui %lt3A_115 : i1 to i32
      %cond3A = arith.constant 0 : i32
      %cond3A_116 = arith.cmpi ne, %convert_element_type3A, %cond3A : i32
      scf.if %cond3A_116 {
        %dma_start3A_117 = arith.constant 0 : i32
        %dma_start3A_118 = tpu.memref_slice %arg6[%min3A_112, %dma_start3A_117] : memref<80x128xi32, #tpu.memory_space<vmem>> -> memref<1x128xi32, #tpu.memory_space<vmem>>
        %dma_start3A_119 = tpu.memref_squeeze %dma_start3A_118 : memref<1x128xi32, #tpu.memory_space<vmem>> -> memref<128xi32, #tpu.memory_space<vmem>>
        %dma_start3A_120 = arith.constant 0 : i32
        %dma_start3A_121 = arith.constant 0 : i32
        %dma_start3A_122 = tpu.memref_slice %arg9[%dma_start3A_120, %dma_start3A_121] : memref<10240x128xf32, #tpu.memory_space<vmem_shared>> -> memref<10240x128xf32, #tpu.memory_space<vmem_shared>>
        tpu.enqueue_indirect_dma source(%arg7 : memref<128x128xf32, #tpu.memory_space<vmem>>) target(%dma_start3A_122 : memref<10240x128xf32, #tpu.memory_space<vmem_shared>>) offsets(%dma_start3A_119 : memref<128xi32, #tpu.memory_space<vmem>>) semaphore(%arg10 : memref<!tpu.dma_semaphore, #tpu.memory_space<semaphore_mem>>) {add = true}
      } else {
      }
    }
    %scan3A_82 = arith.constant 80 : i32
    %barrier3A_83 = arith.constant 0 : index
    tpu.barrier barrier_id(%barrier3A_83)
    %mul3A_84 = arith.constant 640 : i32
    %mul3A_85 = arith.muli %arg1, %mul3A_84 : i32
    %add3A_86 = arith.constant 0 : i32
    %add3A_87 = arith.addi %mul3A_85, %add3A_86 : i32
    "tpu.region"() ({
      %run_scoped3A = tpu.sem_alloc : memref<!tpu.dma_semaphore, #tpu.memory_space<semaphore_mem>>
      %dma_start3A_104 = arith.constant 0 : i32
      %dma_start3A_105 = tpu.memref_slice %arg9[%add3A_87, %dma_start3A_104] : memref<10240x128xf32, #tpu.memory_space<vmem_shared>> -> memref<128x128xf32, #tpu.memory_space<vmem_shared>>
      %dma_start3A_106 = arith.constant 0 : i32
      %dma_start3A_107 = tpu.memref_slice %arg9[%add3A_87, %dma_start3A_106] : memref<10240x128xf32, #tpu.memory_space<vmem_shared>> -> memref<128x128xf32, #tpu.memory_space<vmem_shared>>
      tpu.enqueue_dma source(%dma_start3A_107 : memref<128x128xf32, #tpu.memory_space<vmem_shared>>) target(%arg8 : memref<128x128xf32, #tpu.memory_space<vmem>>) target_semaphore(%run_scoped3A : memref<!tpu.dma_semaphore, #tpu.memory_space<semaphore_mem>>)
      %dma_wait3A = arith.constant 0 : i32
      %dma_wait3A_108 = tpu.memref_slice %arg9[%add3A_87, %dma_wait3A] : memref<10240x128xf32, #tpu.memory_space<vmem_shared>> -> memref<128x128xf32, #tpu.memory_space<vmem_shared>>
      %dma_wait3A_109 = arith.constant 0 : i32
      %dma_wait3A_110 = tpu.memref_slice %arg9[%add3A_87, %dma_wait3A_109] : memref<10240x128xf32, #tpu.memory_space<vmem_shared>> -> memref<128x128xf32, #tpu.memory_space<vmem_shared>>
      tpu.wait_dma2 semaphore(%run_scoped3A : memref<!tpu.dma_semaphore, #tpu.memory_space<semaphore_mem>>) src(%dma_wait3A_110 : memref<128x128xf32, #tpu.memory_space<vmem_shared>>) dst(%arg8 : memref<128x128xf32, #tpu.memory_space<vmem>>)
      tpu.yield
    }) : () -> ()
    "tpu.region"() ({
      %run_scoped3A = tpu.sem_alloc : memref<!tpu.dma_semaphore, #tpu.memory_space<semaphore_mem>>
      %dma_start3A_104 = arith.constant 0 : i32
      %dma_start3A_105 = tpu.memref_slice %arg5[%arg0, %add3A_87, %dma_start3A_104] : memref<2x10240x128xf32, #tpu.memory_space<hbm>> -> memref<1x128x128xf32, #tpu.memory_space<hbm>>
      %dma_start3A_106 = tpu.memref_squeeze %dma_start3A_105 : memref<1x128x128xf32, #tpu.memory_space<hbm>> -> memref<128x128xf32, #tpu.memory_space<hbm>>
      %dma_start3A_107 = arith.constant 0 : i32
      %dma_start3A_108 = tpu.memref_slice %arg5[%arg0, %add3A_87, %dma_start3A_107] : memref<2x10240x128xf32, #tpu.memory_space<hbm>> -> memref<1x128x128xf32, #tpu.memory_space<hbm>>
      %dma_start3A_109 = tpu.memref_squeeze %dma_start3A_108 : memref<1x128x128xf32, #tpu.memory_space<hbm>> -> memref<128x128xf32, #tpu.memory_space<hbm>>
      tpu.enqueue_dma source(%arg8 : memref<128x128xf32, #tpu.memory_space<vmem>>) target(%dma_start3A_109 : memref<128x128xf32, #tpu.memory_space<hbm>>) target_semaphore(%run_scoped3A : memref<!tpu.dma_semaphore, #tpu.memory_space<semaphore_mem>>)
      %dma_wait3A = arith.constant 0 : i32
      %dma_wait3A_110 = tpu.memref_slice %arg5[%arg0, %add3A_87, %dma_wait3A] : memref<2x10240x128xf32, #tpu.memory_space<hbm>> -> memref<1x128x128xf32, #tpu.memory_space<hbm>>
      %dma_wait3A_111 = tpu.memref_squeeze %dma_wait3A_110 : memref<1x128x128xf32, #tpu.memory_space<hbm>> -> memref<128x128xf32, #tpu.memory_space<hbm>>
      %dma_wait3A_112 = arith.constant 0 : i32
      %dma_wait3A_113 = tpu.memref_slice %arg5[%arg0, %add3A_87, %dma_wait3A_112] : memref<2x10240x128xf32, #tpu.memory_space<hbm>> -> memref<1x128x128xf32, #tpu.memory_space<hbm>>
      %dma_wait3A_114 = tpu.memref_squeeze %dma_wait3A_113 : memref<1x128x128xf32, #tpu.memory_space<hbm>> -> memref<128x128xf32, #tpu.memory_space<hbm>>
      tpu.wait_dma2 semaphore(%run_scoped3A : memref<!tpu.dma_semaphore, #tpu.memory_space<semaphore_mem>>) src(%arg8 : memref<128x128xf32, #tpu.memory_space<vmem>>) dst(%dma_wait3A_114 : memref<128x128xf32, #tpu.memory_space<hbm>>)
      tpu.yield
    }) : () -> ()
    %mul3A_88 = arith.constant 640 : i32
    %mul3A_89 = arith.muli %arg1, %mul3A_88 : i32
    %add3A_90 = arith.constant 128 : i32
    %add3A_91 = arith.addi %mul3A_89, %add3A_90 : i32
    "tpu.region"() ({
      %run_scoped3A = tpu.sem_alloc : memref<!tpu.dma_semaphore, #tpu.memory_space<semaphore_mem>>
      %dma_start3A_104 = arith.constant 0 : i32
      %dma_start3A_105 = tpu.memref_slice %arg9[%add3A_91, %dma_start3A_104] : memref<10240x128xf32, #tpu.memory_space<vmem_shared>> -> memref<128x128xf32, #tpu.memory_space<vmem_shared>>
      %dma_start3A_106 = arith.constant 0 : i32
      %dma_start3A_107 = tpu.memref_slice %arg9[%add3A_91, %dma_start3A_106] : memref<10240x128xf32, #tpu.memory_space<vmem_shared>> -> memref<128x128xf32, #tpu.memory_space<vmem_shared>>
      tpu.enqueue_dma source(%dma_start3A_107 : memref<128x128xf32, #tpu.memory_space<vmem_shared>>) target(%arg8 : memref<128x128xf32, #tpu.memory_space<vmem>>) target_semaphore(%run_scoped3A : memref<!tpu.dma_semaphore, #tpu.memory_space<semaphore_mem>>)
      %dma_wait3A = arith.constant 0 : i32
      %dma_wait3A_108 = tpu.memref_slice %arg9[%add3A_91, %dma_wait3A] : memref<10240x128xf32, #tpu.memory_space<vmem_shared>> -> memref<128x128xf32, #tpu.memory_space<vmem_shared>>
      %dma_wait3A_109 = arith.constant 0 : i32
      %dma_wait3A_110 = tpu.memref_slice %arg9[%add3A_91, %dma_wait3A_109] : memref<10240x128xf32, #tpu.memory_space<vmem_shared>> -> memref<128x128xf32, #tpu.memory_space<vmem_shared>>
      tpu.wait_dma2 semaphore(%run_scoped3A : memref<!tpu.dma_semaphore, #tpu.memory_space<semaphore_mem>>) src(%dma_wait3A_110 : memref<128x128xf32, #tpu.memory_space<vmem_shared>>) dst(%arg8 : memref<128x128xf32, #tpu.memory_space<vmem>>)
      tpu.yield
    }) : () -> ()
    "tpu.region"() ({
      %run_scoped3A = tpu.sem_alloc : memref<!tpu.dma_semaphore, #tpu.memory_space<semaphore_mem>>
      %dma_start3A_104 = arith.constant 0 : i32
      %dma_start3A_105 = tpu.memref_slice %arg5[%arg0, %add3A_91, %dma_start3A_104] : memref<2x10240x128xf32, #tpu.memory_space<hbm>> -> memref<1x128x128xf32, #tpu.memory_space<hbm>>
      %dma_start3A_106 = tpu.memref_squeeze %dma_start3A_105 : memref<1x128x128xf32, #tpu.memory_space<hbm>> -> memref<128x128xf32, #tpu.memory_space<hbm>>
      %dma_start3A_107 = arith.constant 0 : i32
      %dma_start3A_108 = tpu.memref_slice %arg5[%arg0, %add3A_91, %dma_start3A_107] : memref<2x10240x128xf32, #tpu.memory_space<hbm>> -> memref<1x128x128xf32, #tpu.memory_space<hbm>>
      %dma_start3A_109 = tpu.memref_squeeze %dma_start3A_108 : memref<1x128x128xf32, #tpu.memory_space<hbm>> -> memref<128x128xf32, #tpu.memory_space<hbm>>
      tpu.enqueue_dma source(%arg8 : memref<128x128xf32, #tpu.memory_space<vmem>>) target(%dma_start3A_109 : memref<128x128xf32, #tpu.memory_space<hbm>>) target_semaphore(%run_scoped3A : memref<!tpu.dma_semaphore, #tpu.memory_space<semaphore_mem>>)
      %dma_wait3A = arith.constant 0 : i32
      %dma_wait3A_110 = tpu.memref_slice %arg5[%arg0, %add3A_91, %dma_wait3A] : memref<2x10240x128xf32, #tpu.memory_space<hbm>> -> memref<1x128x128xf32, #tpu.memory_space<hbm>>
      %dma_wait3A_111 = tpu.memref_squeeze %dma_wait3A_110 : memref<1x128x128xf32, #tpu.memory_space<hbm>> -> memref<128x128xf32, #tpu.memory_space<hbm>>
      %dma_wait3A_112 = arith.constant 0 : i32
      %dma_wait3A_113 = tpu.memref_slice %arg5[%arg0, %add3A_91, %dma_wait3A_112] : memref<2x10240x128xf32, #tpu.memory_space<hbm>> -> memref<1x128x128xf32, #tpu.memory_space<hbm>>
      %dma_wait3A_114 = tpu.memref_squeeze %dma_wait3A_113 : memref<1x128x128xf32, #tpu.memory_space<hbm>> -> memref<128x128xf32, #tpu.memory_space<hbm>>
      tpu.wait_dma2 semaphore(%run_scoped3A : memref<!tpu.dma_semaphore, #tpu.memory_space<semaphore_mem>>) src(%arg8 : memref<128x128xf32, #tpu.memory_space<vmem>>) dst(%dma_wait3A_114 : memref<128x128xf32, #tpu.memory_space<hbm>>)
      tpu.yield
    }) : () -> ()
    %mul3A_92 = arith.constant 640 : i32
    %mul3A_93 = arith.muli %arg1, %mul3A_92 : i32
    %add3A_94 = arith.constant 256 : i32
    %add3A_95 = arith.addi %mul3A_93, %add3A_94 : i32
    "tpu.region"() ({
      %run_scoped3A = tpu.sem_alloc : memref<!tpu.dma_semaphore, #tpu.memory_space<semaphore_mem>>
      %dma_start3A_104 = arith.constant 0 : i32
      %dma_start3A_105 = tpu.memref_slice %arg9[%add3A_95, %dma_start3A_104] : memref<10240x128xf32, #tpu.memory_space<vmem_shared>> -> memref<128x128xf32, #tpu.memory_space<vmem_shared>>
      %dma_start3A_106 = arith.constant 0 : i32
      %dma_start3A_107 = tpu.memref_slice %arg9[%add3A_95, %dma_start3A_106] : memref<10240x128xf32, #tpu.memory_space<vmem_shared>> -> memref<128x128xf32, #tpu.memory_space<vmem_shared>>
      tpu.enqueue_dma source(%dma_start3A_107 : memref<128x128xf32, #tpu.memory_space<vmem_shared>>) target(%arg8 : memref<128x128xf32, #tpu.memory_space<vmem>>) target_semaphore(%run_scoped3A : memref<!tpu.dma_semaphore, #tpu.memory_space<semaphore_mem>>)
      %dma_wait3A = arith.constant 0 : i32
      %dma_wait3A_108 = tpu.memref_slice %arg9[%add3A_95, %dma_wait3A] : memref<10240x128xf32, #tpu.memory_space<vmem_shared>> -> memref<128x128xf32, #tpu.memory_space<vmem_shared>>
      %dma_wait3A_109 = arith.constant 0 : i32
      %dma_wait3A_110 = tpu.memref_slice %arg9[%add3A_95, %dma_wait3A_109] : memref<10240x128xf32, #tpu.memory_space<vmem_shared>> -> memref<128x128xf32, #tpu.memory_space<vmem_shared>>
      tpu.wait_dma2 semaphore(%run_scoped3A : memref<!tpu.dma_semaphore, #tpu.memory_space<semaphore_mem>>) src(%dma_wait3A_110 : memref<128x128xf32, #tpu.memory_space<vmem_shared>>) dst(%arg8 : memref<128x128xf32, #tpu.memory_space<vmem>>)
      tpu.yield
    }) : () -> ()
    "tpu.region"() ({
      %run_scoped3A = tpu.sem_alloc : memref<!tpu.dma_semaphore, #tpu.memory_space<semaphore_mem>>
      %dma_start3A_104 = arith.constant 0 : i32
      %dma_start3A_105 = tpu.memref_slice %arg5[%arg0, %add3A_95, %dma_start3A_104] : memref<2x10240x128xf32, #tpu.memory_space<hbm>> -> memref<1x128x128xf32, #tpu.memory_space<hbm>>
      %dma_start3A_106 = tpu.memref_squeeze %dma_start3A_105 : memref<1x128x128xf32, #tpu.memory_space<hbm>> -> memref<128x128xf32, #tpu.memory_space<hbm>>
      %dma_start3A_107 = arith.constant 0 : i32
      %dma_start3A_108 = tpu.memref_slice %arg5[%arg0, %add3A_95, %dma_start3A_107] : memref<2x10240x128xf32, #tpu.memory_space<hbm>> -> memref<1x128x128xf32, #tpu.memory_space<hbm>>
      %dma_start3A_109 = tpu.memref_squeeze %dma_start3A_108 : memref<1x128x128xf32, #tpu.memory_space<hbm>> -> memref<128x128xf32, #tpu.memory_space<hbm>>
      tpu.enqueue_dma source(%arg8 : memref<128x128xf32, #tpu.memory_space<vmem>>) target(%dma_start3A_109 : memref<128x128xf32, #tpu.memory_space<hbm>>) target_semaphore(%run_scoped3A : memref<!tpu.dma_semaphore, #tpu.memory_space<semaphore_mem>>)
      %dma_wait3A = arith.constant 0 : i32
      %dma_wait3A_110 = tpu.memref_slice %arg5[%arg0, %add3A_95, %dma_wait3A] : memref<2x10240x128xf32, #tpu.memory_space<hbm>> -> memref<1x128x128xf32, #tpu.memory_space<hbm>>
      %dma_wait3A_111 = tpu.memref_squeeze %dma_wait3A_110 : memref<1x128x128xf32, #tpu.memory_space<hbm>> -> memref<128x128xf32, #tpu.memory_space<hbm>>
      %dma_wait3A_112 = arith.constant 0 : i32
      %dma_wait3A_113 = tpu.memref_slice %arg5[%arg0, %add3A_95, %dma_wait3A_112] : memref<2x10240x128xf32, #tpu.memory_space<hbm>> -> memref<1x128x128xf32, #tpu.memory_space<hbm>>
      %dma_wait3A_114 = tpu.memref_squeeze %dma_wait3A_113 : memref<1x128x128xf32, #tpu.memory_space<hbm>> -> memref<128x128xf32, #tpu.memory_space<hbm>>
      tpu.wait_dma2 semaphore(%run_scoped3A : memref<!tpu.dma_semaphore, #tpu.memory_space<semaphore_mem>>) src(%arg8 : memref<128x128xf32, #tpu.memory_space<vmem>>) dst(%dma_wait3A_114 : memref<128x128xf32, #tpu.memory_space<hbm>>)
      tpu.yield
    }) : () -> ()
    %mul3A_96 = arith.constant 640 : i32
    %mul3A_97 = arith.muli %arg1, %mul3A_96 : i32
    %add3A_98 = arith.constant 384 : i32
    %add3A_99 = arith.addi %mul3A_97, %add3A_98 : i32
    "tpu.region"() ({
      %run_scoped3A = tpu.sem_alloc : memref<!tpu.dma_semaphore, #tpu.memory_space<semaphore_mem>>
      %dma_start3A_104 = arith.constant 0 : i32
      %dma_start3A_105 = tpu.memref_slice %arg9[%add3A_99, %dma_start3A_104] : memref<10240x128xf32, #tpu.memory_space<vmem_shared>> -> memref<128x128xf32, #tpu.memory_space<vmem_shared>>
      %dma_start3A_106 = arith.constant 0 : i32
      %dma_start3A_107 = tpu.memref_slice %arg9[%add3A_99, %dma_start3A_106] : memref<10240x128xf32, #tpu.memory_space<vmem_shared>> -> memref<128x128xf32, #tpu.memory_space<vmem_shared>>
      tpu.enqueue_dma source(%dma_start3A_107 : memref<128x128xf32, #tpu.memory_space<vmem_shared>>) target(%arg8 : memref<128x128xf32, #tpu.memory_space<vmem>>) target_semaphore(%run_scoped3A : memref<!tpu.dma_semaphore, #tpu.memory_space<semaphore_mem>>)
      %dma_wait3A = arith.constant 0 : i32
      %dma_wait3A_108 = tpu.memref_slice %arg9[%add3A_99, %dma_wait3A] : memref<10240x128xf32, #tpu.memory_space<vmem_shared>> -> memref<128x128xf32, #tpu.memory_space<vmem_shared>>
      %dma_wait3A_109 = arith.constant 0 : i32
      %dma_wait3A_110 = tpu.memref_slice %arg9[%add3A_99, %dma_wait3A_109] : memref<10240x128xf32, #tpu.memory_space<vmem_shared>> -> memref<128x128xf32, #tpu.memory_space<vmem_shared>>
      tpu.wait_dma2 semaphore(%run_scoped3A : memref<!tpu.dma_semaphore, #tpu.memory_space<semaphore_mem>>) src(%dma_wait3A_110 : memref<128x128xf32, #tpu.memory_space<vmem_shared>>) dst(%arg8 : memref<128x128xf32, #tpu.memory_space<vmem>>)
      tpu.yield
    }) : () -> ()
    "tpu.region"() ({
      %run_scoped3A = tpu.sem_alloc : memref<!tpu.dma_semaphore, #tpu.memory_space<semaphore_mem>>
      %dma_start3A_104 = arith.constant 0 : i32
      %dma_start3A_105 = tpu.memref_slice %arg5[%arg0, %add3A_99, %dma_start3A_104] : memref<2x10240x128xf32, #tpu.memory_space<hbm>> -> memref<1x128x128xf32, #tpu.memory_space<hbm>>
      %dma_start3A_106 = tpu.memref_squeeze %dma_start3A_105 : memref<1x128x128xf32, #tpu.memory_space<hbm>> -> memref<128x128xf32, #tpu.memory_space<hbm>>
      %dma_start3A_107 = arith.constant 0 : i32
      %dma_start3A_108 = tpu.memref_slice %arg5[%arg0, %add3A_99, %dma_start3A_107] : memref<2x10240x128xf32, #tpu.memory_space<hbm>> -> memref<1x128x128xf32, #tpu.memory_space<hbm>>
      %dma_start3A_109 = tpu.memref_squeeze %dma_start3A_108 : memref<1x128x128xf32, #tpu.memory_space<hbm>> -> memref<128x128xf32, #tpu.memory_space<hbm>>
      tpu.enqueue_dma source(%arg8 : memref<128x128xf32, #tpu.memory_space<vmem>>) target(%dma_start3A_109 : memref<128x128xf32, #tpu.memory_space<hbm>>) target_semaphore(%run_scoped3A : memref<!tpu.dma_semaphore, #tpu.memory_space<semaphore_mem>>)
      %dma_wait3A = arith.constant 0 : i32
      %dma_wait3A_110 = tpu.memref_slice %arg5[%arg0, %add3A_99, %dma_wait3A] : memref<2x10240x128xf32, #tpu.memory_space<hbm>> -> memref<1x128x128xf32, #tpu.memory_space<hbm>>
      %dma_wait3A_111 = tpu.memref_squeeze %dma_wait3A_110 : memref<1x128x128xf32, #tpu.memory_space<hbm>> -> memref<128x128xf32, #tpu.memory_space<hbm>>
      %dma_wait3A_112 = arith.constant 0 : i32
      %dma_wait3A_113 = tpu.memref_slice %arg5[%arg0, %add3A_99, %dma_wait3A_112] : memref<2x10240x128xf32, #tpu.memory_space<hbm>> -> memref<1x128x128xf32, #tpu.memory_space<hbm>>
      %dma_wait3A_114 = tpu.memref_squeeze %dma_wait3A_113 : memref<1x128x128xf32, #tpu.memory_space<hbm>> -> memref<128x128xf32, #tpu.memory_space<hbm>>
      tpu.wait_dma2 semaphore(%run_scoped3A : memref<!tpu.dma_semaphore, #tpu.memory_space<semaphore_mem>>) src(%arg8 : memref<128x128xf32, #tpu.memory_space<vmem>>) dst(%dma_wait3A_114 : memref<128x128xf32, #tpu.memory_space<hbm>>)
      tpu.yield
    }) : () -> ()
    %mul3A_100 = arith.constant 640 : i32
    %mul3A_101 = arith.muli %arg1, %mul3A_100 : i32
    %add3A_102 = arith.constant 512 : i32
    %add3A_103 = arith.addi %mul3A_101, %add3A_102 : i32
    "tpu.region"() ({
      %run_scoped3A = tpu.sem_alloc : memref<!tpu.dma_semaphore, #tpu.memory_space<semaphore_mem>>
      %dma_start3A_104 = arith.constant 0 : i32
      %dma_start3A_105 = tpu.memref_slice %arg9[%add3A_103, %dma_start3A_104] : memref<10240x128xf32, #tpu.memory_space<vmem_shared>> -> memref<128x128xf32, #tpu.memory_space<vmem_shared>>
      %dma_start3A_106 = arith.constant 0 : i32
      %dma_start3A_107 = tpu.memref_slice %arg9[%add3A_103, %dma_start3A_106] : memref<10240x128xf32, #tpu.memory_space<vmem_shared>> -> memref<128x128xf32, #tpu.memory_space<vmem_shared>>
      tpu.enqueue_dma source(%dma_start3A_107 : memref<128x128xf32, #tpu.memory_space<vmem_shared>>) target(%arg8 : memref<128x128xf32, #tpu.memory_space<vmem>>) target_semaphore(%run_scoped3A : memref<!tpu.dma_semaphore, #tpu.memory_space<semaphore_mem>>)
      %dma_wait3A = arith.constant 0 : i32
      %dma_wait3A_108 = tpu.memref_slice %arg9[%add3A_103, %dma_wait3A] : memref<10240x128xf32, #tpu.memory_space<vmem_shared>> -> memref<128x128xf32, #tpu.memory_space<vmem_shared>>
      %dma_wait3A_109 = arith.constant 0 : i32
      %dma_wait3A_110 = tpu.memref_slice %arg9[%add3A_103, %dma_wait3A_109] : memref<10240x128xf32, #tpu.memory_space<vmem_shared>> -> memref<128x128xf32, #tpu.memory_space<vmem_shared>>
      tpu.wait_dma2 semaphore(%run_scoped3A : memref<!tpu.dma_semaphore, #tpu.memory_space<semaphore_mem>>) src(%dma_wait3A_110 : memref<128x128xf32, #tpu.memory_space<vmem_shared>>) dst(%arg8 : memref<128x128xf32, #tpu.memory_space<vmem>>)
      tpu.yield
    }) : () -> ()
    "tpu.region"() ({
      %run_scoped3A = tpu.sem_alloc : memref<!tpu.dma_semaphore, #tpu.memory_space<semaphore_mem>>
      %dma_start3A_104 = arith.constant 0 : i32
      %dma_start3A_105 = tpu.memref_slice %arg5[%arg0, %add3A_103, %dma_start3A_104] : memref<2x10240x128xf32, #tpu.memory_space<hbm>> -> memref<1x128x128xf32, #tpu.memory_space<hbm>>
      %dma_start3A_106 = tpu.memref_squeeze %dma_start3A_105 : memref<1x128x128xf32, #tpu.memory_space<hbm>> -> memref<128x128xf32, #tpu.memory_space<hbm>>
      %dma_start3A_107 = arith.constant 0 : i32
      %dma_start3A_108 = tpu.memref_slice %arg5[%arg0, %add3A_103, %dma_start3A_107] : memref<2x10240x128xf32, #tpu.memory_space<hbm>> -> memref<1x128x128xf32, #tpu.memory_space<hbm>>
      %dma_start3A_109 = tpu.memref_squeeze %dma_start3A_108 : memref<1x128x128xf32, #tpu.memory_space<hbm>> -> memref<128x128xf32, #tpu.memory_space<hbm>>
      tpu.enqueue_dma source(%arg8 : memref<128x128xf32, #tpu.memory_space<vmem>>) target(%dma_start3A_109 : memref<128x128xf32, #tpu.memory_space<hbm>>) target_semaphore(%run_scoped3A : memref<!tpu.dma_semaphore, #tpu.memory_space<semaphore_mem>>)
      %dma_wait3A = arith.constant 0 : i32
      %dma_wait3A_110 = tpu.memref_slice %arg5[%arg0, %add3A_103, %dma_wait3A] : memref<2x10240x128xf32, #tpu.memory_space<hbm>> -> memref<1x128x128xf32, #tpu.memory_space<hbm>>
      %dma_wait3A_111 = tpu.memref_squeeze %dma_wait3A_110 : memref<1x128x128xf32, #tpu.memory_space<hbm>> -> memref<128x128xf32, #tpu.memory_space<hbm>>
      %dma_wait3A_112 = arith.constant 0 : i32
      %dma_wait3A_113 = tpu.memref_slice %arg5[%arg0, %add3A_103, %dma_wait3A_112] : memref<2x10240x128xf32, #tpu.memory_space<hbm>> -> memref<1x128x128xf32, #tpu.memory_space<hbm>>
      %dma_wait3A_114 = tpu.memref_squeeze %dma_wait3A_113 : memref<1x128x128xf32, #tpu.memory_space<hbm>> -> memref<128x128xf32, #tpu.memory_space<hbm>>
      tpu.wait_dma2 semaphore(%run_scoped3A : memref<!tpu.dma_semaphore, #tpu.memory_space<semaphore_mem>>) src(%arg8 : memref<128x128xf32, #tpu.memory_space<vmem>>) dst(%dma_wait3A_114 : memref<128x128xf32, #tpu.memory_space<hbm>>)
      tpu.yield
    }) : () -> ()
    return
  }
}

#map = affine_map<(d0, d1) -> (0, 0)>
#map1 = affine_map<(d0, d1) -> (0, 0, 0)>
module attributes {stable_mosaic.version = 14 : i64} {
  func.func @_aggregate(%arg0: i32, %arg1: i32, %arg2: memref<10240x128xf32, #tpu.memory_space<hbm>>, %arg3: memref<2560x128xi32, #tpu.memory_space<hbm>>, %arg4: memref<2560x128xi32, #tpu.memory_space<hbm>>, %arg5: memref<128x128xf32, #tpu.memory_space<hbm>>, %arg6: memref<2x10240x128xf32, #tpu.memory_space<hbm>>, %arg7: memref<40x128xi32, #tpu.memory_space<vmem>>, %arg8: memref<40x128xi32, #tpu.memory_space<vmem>>, %arg9: memref<128x128xf32, #tpu.memory_space<vmem>>, %arg10: memref<128x128xf32, #tpu.memory_space<vmem>>, %arg11: memref<10240x128xf32, #tpu.memory_space<vmem_shared>>, %arg12: memref<!tpu.dma_semaphore, #tpu.memory_space<semaphore_mem>>, %arg13: memref<!tpu.dma_semaphore, #tpu.memory_space<semaphore_mem>>, %arg14: memref<!tpu.dma_semaphore, #tpu.memory_space<semaphore_mem>>, %arg15: memref<!tpu.dma_semaphore, #tpu.memory_space<semaphore_mem>>) attributes {dimension_semantics = [#tpu.dimension_semantics<core_parallel>, #tpu.dimension_semantics<subcore_parallel>], iteration_bounds = array<i64: 2, 16>, scalar_prefetch = 0 : i64, scratch_operands = 9 : i64, tpu.core_type = #tpu.core_type<sc_vector_subcore>, window_params = [{transform_indices = #map}, {transform_indices = #map}, {transform_indices = #map}, {transform_indices = #map}, {transform_indices = #map1}]} {
    %mul3A = arith.constant 16 : i32
    %mul3A_0 = arith.muli %arg0, %mul3A : i32
    %add3A = arith.addi %mul3A_0, %arg1 : i32
    "tpu.region"() ({
      %run_scoped3A = tpu.sem_alloc : memref<!tpu.dma_semaphore, #tpu.memory_space<semaphore_mem>>
      tpu.enqueue_dma source(%arg5 : memref<128x128xf32, #tpu.memory_space<hbm>>) target(%arg9 : memref<128x128xf32, #tpu.memory_space<vmem>>) target_semaphore(%run_scoped3A : memref<!tpu.dma_semaphore, #tpu.memory_space<semaphore_mem>>)
      tpu.wait_dma2 semaphore(%run_scoped3A : memref<!tpu.dma_semaphore, #tpu.memory_space<semaphore_mem>>) src(%arg5 : memref<128x128xf32, #tpu.memory_space<hbm>>) dst(%arg9 : memref<128x128xf32, #tpu.memory_space<vmem>>)
      tpu.yield
    }) : () -> ()
    %mul3A_1 = arith.constant 640 : i32
    %mul3A_2 = arith.muli %arg1, %mul3A_1 : i32
    %add3A_3 = arith.constant 0 : i32
    %add3A_4 = arith.addi %mul3A_2, %add3A_3 : i32
    "tpu.region"() ({
      %run_scoped3A = tpu.sem_alloc : memref<!tpu.dma_semaphore, #tpu.memory_space<semaphore_mem>>
      %dma_start3A_87 = arith.constant 0 : i32
      %dma_start3A_88 = tpu.memref_slice %arg11[%add3A_4, %dma_start3A_87] : memref<10240x128xf32, #tpu.memory_space<vmem_shared>> -> memref<128x128xf32, #tpu.memory_space<vmem_shared>>
      %dma_start3A_89 = arith.constant 0 : i32
      %dma_start3A_90 = tpu.memref_slice %arg11[%add3A_4, %dma_start3A_89] : memref<10240x128xf32, #tpu.memory_space<vmem_shared>> -> memref<128x128xf32, #tpu.memory_space<vmem_shared>>
      tpu.enqueue_dma source(%arg9 : memref<128x128xf32, #tpu.memory_space<vmem>>) target(%dma_start3A_90 : memref<128x128xf32, #tpu.memory_space<vmem_shared>>) target_semaphore(%run_scoped3A : memref<!tpu.dma_semaphore, #tpu.memory_space<semaphore_mem>>)
      %dma_wait3A_91 = arith.constant 0 : i32
      %dma_wait3A_92 = tpu.memref_slice %arg11[%add3A_4, %dma_wait3A_91] : memref<10240x128xf32, #tpu.memory_space<vmem_shared>> -> memref<128x128xf32, #tpu.memory_space<vmem_shared>>
      %dma_wait3A_93 = arith.constant 0 : i32
      %dma_wait3A_94 = tpu.memref_slice %arg11[%add3A_4, %dma_wait3A_93] : memref<10240x128xf32, #tpu.memory_space<vmem_shared>> -> memref<128x128xf32, #tpu.memory_space<vmem_shared>>
      tpu.wait_dma2 semaphore(%run_scoped3A : memref<!tpu.dma_semaphore, #tpu.memory_space<semaphore_mem>>) src(%arg9 : memref<128x128xf32, #tpu.memory_space<vmem>>) dst(%dma_wait3A_94 : memref<128x128xf32, #tpu.memory_space<vmem_shared>>)
      tpu.yield
    }) : () -> ()
    %mul3A_5 = arith.constant 640 : i32
    %mul3A_6 = arith.muli %arg1, %mul3A_5 : i32
    %add3A_7 = arith.constant 128 : i32
    %add3A_8 = arith.addi %mul3A_6, %add3A_7 : i32
    "tpu.region"() ({
      %run_scoped3A = tpu.sem_alloc : memref<!tpu.dma_semaphore, #tpu.memory_space<semaphore_mem>>
      %dma_start3A_87 = arith.constant 0 : i32
      %dma_start3A_88 = tpu.memref_slice %arg11[%add3A_8, %dma_start3A_87] : memref<10240x128xf32, #tpu.memory_space<vmem_shared>> -> memref<128x128xf32, #tpu.memory_space<vmem_shared>>
      %dma_start3A_89 = arith.constant 0 : i32
      %dma_start3A_90 = tpu.memref_slice %arg11[%add3A_8, %dma_start3A_89] : memref<10240x128xf32, #tpu.memory_space<vmem_shared>> -> memref<128x128xf32, #tpu.memory_space<vmem_shared>>
      tpu.enqueue_dma source(%arg9 : memref<128x128xf32, #tpu.memory_space<vmem>>) target(%dma_start3A_90 : memref<128x128xf32, #tpu.memory_space<vmem_shared>>) target_semaphore(%run_scoped3A : memref<!tpu.dma_semaphore, #tpu.memory_space<semaphore_mem>>)
      %dma_wait3A_91 = arith.constant 0 : i32
      %dma_wait3A_92 = tpu.memref_slice %arg11[%add3A_8, %dma_wait3A_91] : memref<10240x128xf32, #tpu.memory_space<vmem_shared>> -> memref<128x128xf32, #tpu.memory_space<vmem_shared>>
      %dma_wait3A_93 = arith.constant 0 : i32
      %dma_wait3A_94 = tpu.memref_slice %arg11[%add3A_8, %dma_wait3A_93] : memref<10240x128xf32, #tpu.memory_space<vmem_shared>> -> memref<128x128xf32, #tpu.memory_space<vmem_shared>>
      tpu.wait_dma2 semaphore(%run_scoped3A : memref<!tpu.dma_semaphore, #tpu.memory_space<semaphore_mem>>) src(%arg9 : memref<128x128xf32, #tpu.memory_space<vmem>>) dst(%dma_wait3A_94 : memref<128x128xf32, #tpu.memory_space<vmem_shared>>)
      tpu.yield
    }) : () -> ()
    %mul3A_9 = arith.constant 640 : i32
    %mul3A_10 = arith.muli %arg1, %mul3A_9 : i32
    %add3A_11 = arith.constant 256 : i32
    %add3A_12 = arith.addi %mul3A_10, %add3A_11 : i32
    "tpu.region"() ({
      %run_scoped3A = tpu.sem_alloc : memref<!tpu.dma_semaphore, #tpu.memory_space<semaphore_mem>>
      %dma_start3A_87 = arith.constant 0 : i32
      %dma_start3A_88 = tpu.memref_slice %arg11[%add3A_12, %dma_start3A_87] : memref<10240x128xf32, #tpu.memory_space<vmem_shared>> -> memref<128x128xf32, #tpu.memory_space<vmem_shared>>
      %dma_start3A_89 = arith.constant 0 : i32
      %dma_start3A_90 = tpu.memref_slice %arg11[%add3A_12, %dma_start3A_89] : memref<10240x128xf32, #tpu.memory_space<vmem_shared>> -> memref<128x128xf32, #tpu.memory_space<vmem_shared>>
      tpu.enqueue_dma source(%arg9 : memref<128x128xf32, #tpu.memory_space<vmem>>) target(%dma_start3A_90 : memref<128x128xf32, #tpu.memory_space<vmem_shared>>) target_semaphore(%run_scoped3A : memref<!tpu.dma_semaphore, #tpu.memory_space<semaphore_mem>>)
      %dma_wait3A_91 = arith.constant 0 : i32
      %dma_wait3A_92 = tpu.memref_slice %arg11[%add3A_12, %dma_wait3A_91] : memref<10240x128xf32, #tpu.memory_space<vmem_shared>> -> memref<128x128xf32, #tpu.memory_space<vmem_shared>>
      %dma_wait3A_93 = arith.constant 0 : i32
      %dma_wait3A_94 = tpu.memref_slice %arg11[%add3A_12, %dma_wait3A_93] : memref<10240x128xf32, #tpu.memory_space<vmem_shared>> -> memref<128x128xf32, #tpu.memory_space<vmem_shared>>
      tpu.wait_dma2 semaphore(%run_scoped3A : memref<!tpu.dma_semaphore, #tpu.memory_space<semaphore_mem>>) src(%arg9 : memref<128x128xf32, #tpu.memory_space<vmem>>) dst(%dma_wait3A_94 : memref<128x128xf32, #tpu.memory_space<vmem_shared>>)
      tpu.yield
    }) : () -> ()
    %mul3A_13 = arith.constant 640 : i32
    %mul3A_14 = arith.muli %arg1, %mul3A_13 : i32
    %add3A_15 = arith.constant 384 : i32
    %add3A_16 = arith.addi %mul3A_14, %add3A_15 : i32
    "tpu.region"() ({
      %run_scoped3A = tpu.sem_alloc : memref<!tpu.dma_semaphore, #tpu.memory_space<semaphore_mem>>
      %dma_start3A_87 = arith.constant 0 : i32
      %dma_start3A_88 = tpu.memref_slice %arg11[%add3A_16, %dma_start3A_87] : memref<10240x128xf32, #tpu.memory_space<vmem_shared>> -> memref<128x128xf32, #tpu.memory_space<vmem_shared>>
      %dma_start3A_89 = arith.constant 0 : i32
      %dma_start3A_90 = tpu.memref_slice %arg11[%add3A_16, %dma_start3A_89] : memref<10240x128xf32, #tpu.memory_space<vmem_shared>> -> memref<128x128xf32, #tpu.memory_space<vmem_shared>>
      tpu.enqueue_dma source(%arg9 : memref<128x128xf32, #tpu.memory_space<vmem>>) target(%dma_start3A_90 : memref<128x128xf32, #tpu.memory_space<vmem_shared>>) target_semaphore(%run_scoped3A : memref<!tpu.dma_semaphore, #tpu.memory_space<semaphore_mem>>)
      %dma_wait3A_91 = arith.constant 0 : i32
      %dma_wait3A_92 = tpu.memref_slice %arg11[%add3A_16, %dma_wait3A_91] : memref<10240x128xf32, #tpu.memory_space<vmem_shared>> -> memref<128x128xf32, #tpu.memory_space<vmem_shared>>
      %dma_wait3A_93 = arith.constant 0 : i32
      %dma_wait3A_94 = tpu.memref_slice %arg11[%add3A_16, %dma_wait3A_93] : memref<10240x128xf32, #tpu.memory_space<vmem_shared>> -> memref<128x128xf32, #tpu.memory_space<vmem_shared>>
      tpu.wait_dma2 semaphore(%run_scoped3A : memref<!tpu.dma_semaphore, #tpu.memory_space<semaphore_mem>>) src(%arg9 : memref<128x128xf32, #tpu.memory_space<vmem>>) dst(%dma_wait3A_94 : memref<128x128xf32, #tpu.memory_space<vmem_shared>>)
      tpu.yield
    }) : () -> ()
    %mul3A_17 = arith.constant 640 : i32
    %mul3A_18 = arith.muli %arg1, %mul3A_17 : i32
    %add3A_19 = arith.constant 512 : i32
    %add3A_20 = arith.addi %mul3A_18, %add3A_19 : i32
    "tpu.region"() ({
      %run_scoped3A = tpu.sem_alloc : memref<!tpu.dma_semaphore, #tpu.memory_space<semaphore_mem>>
      %dma_start3A_87 = arith.constant 0 : i32
      %dma_start3A_88 = tpu.memref_slice %arg11[%add3A_20, %dma_start3A_87] : memref<10240x128xf32, #tpu.memory_space<vmem_shared>> -> memref<128x128xf32, #tpu.memory_space<vmem_shared>>
      %dma_start3A_89 = arith.constant 0 : i32
      %dma_start3A_90 = tpu.memref_slice %arg11[%add3A_20, %dma_start3A_89] : memref<10240x128xf32, #tpu.memory_space<vmem_shared>> -> memref<128x128xf32, #tpu.memory_space<vmem_shared>>
      tpu.enqueue_dma source(%arg9 : memref<128x128xf32, #tpu.memory_space<vmem>>) target(%dma_start3A_90 : memref<128x128xf32, #tpu.memory_space<vmem_shared>>) target_semaphore(%run_scoped3A : memref<!tpu.dma_semaphore, #tpu.memory_space<semaphore_mem>>)
      %dma_wait3A_91 = arith.constant 0 : i32
      %dma_wait3A_92 = tpu.memref_slice %arg11[%add3A_20, %dma_wait3A_91] : memref<10240x128xf32, #tpu.memory_space<vmem_shared>> -> memref<128x128xf32, #tpu.memory_space<vmem_shared>>
      %dma_wait3A_93 = arith.constant 0 : i32
      %dma_wait3A_94 = tpu.memref_slice %arg11[%add3A_20, %dma_wait3A_93] : memref<10240x128xf32, #tpu.memory_space<vmem_shared>> -> memref<128x128xf32, #tpu.memory_space<vmem_shared>>
      tpu.wait_dma2 semaphore(%run_scoped3A : memref<!tpu.dma_semaphore, #tpu.memory_space<semaphore_mem>>) src(%arg9 : memref<128x128xf32, #tpu.memory_space<vmem>>) dst(%dma_wait3A_94 : memref<128x128xf32, #tpu.memory_space<vmem_shared>>)
      tpu.yield
    }) : () -> ()
    %barrier3A = arith.constant 0 : index
    tpu.barrier barrier_id(%barrier3A)
    %mul3A_21 = arith.constant 80 : i32
    %mul3A_22 = arith.muli %add3A, %mul3A_21 : i32
    %add3A_23 = arith.constant 0 : i32
    %add3A_24 = arith.addi %mul3A_22, %add3A_23 : i32
    "tpu.region"() ({
      %run_scoped3A = tpu.sem_alloc : memref<!tpu.dma_semaphore, #tpu.memory_space<semaphore_mem>>
      %dma_start3A_87 = arith.constant 0 : i32
      %dma_start3A_88 = tpu.memref_slice %arg3[%add3A_24, %dma_start3A_87] : memref<2560x128xi32, #tpu.memory_space<hbm>> -> memref<40x128xi32, #tpu.memory_space<hbm>>
      %dma_start3A_89 = arith.constant 0 : i32
      %dma_start3A_90 = tpu.memref_slice %arg3[%add3A_24, %dma_start3A_89] : memref<2560x128xi32, #tpu.memory_space<hbm>> -> memref<40x128xi32, #tpu.memory_space<hbm>>
      tpu.enqueue_dma source(%dma_start3A_90 : memref<40x128xi32, #tpu.memory_space<hbm>>) target(%arg7 : memref<40x128xi32, #tpu.memory_space<vmem>>) target_semaphore(%run_scoped3A : memref<!tpu.dma_semaphore, #tpu.memory_space<semaphore_mem>>)
      %dma_wait3A_91 = arith.constant 0 : i32
      %dma_wait3A_92 = tpu.memref_slice %arg3[%add3A_24, %dma_wait3A_91] : memref<2560x128xi32, #tpu.memory_space<hbm>> -> memref<40x128xi32, #tpu.memory_space<hbm>>
      %dma_wait3A_93 = arith.constant 0 : i32
      %dma_wait3A_94 = tpu.memref_slice %arg3[%add3A_24, %dma_wait3A_93] : memref<2560x128xi32, #tpu.memory_space<hbm>> -> memref<40x128xi32, #tpu.memory_space<hbm>>
      tpu.wait_dma2 semaphore(%run_scoped3A : memref<!tpu.dma_semaphore, #tpu.memory_space<semaphore_mem>>) src(%dma_wait3A_94 : memref<40x128xi32, #tpu.memory_space<hbm>>) dst(%arg7 : memref<40x128xi32, #tpu.memory_space<vmem>>)
      tpu.yield
    }) : () -> ()
    "tpu.region"() ({
      %run_scoped3A = tpu.sem_alloc : memref<!tpu.dma_semaphore, #tpu.memory_space<semaphore_mem>>
      %dma_start3A_87 = arith.constant 0 : i32
      %dma_start3A_88 = tpu.memref_slice %arg4[%add3A_24, %dma_start3A_87] : memref<2560x128xi32, #tpu.memory_space<hbm>> -> memref<40x128xi32, #tpu.memory_space<hbm>>
      %dma_start3A_89 = arith.constant 0 : i32
      %dma_start3A_90 = tpu.memref_slice %arg4[%add3A_24, %dma_start3A_89] : memref<2560x128xi32, #tpu.memory_space<hbm>> -> memref<40x128xi32, #tpu.memory_space<hbm>>
      tpu.enqueue_dma source(%dma_start3A_90 : memref<40x128xi32, #tpu.memory_space<hbm>>) target(%arg8 : memref<40x128xi32, #tpu.memory_space<vmem>>) target_semaphore(%run_scoped3A : memref<!tpu.dma_semaphore, #tpu.memory_space<semaphore_mem>>)
      %dma_wait3A_91 = arith.constant 0 : i32
      %dma_wait3A_92 = tpu.memref_slice %arg4[%add3A_24, %dma_wait3A_91] : memref<2560x128xi32, #tpu.memory_space<hbm>> -> memref<40x128xi32, #tpu.memory_space<hbm>>
      %dma_wait3A_93 = arith.constant 0 : i32
      %dma_wait3A_94 = tpu.memref_slice %arg4[%add3A_24, %dma_wait3A_93] : memref<2560x128xi32, #tpu.memory_space<hbm>> -> memref<40x128xi32, #tpu.memory_space<hbm>>
      tpu.wait_dma2 semaphore(%run_scoped3A : memref<!tpu.dma_semaphore, #tpu.memory_space<semaphore_mem>>) src(%dma_wait3A_94 : memref<40x128xi32, #tpu.memory_space<hbm>>) dst(%arg8 : memref<40x128xi32, #tpu.memory_space<vmem>>)
      tpu.yield
    }) : () -> ()
    %dma_start3A = arith.constant 0 : i32
    %dma_start3A_25 = arith.constant 0 : i32
    %dma_start3A_26 = tpu.memref_slice %arg7[%dma_start3A, %dma_start3A_25] : memref<40x128xi32, #tpu.memory_space<vmem>> -> memref<1x128xi32, #tpu.memory_space<vmem>>
    %dma_start3A_27 = tpu.memref_squeeze %dma_start3A_26 : memref<1x128xi32, #tpu.memory_space<vmem>> -> memref<128xi32, #tpu.memory_space<vmem>>
    %dma_start3A_28 = arith.constant 0 : i32
    %dma_start3A_29 = arith.constant 0 : i32
    %dma_start3A_30 = tpu.memref_slice %arg2[%dma_start3A_28, %dma_start3A_29] : memref<10240x128xf32, #tpu.memory_space<hbm>> -> memref<10240x128xf32, #tpu.memory_space<hbm>>
    tpu.enqueue_indirect_dma source(%dma_start3A_30 : memref<10240x128xf32, #tpu.memory_space<hbm>>) target(%arg9 : memref<128x128xf32, #tpu.memory_space<vmem>>) offsets(%dma_start3A_27 : memref<128xi32, #tpu.memory_space<vmem>>) semaphore(%arg12 : memref<!tpu.dma_semaphore, #tpu.memory_space<semaphore_mem>>)
    %scan3A = arith.constant 0 : i32
    %scan3A_31 = arith.constant 0 : i32
    %scan3A_32 = arith.constant 20 : i32
    %scan3A_33 = arith.addi %scan3A_31, %scan3A_32 : i32
    %scan3A_34 = arith.constant 1 : i32
    scf.for %scan3A_87 = %scan3A_31 to %scan3A_33 step %scan3A_34  : i32 {
      %mul3A_88 = arith.constant 2 : i32
      %mul3A_89 = arith.muli %mul3A_88, %scan3A_87 : i32
      %mul3A_90 = arith.constant 2 : i32
      %mul3A_91 = arith.muli %mul3A_90, %scan3A_87 : i32
      %add3A_92 = arith.constant 1 : i32
      %add3A_93 = arith.addi %mul3A_91, %add3A_92 : i32
      %mul3A_94 = arith.constant 2 : i32
      %mul3A_95 = arith.muli %mul3A_94, %scan3A_87 : i32
      %add3A_96 = arith.constant 2 : i32
      %add3A_97 = arith.addi %mul3A_95, %add3A_96 : i32
      %min3A = arith.constant 39 : i32
      %min3A_98 = arith.minsi %add3A_97, %min3A : i32
      %dma_wait3A_99 = arith.constant 0 : i32
      %dma_wait3A_100 = tpu.memref_slice %arg7[%mul3A_89, %dma_wait3A_99] : memref<40x128xi32, #tpu.memory_space<vmem>> -> memref<1x128xi32, #tpu.memory_space<vmem>>
      %dma_wait3A_101 = tpu.memref_squeeze %dma_wait3A_100 : memref<1x128xi32, #tpu.memory_space<vmem>> -> memref<128xi32, #tpu.memory_space<vmem>>
      %dma_wait3A_102 = arith.constant 0 : i32
      %dma_wait3A_103 = arith.constant 0 : i32
      %dma_wait3A_104 = tpu.memref_slice %arg2[%dma_wait3A_102, %dma_wait3A_103] : memref<10240x128xf32, #tpu.memory_space<hbm>> -> memref<10240x128xf32, #tpu.memory_space<hbm>>
      tpu.wait_indirect_dma semaphore(%arg12 : memref<!tpu.dma_semaphore, #tpu.memory_space<semaphore_mem>>) src(%dma_wait3A_104 : memref<10240x128xf32, #tpu.memory_space<hbm>>) dst(%arg9 : memref<128x128xf32, #tpu.memory_space<vmem>>)
      %dma_start3A_105 = arith.constant 0 : i32
      %dma_start3A_106 = tpu.memref_slice %arg8[%mul3A_89, %dma_start3A_105] : memref<40x128xi32, #tpu.memory_space<vmem>> -> memref<1x128xi32, #tpu.memory_space<vmem>>
      %dma_start3A_107 = tpu.memref_squeeze %dma_start3A_106 : memref<1x128xi32, #tpu.memory_space<vmem>> -> memref<128xi32, #tpu.memory_space<vmem>>
      %dma_start3A_108 = arith.constant 0 : i32
      %dma_start3A_109 = arith.constant 0 : i32
      %dma_start3A_110 = tpu.memref_slice %arg11[%dma_start3A_108, %dma_start3A_109] : memref<10240x128xf32, #tpu.memory_space<vmem_shared>> -> memref<10240x128xf32, #tpu.memory_space<vmem_shared>>
      tpu.enqueue_indirect_dma source(%arg9 : memref<128x128xf32, #tpu.memory_space<vmem>>) target(%dma_start3A_110 : memref<10240x128xf32, #tpu.memory_space<vmem_shared>>) offsets(%dma_start3A_107 : memref<128xi32, #tpu.memory_space<vmem>>) semaphore(%arg14 : memref<!tpu.dma_semaphore, #tpu.memory_space<semaphore_mem>>) {add = true}
      %dma_start3A_111 = arith.constant 0 : i32
      %dma_start3A_112 = tpu.memref_slice %arg7[%add3A_93, %dma_start3A_111] : memref<40x128xi32, #tpu.memory_space<vmem>> -> memref<1x128xi32, #tpu.memory_space<vmem>>
      %dma_start3A_113 = tpu.memref_squeeze %dma_start3A_112 : memref<1x128xi32, #tpu.memory_space<vmem>> -> memref<128xi32, #tpu.memory_space<vmem>>
      %dma_start3A_114 = arith.constant 0 : i32
      %dma_start3A_115 = arith.constant 0 : i32
      %dma_start3A_116 = tpu.memref_slice %arg2[%dma_start3A_114, %dma_start3A_115] : memref<10240x128xf32, #tpu.memory_space<hbm>> -> memref<10240x128xf32, #tpu.memory_space<hbm>>
      tpu.enqueue_indirect_dma source(%dma_start3A_116 : memref<10240x128xf32, #tpu.memory_space<hbm>>) target(%arg10 : memref<128x128xf32, #tpu.memory_space<vmem>>) offsets(%dma_start3A_113 : memref<128xi32, #tpu.memory_space<vmem>>) semaphore(%arg13 : memref<!tpu.dma_semaphore, #tpu.memory_space<semaphore_mem>>)
      %dma_wait3A_117 = arith.constant 0 : i32
      %dma_wait3A_118 = tpu.memref_slice %arg7[%add3A_93, %dma_wait3A_117] : memref<40x128xi32, #tpu.memory_space<vmem>> -> memref<1x128xi32, #tpu.memory_space<vmem>>
      %dma_wait3A_119 = tpu.memref_squeeze %dma_wait3A_118 : memref<1x128xi32, #tpu.memory_space<vmem>> -> memref<128xi32, #tpu.memory_space<vmem>>
      %dma_wait3A_120 = arith.constant 0 : i32
      %dma_wait3A_121 = arith.constant 0 : i32
      %dma_wait3A_122 = tpu.memref_slice %arg2[%dma_wait3A_120, %dma_wait3A_121] : memref<10240x128xf32, #tpu.memory_space<hbm>> -> memref<10240x128xf32, #tpu.memory_space<hbm>>
      tpu.wait_indirect_dma semaphore(%arg13 : memref<!tpu.dma_semaphore, #tpu.memory_space<semaphore_mem>>) src(%dma_wait3A_122 : memref<10240x128xf32, #tpu.memory_space<hbm>>) dst(%arg10 : memref<128x128xf32, #tpu.memory_space<vmem>>)
      %dma_start3A_123 = arith.constant 0 : i32
      %dma_start3A_124 = tpu.memref_slice %arg8[%add3A_93, %dma_start3A_123] : memref<40x128xi32, #tpu.memory_space<vmem>> -> memref<1x128xi32, #tpu.memory_space<vmem>>
      %dma_start3A_125 = tpu.memref_squeeze %dma_start3A_124 : memref<1x128xi32, #tpu.memory_space<vmem>> -> memref<128xi32, #tpu.memory_space<vmem>>
      %dma_start3A_126 = arith.constant 0 : i32
      %dma_start3A_127 = arith.constant 0 : i32
      %dma_start3A_128 = tpu.memref_slice %arg11[%dma_start3A_126, %dma_start3A_127] : memref<10240x128xf32, #tpu.memory_space<vmem_shared>> -> memref<10240x128xf32, #tpu.memory_space<vmem_shared>>
      tpu.enqueue_indirect_dma source(%arg10 : memref<128x128xf32, #tpu.memory_space<vmem>>) target(%dma_start3A_128 : memref<10240x128xf32, #tpu.memory_space<vmem_shared>>) offsets(%dma_start3A_125 : memref<128xi32, #tpu.memory_space<vmem>>) semaphore(%arg15 : memref<!tpu.dma_semaphore, #tpu.memory_space<semaphore_mem>>) {add = true}
      %dma_wait3A_129 = arith.constant 0 : i32
      %dma_wait3A_130 = tpu.memref_slice %arg8[%mul3A_89, %dma_wait3A_129] : memref<40x128xi32, #tpu.memory_space<vmem>> -> memref<1x128xi32, #tpu.memory_space<vmem>>
      %dma_wait3A_131 = tpu.memref_squeeze %dma_wait3A_130 : memref<1x128xi32, #tpu.memory_space<vmem>> -> memref<128xi32, #tpu.memory_space<vmem>>
      %dma_wait3A_132 = arith.constant 0 : i32
      %dma_wait3A_133 = arith.constant 0 : i32
      %dma_wait3A_134 = tpu.memref_slice %arg11[%dma_wait3A_132, %dma_wait3A_133] : memref<10240x128xf32, #tpu.memory_space<vmem_shared>> -> memref<10240x128xf32, #tpu.memory_space<vmem_shared>>
      tpu.wait_indirect_dma semaphore(%arg14 : memref<!tpu.dma_semaphore, #tpu.memory_space<semaphore_mem>>) src(%arg9 : memref<128x128xf32, #tpu.memory_space<vmem>>) dst(%dma_wait3A_134 : memref<10240x128xf32, #tpu.memory_space<vmem_shared>>)
      %dma_start3A_135 = arith.constant 0 : i32
      %dma_start3A_136 = tpu.memref_slice %arg7[%min3A_98, %dma_start3A_135] : memref<40x128xi32, #tpu.memory_space<vmem>> -> memref<1x128xi32, #tpu.memory_space<vmem>>
      %dma_start3A_137 = tpu.memref_squeeze %dma_start3A_136 : memref<1x128xi32, #tpu.memory_space<vmem>> -> memref<128xi32, #tpu.memory_space<vmem>>
      %dma_start3A_138 = arith.constant 0 : i32
      %dma_start3A_139 = arith.constant 0 : i32
      %dma_start3A_140 = tpu.memref_slice %arg2[%dma_start3A_138, %dma_start3A_139] : memref<10240x128xf32, #tpu.memory_space<hbm>> -> memref<10240x128xf32, #tpu.memory_space<hbm>>
      tpu.enqueue_indirect_dma source(%dma_start3A_140 : memref<10240x128xf32, #tpu.memory_space<hbm>>) target(%arg9 : memref<128x128xf32, #tpu.memory_space<vmem>>) offsets(%dma_start3A_137 : memref<128xi32, #tpu.memory_space<vmem>>) semaphore(%arg12 : memref<!tpu.dma_semaphore, #tpu.memory_space<semaphore_mem>>)
      %dma_wait3A_141 = arith.constant 0 : i32
      %dma_wait3A_142 = tpu.memref_slice %arg8[%add3A_93, %dma_wait3A_141] : memref<40x128xi32, #tpu.memory_space<vmem>> -> memref<1x128xi32, #tpu.memory_space<vmem>>
      %dma_wait3A_143 = tpu.memref_squeeze %dma_wait3A_142 : memref<1x128xi32, #tpu.memory_space<vmem>> -> memref<128xi32, #tpu.memory_space<vmem>>
      %dma_wait3A_144 = arith.constant 0 : i32
      %dma_wait3A_145 = arith.constant 0 : i32
      %dma_wait3A_146 = tpu.memref_slice %arg11[%dma_wait3A_144, %dma_wait3A_145] : memref<10240x128xf32, #tpu.memory_space<vmem_shared>> -> memref<10240x128xf32, #tpu.memory_space<vmem_shared>>
      tpu.wait_indirect_dma semaphore(%arg15 : memref<!tpu.dma_semaphore, #tpu.memory_space<semaphore_mem>>) src(%arg10 : memref<128x128xf32, #tpu.memory_space<vmem>>) dst(%dma_wait3A_146 : memref<10240x128xf32, #tpu.memory_space<vmem_shared>>)
    }
    %scan3A_35 = arith.constant 20 : i32
    %dma_wait3A = arith.constant 39 : i32
    %dma_wait3A_36 = arith.constant 0 : i32
    %dma_wait3A_37 = tpu.memref_slice %arg7[%dma_wait3A, %dma_wait3A_36] : memref<40x128xi32, #tpu.memory_space<vmem>> -> memref<1x128xi32, #tpu.memory_space<vmem>>
    %dma_wait3A_38 = tpu.memref_squeeze %dma_wait3A_37 : memref<1x128xi32, #tpu.memory_space<vmem>> -> memref<128xi32, #tpu.memory_space<vmem>>
    %dma_wait3A_39 = arith.constant 0 : i32
    %dma_wait3A_40 = arith.constant 0 : i32
    %dma_wait3A_41 = tpu.memref_slice %arg2[%dma_wait3A_39, %dma_wait3A_40] : memref<10240x128xf32, #tpu.memory_space<hbm>> -> memref<10240x128xf32, #tpu.memory_space<hbm>>
    tpu.wait_indirect_dma semaphore(%arg12 : memref<!tpu.dma_semaphore, #tpu.memory_space<semaphore_mem>>) src(%dma_wait3A_41 : memref<10240x128xf32, #tpu.memory_space<hbm>>) dst(%arg9 : memref<128x128xf32, #tpu.memory_space<vmem>>)
    %mul3A_42 = arith.constant 80 : i32
    %mul3A_43 = arith.muli %add3A, %mul3A_42 : i32
    %add3A_44 = arith.constant 40 : i32
    %add3A_45 = arith.addi %mul3A_43, %add3A_44 : i32
    "tpu.region"() ({
      %run_scoped3A = tpu.sem_alloc : memref<!tpu.dma_semaphore, #tpu.memory_space<semaphore_mem>>
      %dma_start3A_87 = arith.constant 0 : i32
      %dma_start3A_88 = tpu.memref_slice %arg3[%add3A_45, %dma_start3A_87] : memref<2560x128xi32, #tpu.memory_space<hbm>> -> memref<40x128xi32, #tpu.memory_space<hbm>>
      %dma_start3A_89 = arith.constant 0 : i32
      %dma_start3A_90 = tpu.memref_slice %arg3[%add3A_45, %dma_start3A_89] : memref<2560x128xi32, #tpu.memory_space<hbm>> -> memref<40x128xi32, #tpu.memory_space<hbm>>
      tpu.enqueue_dma source(%dma_start3A_90 : memref<40x128xi32, #tpu.memory_space<hbm>>) target(%arg7 : memref<40x128xi32, #tpu.memory_space<vmem>>) target_semaphore(%run_scoped3A : memref<!tpu.dma_semaphore, #tpu.memory_space<semaphore_mem>>)
      %dma_wait3A_91 = arith.constant 0 : i32
      %dma_wait3A_92 = tpu.memref_slice %arg3[%add3A_45, %dma_wait3A_91] : memref<2560x128xi32, #tpu.memory_space<hbm>> -> memref<40x128xi32, #tpu.memory_space<hbm>>
      %dma_wait3A_93 = arith.constant 0 : i32
      %dma_wait3A_94 = tpu.memref_slice %arg3[%add3A_45, %dma_wait3A_93] : memref<2560x128xi32, #tpu.memory_space<hbm>> -> memref<40x128xi32, #tpu.memory_space<hbm>>
      tpu.wait_dma2 semaphore(%run_scoped3A : memref<!tpu.dma_semaphore, #tpu.memory_space<semaphore_mem>>) src(%dma_wait3A_94 : memref<40x128xi32, #tpu.memory_space<hbm>>) dst(%arg7 : memref<40x128xi32, #tpu.memory_space<vmem>>)
      tpu.yield
    }) : () -> ()
    "tpu.region"() ({
      %run_scoped3A = tpu.sem_alloc : memref<!tpu.dma_semaphore, #tpu.memory_space<semaphore_mem>>
      %dma_start3A_87 = arith.constant 0 : i32
      %dma_start3A_88 = tpu.memref_slice %arg4[%add3A_45, %dma_start3A_87] : memref<2560x128xi32, #tpu.memory_space<hbm>> -> memref<40x128xi32, #tpu.memory_space<hbm>>
      %dma_start3A_89 = arith.constant 0 : i32
      %dma_start3A_90 = tpu.memref_slice %arg4[%add3A_45, %dma_start3A_89] : memref<2560x128xi32, #tpu.memory_space<hbm>> -> memref<40x128xi32, #tpu.memory_space<hbm>>
      tpu.enqueue_dma source(%dma_start3A_90 : memref<40x128xi32, #tpu.memory_space<hbm>>) target(%arg8 : memref<40x128xi32, #tpu.memory_space<vmem>>) target_semaphore(%run_scoped3A : memref<!tpu.dma_semaphore, #tpu.memory_space<semaphore_mem>>)
      %dma_wait3A_91 = arith.constant 0 : i32
      %dma_wait3A_92 = tpu.memref_slice %arg4[%add3A_45, %dma_wait3A_91] : memref<2560x128xi32, #tpu.memory_space<hbm>> -> memref<40x128xi32, #tpu.memory_space<hbm>>
      %dma_wait3A_93 = arith.constant 0 : i32
      %dma_wait3A_94 = tpu.memref_slice %arg4[%add3A_45, %dma_wait3A_93] : memref<2560x128xi32, #tpu.memory_space<hbm>> -> memref<40x128xi32, #tpu.memory_space<hbm>>
      tpu.wait_dma2 semaphore(%run_scoped3A : memref<!tpu.dma_semaphore, #tpu.memory_space<semaphore_mem>>) src(%dma_wait3A_94 : memref<40x128xi32, #tpu.memory_space<hbm>>) dst(%arg8 : memref<40x128xi32, #tpu.memory_space<vmem>>)
      tpu.yield
    }) : () -> ()
    %dma_start3A_46 = arith.constant 0 : i32
    %dma_start3A_47 = arith.constant 0 : i32
    %dma_start3A_48 = tpu.memref_slice %arg7[%dma_start3A_46, %dma_start3A_47] : memref<40x128xi32, #tpu.memory_space<vmem>> -> memref<1x128xi32, #tpu.memory_space<vmem>>
    %dma_start3A_49 = tpu.memref_squeeze %dma_start3A_48 : memref<1x128xi32, #tpu.memory_space<vmem>> -> memref<128xi32, #tpu.memory_space<vmem>>
    %dma_start3A_50 = arith.constant 0 : i32
    %dma_start3A_51 = arith.constant 0 : i32
    %dma_start3A_52 = tpu.memref_slice %arg2[%dma_start3A_50, %dma_start3A_51] : memref<10240x128xf32, #tpu.memory_space<hbm>> -> memref<10240x128xf32, #tpu.memory_space<hbm>>
    tpu.enqueue_indirect_dma source(%dma_start3A_52 : memref<10240x128xf32, #tpu.memory_space<hbm>>) target(%arg9 : memref<128x128xf32, #tpu.memory_space<vmem>>) offsets(%dma_start3A_49 : memref<128xi32, #tpu.memory_space<vmem>>) semaphore(%arg12 : memref<!tpu.dma_semaphore, #tpu.memory_space<semaphore_mem>>)
    %scan3A_53 = arith.constant 0 : i32
    %scan3A_54 = arith.constant 0 : i32
    %scan3A_55 = arith.constant 20 : i32
    %scan3A_56 = arith.addi %scan3A_54, %scan3A_55 : i32
    %scan3A_57 = arith.constant 1 : i32
    scf.for %scan3A_87 = %scan3A_54 to %scan3A_56 step %scan3A_57  : i32 {
      %mul3A_88 = arith.constant 2 : i32
      %mul3A_89 = arith.muli %mul3A_88, %scan3A_87 : i32
      %mul3A_90 = arith.constant 2 : i32
      %mul3A_91 = arith.muli %mul3A_90, %scan3A_87 : i32
      %add3A_92 = arith.constant 1 : i32
      %add3A_93 = arith.addi %mul3A_91, %add3A_92 : i32
      %mul3A_94 = arith.constant 2 : i32
      %mul3A_95 = arith.muli %mul3A_94, %scan3A_87 : i32
      %add3A_96 = arith.constant 2 : i32
      %add3A_97 = arith.addi %mul3A_95, %add3A_96 : i32
      %min3A = arith.constant 39 : i32
      %min3A_98 = arith.minsi %add3A_97, %min3A : i32
      %dma_wait3A_99 = arith.constant 0 : i32
      %dma_wait3A_100 = tpu.memref_slice %arg7[%mul3A_89, %dma_wait3A_99] : memref<40x128xi32, #tpu.memory_space<vmem>> -> memref<1x128xi32, #tpu.memory_space<vmem>>
      %dma_wait3A_101 = tpu.memref_squeeze %dma_wait3A_100 : memref<1x128xi32, #tpu.memory_space<vmem>> -> memref<128xi32, #tpu.memory_space<vmem>>
      %dma_wait3A_102 = arith.constant 0 : i32
      %dma_wait3A_103 = arith.constant 0 : i32
      %dma_wait3A_104 = tpu.memref_slice %arg2[%dma_wait3A_102, %dma_wait3A_103] : memref<10240x128xf32, #tpu.memory_space<hbm>> -> memref<10240x128xf32, #tpu.memory_space<hbm>>
      tpu.wait_indirect_dma semaphore(%arg12 : memref<!tpu.dma_semaphore, #tpu.memory_space<semaphore_mem>>) src(%dma_wait3A_104 : memref<10240x128xf32, #tpu.memory_space<hbm>>) dst(%arg9 : memref<128x128xf32, #tpu.memory_space<vmem>>)
      %dma_start3A_105 = arith.constant 0 : i32
      %dma_start3A_106 = tpu.memref_slice %arg8[%mul3A_89, %dma_start3A_105] : memref<40x128xi32, #tpu.memory_space<vmem>> -> memref<1x128xi32, #tpu.memory_space<vmem>>
      %dma_start3A_107 = tpu.memref_squeeze %dma_start3A_106 : memref<1x128xi32, #tpu.memory_space<vmem>> -> memref<128xi32, #tpu.memory_space<vmem>>
      %dma_start3A_108 = arith.constant 0 : i32
      %dma_start3A_109 = arith.constant 0 : i32
      %dma_start3A_110 = tpu.memref_slice %arg11[%dma_start3A_108, %dma_start3A_109] : memref<10240x128xf32, #tpu.memory_space<vmem_shared>> -> memref<10240x128xf32, #tpu.memory_space<vmem_shared>>
      tpu.enqueue_indirect_dma source(%arg9 : memref<128x128xf32, #tpu.memory_space<vmem>>) target(%dma_start3A_110 : memref<10240x128xf32, #tpu.memory_space<vmem_shared>>) offsets(%dma_start3A_107 : memref<128xi32, #tpu.memory_space<vmem>>) semaphore(%arg14 : memref<!tpu.dma_semaphore, #tpu.memory_space<semaphore_mem>>) {add = true}
      %dma_start3A_111 = arith.constant 0 : i32
      %dma_start3A_112 = tpu.memref_slice %arg7[%add3A_93, %dma_start3A_111] : memref<40x128xi32, #tpu.memory_space<vmem>> -> memref<1x128xi32, #tpu.memory_space<vmem>>
      %dma_start3A_113 = tpu.memref_squeeze %dma_start3A_112 : memref<1x128xi32, #tpu.memory_space<vmem>> -> memref<128xi32, #tpu.memory_space<vmem>>
      %dma_start3A_114 = arith.constant 0 : i32
      %dma_start3A_115 = arith.constant 0 : i32
      %dma_start3A_116 = tpu.memref_slice %arg2[%dma_start3A_114, %dma_start3A_115] : memref<10240x128xf32, #tpu.memory_space<hbm>> -> memref<10240x128xf32, #tpu.memory_space<hbm>>
      tpu.enqueue_indirect_dma source(%dma_start3A_116 : memref<10240x128xf32, #tpu.memory_space<hbm>>) target(%arg10 : memref<128x128xf32, #tpu.memory_space<vmem>>) offsets(%dma_start3A_113 : memref<128xi32, #tpu.memory_space<vmem>>) semaphore(%arg13 : memref<!tpu.dma_semaphore, #tpu.memory_space<semaphore_mem>>)
      %dma_wait3A_117 = arith.constant 0 : i32
      %dma_wait3A_118 = tpu.memref_slice %arg7[%add3A_93, %dma_wait3A_117] : memref<40x128xi32, #tpu.memory_space<vmem>> -> memref<1x128xi32, #tpu.memory_space<vmem>>
      %dma_wait3A_119 = tpu.memref_squeeze %dma_wait3A_118 : memref<1x128xi32, #tpu.memory_space<vmem>> -> memref<128xi32, #tpu.memory_space<vmem>>
      %dma_wait3A_120 = arith.constant 0 : i32
      %dma_wait3A_121 = arith.constant 0 : i32
      %dma_wait3A_122 = tpu.memref_slice %arg2[%dma_wait3A_120, %dma_wait3A_121] : memref<10240x128xf32, #tpu.memory_space<hbm>> -> memref<10240x128xf32, #tpu.memory_space<hbm>>
      tpu.wait_indirect_dma semaphore(%arg13 : memref<!tpu.dma_semaphore, #tpu.memory_space<semaphore_mem>>) src(%dma_wait3A_122 : memref<10240x128xf32, #tpu.memory_space<hbm>>) dst(%arg10 : memref<128x128xf32, #tpu.memory_space<vmem>>)
      %dma_start3A_123 = arith.constant 0 : i32
      %dma_start3A_124 = tpu.memref_slice %arg8[%add3A_93, %dma_start3A_123] : memref<40x128xi32, #tpu.memory_space<vmem>> -> memref<1x128xi32, #tpu.memory_space<vmem>>
      %dma_start3A_125 = tpu.memref_squeeze %dma_start3A_124 : memref<1x128xi32, #tpu.memory_space<vmem>> -> memref<128xi32, #tpu.memory_space<vmem>>
      %dma_start3A_126 = arith.constant 0 : i32
      %dma_start3A_127 = arith.constant 0 : i32
      %dma_start3A_128 = tpu.memref_slice %arg11[%dma_start3A_126, %dma_start3A_127] : memref<10240x128xf32, #tpu.memory_space<vmem_shared>> -> memref<10240x128xf32, #tpu.memory_space<vmem_shared>>
      tpu.enqueue_indirect_dma source(%arg10 : memref<128x128xf32, #tpu.memory_space<vmem>>) target(%dma_start3A_128 : memref<10240x128xf32, #tpu.memory_space<vmem_shared>>) offsets(%dma_start3A_125 : memref<128xi32, #tpu.memory_space<vmem>>) semaphore(%arg15 : memref<!tpu.dma_semaphore, #tpu.memory_space<semaphore_mem>>) {add = true}
      %dma_wait3A_129 = arith.constant 0 : i32
      %dma_wait3A_130 = tpu.memref_slice %arg8[%mul3A_89, %dma_wait3A_129] : memref<40x128xi32, #tpu.memory_space<vmem>> -> memref<1x128xi32, #tpu.memory_space<vmem>>
      %dma_wait3A_131 = tpu.memref_squeeze %dma_wait3A_130 : memref<1x128xi32, #tpu.memory_space<vmem>> -> memref<128xi32, #tpu.memory_space<vmem>>
      %dma_wait3A_132 = arith.constant 0 : i32
      %dma_wait3A_133 = arith.constant 0 : i32
      %dma_wait3A_134 = tpu.memref_slice %arg11[%dma_wait3A_132, %dma_wait3A_133] : memref<10240x128xf32, #tpu.memory_space<vmem_shared>> -> memref<10240x128xf32, #tpu.memory_space<vmem_shared>>
      tpu.wait_indirect_dma semaphore(%arg14 : memref<!tpu.dma_semaphore, #tpu.memory_space<semaphore_mem>>) src(%arg9 : memref<128x128xf32, #tpu.memory_space<vmem>>) dst(%dma_wait3A_134 : memref<10240x128xf32, #tpu.memory_space<vmem_shared>>)
      %dma_start3A_135 = arith.constant 0 : i32
      %dma_start3A_136 = tpu.memref_slice %arg7[%min3A_98, %dma_start3A_135] : memref<40x128xi32, #tpu.memory_space<vmem>> -> memref<1x128xi32, #tpu.memory_space<vmem>>
      %dma_start3A_137 = tpu.memref_squeeze %dma_start3A_136 : memref<1x128xi32, #tpu.memory_space<vmem>> -> memref<128xi32, #tpu.memory_space<vmem>>
      %dma_start3A_138 = arith.constant 0 : i32
      %dma_start3A_139 = arith.constant 0 : i32
      %dma_start3A_140 = tpu.memref_slice %arg2[%dma_start3A_138, %dma_start3A_139] : memref<10240x128xf32, #tpu.memory_space<hbm>> -> memref<10240x128xf32, #tpu.memory_space<hbm>>
      tpu.enqueue_indirect_dma source(%dma_start3A_140 : memref<10240x128xf32, #tpu.memory_space<hbm>>) target(%arg9 : memref<128x128xf32, #tpu.memory_space<vmem>>) offsets(%dma_start3A_137 : memref<128xi32, #tpu.memory_space<vmem>>) semaphore(%arg12 : memref<!tpu.dma_semaphore, #tpu.memory_space<semaphore_mem>>)
      %dma_wait3A_141 = arith.constant 0 : i32
      %dma_wait3A_142 = tpu.memref_slice %arg8[%add3A_93, %dma_wait3A_141] : memref<40x128xi32, #tpu.memory_space<vmem>> -> memref<1x128xi32, #tpu.memory_space<vmem>>
      %dma_wait3A_143 = tpu.memref_squeeze %dma_wait3A_142 : memref<1x128xi32, #tpu.memory_space<vmem>> -> memref<128xi32, #tpu.memory_space<vmem>>
      %dma_wait3A_144 = arith.constant 0 : i32
      %dma_wait3A_145 = arith.constant 0 : i32
      %dma_wait3A_146 = tpu.memref_slice %arg11[%dma_wait3A_144, %dma_wait3A_145] : memref<10240x128xf32, #tpu.memory_space<vmem_shared>> -> memref<10240x128xf32, #tpu.memory_space<vmem_shared>>
      tpu.wait_indirect_dma semaphore(%arg15 : memref<!tpu.dma_semaphore, #tpu.memory_space<semaphore_mem>>) src(%arg10 : memref<128x128xf32, #tpu.memory_space<vmem>>) dst(%dma_wait3A_146 : memref<10240x128xf32, #tpu.memory_space<vmem_shared>>)
    }
    %scan3A_58 = arith.constant 20 : i32
    %dma_wait3A_59 = arith.constant 39 : i32
    %dma_wait3A_60 = arith.constant 0 : i32
    %dma_wait3A_61 = tpu.memref_slice %arg7[%dma_wait3A_59, %dma_wait3A_60] : memref<40x128xi32, #tpu.memory_space<vmem>> -> memref<1x128xi32, #tpu.memory_space<vmem>>
    %dma_wait3A_62 = tpu.memref_squeeze %dma_wait3A_61 : memref<1x128xi32, #tpu.memory_space<vmem>> -> memref<128xi32, #tpu.memory_space<vmem>>
    %dma_wait3A_63 = arith.constant 0 : i32
    %dma_wait3A_64 = arith.constant 0 : i32
    %dma_wait3A_65 = tpu.memref_slice %arg2[%dma_wait3A_63, %dma_wait3A_64] : memref<10240x128xf32, #tpu.memory_space<hbm>> -> memref<10240x128xf32, #tpu.memory_space<hbm>>
    tpu.wait_indirect_dma semaphore(%arg12 : memref<!tpu.dma_semaphore, #tpu.memory_space<semaphore_mem>>) src(%dma_wait3A_65 : memref<10240x128xf32, #tpu.memory_space<hbm>>) dst(%arg9 : memref<128x128xf32, #tpu.memory_space<vmem>>)
    %barrier3A_66 = arith.constant 0 : index
    tpu.barrier barrier_id(%barrier3A_66)
    %mul3A_67 = arith.constant 640 : i32
    %mul3A_68 = arith.muli %arg1, %mul3A_67 : i32
    %add3A_69 = arith.constant 0 : i32
    %add3A_70 = arith.addi %mul3A_68, %add3A_69 : i32
    "tpu.region"() ({
      %run_scoped3A = tpu.sem_alloc : memref<!tpu.dma_semaphore, #tpu.memory_space<semaphore_mem>>
      %dma_start3A_87 = arith.constant 0 : i32
      %dma_start3A_88 = tpu.memref_slice %arg11[%add3A_70, %dma_start3A_87] : memref<10240x128xf32, #tpu.memory_space<vmem_shared>> -> memref<128x128xf32, #tpu.memory_space<vmem_shared>>
      %dma_start3A_89 = arith.constant 0 : i32
      %dma_start3A_90 = tpu.memref_slice %arg11[%add3A_70, %dma_start3A_89] : memref<10240x128xf32, #tpu.memory_space<vmem_shared>> -> memref<128x128xf32, #tpu.memory_space<vmem_shared>>
      tpu.enqueue_dma source(%dma_start3A_90 : memref<128x128xf32, #tpu.memory_space<vmem_shared>>) target(%arg9 : memref<128x128xf32, #tpu.memory_space<vmem>>) target_semaphore(%run_scoped3A : memref<!tpu.dma_semaphore, #tpu.memory_space<semaphore_mem>>)
      %dma_wait3A_91 = arith.constant 0 : i32
      %dma_wait3A_92 = tpu.memref_slice %arg11[%add3A_70, %dma_wait3A_91] : memref<10240x128xf32, #tpu.memory_space<vmem_shared>> -> memref<128x128xf32, #tpu.memory_space<vmem_shared>>
      %dma_wait3A_93 = arith.constant 0 : i32
      %dma_wait3A_94 = tpu.memref_slice %arg11[%add3A_70, %dma_wait3A_93] : memref<10240x128xf32, #tpu.memory_space<vmem_shared>> -> memref<128x128xf32, #tpu.memory_space<vmem_shared>>
      tpu.wait_dma2 semaphore(%run_scoped3A : memref<!tpu.dma_semaphore, #tpu.memory_space<semaphore_mem>>) src(%dma_wait3A_94 : memref<128x128xf32, #tpu.memory_space<vmem_shared>>) dst(%arg9 : memref<128x128xf32, #tpu.memory_space<vmem>>)
      tpu.yield
    }) : () -> ()
    "tpu.region"() ({
      %run_scoped3A = tpu.sem_alloc : memref<!tpu.dma_semaphore, #tpu.memory_space<semaphore_mem>>
      %dma_start3A_87 = arith.constant 0 : i32
      %dma_start3A_88 = tpu.memref_slice %arg6[%arg0, %add3A_70, %dma_start3A_87] : memref<2x10240x128xf32, #tpu.memory_space<hbm>> -> memref<1x128x128xf32, #tpu.memory_space<hbm>>
      %dma_start3A_89 = tpu.memref_squeeze %dma_start3A_88 : memref<1x128x128xf32, #tpu.memory_space<hbm>> -> memref<128x128xf32, #tpu.memory_space<hbm>>
      %dma_start3A_90 = arith.constant 0 : i32
      %dma_start3A_91 = tpu.memref_slice %arg6[%arg0, %add3A_70, %dma_start3A_90] : memref<2x10240x128xf32, #tpu.memory_space<hbm>> -> memref<1x128x128xf32, #tpu.memory_space<hbm>>
      %dma_start3A_92 = tpu.memref_squeeze %dma_start3A_91 : memref<1x128x128xf32, #tpu.memory_space<hbm>> -> memref<128x128xf32, #tpu.memory_space<hbm>>
      tpu.enqueue_dma source(%arg9 : memref<128x128xf32, #tpu.memory_space<vmem>>) target(%dma_start3A_92 : memref<128x128xf32, #tpu.memory_space<hbm>>) target_semaphore(%run_scoped3A : memref<!tpu.dma_semaphore, #tpu.memory_space<semaphore_mem>>)
      %dma_wait3A_93 = arith.constant 0 : i32
      %dma_wait3A_94 = tpu.memref_slice %arg6[%arg0, %add3A_70, %dma_wait3A_93] : memref<2x10240x128xf32, #tpu.memory_space<hbm>> -> memref<1x128x128xf32, #tpu.memory_space<hbm>>
      %dma_wait3A_95 = tpu.memref_squeeze %dma_wait3A_94 : memref<1x128x128xf32, #tpu.memory_space<hbm>> -> memref<128x128xf32, #tpu.memory_space<hbm>>
      %dma_wait3A_96 = arith.constant 0 : i32
      %dma_wait3A_97 = tpu.memref_slice %arg6[%arg0, %add3A_70, %dma_wait3A_96] : memref<2x10240x128xf32, #tpu.memory_space<hbm>> -> memref<1x128x128xf32, #tpu.memory_space<hbm>>
      %dma_wait3A_98 = tpu.memref_squeeze %dma_wait3A_97 : memref<1x128x128xf32, #tpu.memory_space<hbm>> -> memref<128x128xf32, #tpu.memory_space<hbm>>
      tpu.wait_dma2 semaphore(%run_scoped3A : memref<!tpu.dma_semaphore, #tpu.memory_space<semaphore_mem>>) src(%arg9 : memref<128x128xf32, #tpu.memory_space<vmem>>) dst(%dma_wait3A_98 : memref<128x128xf32, #tpu.memory_space<hbm>>)
      tpu.yield
    }) : () -> ()
    %mul3A_71 = arith.constant 640 : i32
    %mul3A_72 = arith.muli %arg1, %mul3A_71 : i32
    %add3A_73 = arith.constant 128 : i32
    %add3A_74 = arith.addi %mul3A_72, %add3A_73 : i32
    "tpu.region"() ({
      %run_scoped3A = tpu.sem_alloc : memref<!tpu.dma_semaphore, #tpu.memory_space<semaphore_mem>>
      %dma_start3A_87 = arith.constant 0 : i32
      %dma_start3A_88 = tpu.memref_slice %arg11[%add3A_74, %dma_start3A_87] : memref<10240x128xf32, #tpu.memory_space<vmem_shared>> -> memref<128x128xf32, #tpu.memory_space<vmem_shared>>
      %dma_start3A_89 = arith.constant 0 : i32
      %dma_start3A_90 = tpu.memref_slice %arg11[%add3A_74, %dma_start3A_89] : memref<10240x128xf32, #tpu.memory_space<vmem_shared>> -> memref<128x128xf32, #tpu.memory_space<vmem_shared>>
      tpu.enqueue_dma source(%dma_start3A_90 : memref<128x128xf32, #tpu.memory_space<vmem_shared>>) target(%arg9 : memref<128x128xf32, #tpu.memory_space<vmem>>) target_semaphore(%run_scoped3A : memref<!tpu.dma_semaphore, #tpu.memory_space<semaphore_mem>>)
      %dma_wait3A_91 = arith.constant 0 : i32
      %dma_wait3A_92 = tpu.memref_slice %arg11[%add3A_74, %dma_wait3A_91] : memref<10240x128xf32, #tpu.memory_space<vmem_shared>> -> memref<128x128xf32, #tpu.memory_space<vmem_shared>>
      %dma_wait3A_93 = arith.constant 0 : i32
      %dma_wait3A_94 = tpu.memref_slice %arg11[%add3A_74, %dma_wait3A_93] : memref<10240x128xf32, #tpu.memory_space<vmem_shared>> -> memref<128x128xf32, #tpu.memory_space<vmem_shared>>
      tpu.wait_dma2 semaphore(%run_scoped3A : memref<!tpu.dma_semaphore, #tpu.memory_space<semaphore_mem>>) src(%dma_wait3A_94 : memref<128x128xf32, #tpu.memory_space<vmem_shared>>) dst(%arg9 : memref<128x128xf32, #tpu.memory_space<vmem>>)
      tpu.yield
    }) : () -> ()
    "tpu.region"() ({
      %run_scoped3A = tpu.sem_alloc : memref<!tpu.dma_semaphore, #tpu.memory_space<semaphore_mem>>
      %dma_start3A_87 = arith.constant 0 : i32
      %dma_start3A_88 = tpu.memref_slice %arg6[%arg0, %add3A_74, %dma_start3A_87] : memref<2x10240x128xf32, #tpu.memory_space<hbm>> -> memref<1x128x128xf32, #tpu.memory_space<hbm>>
      %dma_start3A_89 = tpu.memref_squeeze %dma_start3A_88 : memref<1x128x128xf32, #tpu.memory_space<hbm>> -> memref<128x128xf32, #tpu.memory_space<hbm>>
      %dma_start3A_90 = arith.constant 0 : i32
      %dma_start3A_91 = tpu.memref_slice %arg6[%arg0, %add3A_74, %dma_start3A_90] : memref<2x10240x128xf32, #tpu.memory_space<hbm>> -> memref<1x128x128xf32, #tpu.memory_space<hbm>>
      %dma_start3A_92 = tpu.memref_squeeze %dma_start3A_91 : memref<1x128x128xf32, #tpu.memory_space<hbm>> -> memref<128x128xf32, #tpu.memory_space<hbm>>
      tpu.enqueue_dma source(%arg9 : memref<128x128xf32, #tpu.memory_space<vmem>>) target(%dma_start3A_92 : memref<128x128xf32, #tpu.memory_space<hbm>>) target_semaphore(%run_scoped3A : memref<!tpu.dma_semaphore, #tpu.memory_space<semaphore_mem>>)
      %dma_wait3A_93 = arith.constant 0 : i32
      %dma_wait3A_94 = tpu.memref_slice %arg6[%arg0, %add3A_74, %dma_wait3A_93] : memref<2x10240x128xf32, #tpu.memory_space<hbm>> -> memref<1x128x128xf32, #tpu.memory_space<hbm>>
      %dma_wait3A_95 = tpu.memref_squeeze %dma_wait3A_94 : memref<1x128x128xf32, #tpu.memory_space<hbm>> -> memref<128x128xf32, #tpu.memory_space<hbm>>
      %dma_wait3A_96 = arith.constant 0 : i32
      %dma_wait3A_97 = tpu.memref_slice %arg6[%arg0, %add3A_74, %dma_wait3A_96] : memref<2x10240x128xf32, #tpu.memory_space<hbm>> -> memref<1x128x128xf32, #tpu.memory_space<hbm>>
      %dma_wait3A_98 = tpu.memref_squeeze %dma_wait3A_97 : memref<1x128x128xf32, #tpu.memory_space<hbm>> -> memref<128x128xf32, #tpu.memory_space<hbm>>
      tpu.wait_dma2 semaphore(%run_scoped3A : memref<!tpu.dma_semaphore, #tpu.memory_space<semaphore_mem>>) src(%arg9 : memref<128x128xf32, #tpu.memory_space<vmem>>) dst(%dma_wait3A_98 : memref<128x128xf32, #tpu.memory_space<hbm>>)
      tpu.yield
    }) : () -> ()
    %mul3A_75 = arith.constant 640 : i32
    %mul3A_76 = arith.muli %arg1, %mul3A_75 : i32
    %add3A_77 = arith.constant 256 : i32
    %add3A_78 = arith.addi %mul3A_76, %add3A_77 : i32
    "tpu.region"() ({
      %run_scoped3A = tpu.sem_alloc : memref<!tpu.dma_semaphore, #tpu.memory_space<semaphore_mem>>
      %dma_start3A_87 = arith.constant 0 : i32
      %dma_start3A_88 = tpu.memref_slice %arg11[%add3A_78, %dma_start3A_87] : memref<10240x128xf32, #tpu.memory_space<vmem_shared>> -> memref<128x128xf32, #tpu.memory_space<vmem_shared>>
      %dma_start3A_89 = arith.constant 0 : i32
      %dma_start3A_90 = tpu.memref_slice %arg11[%add3A_78, %dma_start3A_89] : memref<10240x128xf32, #tpu.memory_space<vmem_shared>> -> memref<128x128xf32, #tpu.memory_space<vmem_shared>>
      tpu.enqueue_dma source(%dma_start3A_90 : memref<128x128xf32, #tpu.memory_space<vmem_shared>>) target(%arg9 : memref<128x128xf32, #tpu.memory_space<vmem>>) target_semaphore(%run_scoped3A : memref<!tpu.dma_semaphore, #tpu.memory_space<semaphore_mem>>)
      %dma_wait3A_91 = arith.constant 0 : i32
      %dma_wait3A_92 = tpu.memref_slice %arg11[%add3A_78, %dma_wait3A_91] : memref<10240x128xf32, #tpu.memory_space<vmem_shared>> -> memref<128x128xf32, #tpu.memory_space<vmem_shared>>
      %dma_wait3A_93 = arith.constant 0 : i32
      %dma_wait3A_94 = tpu.memref_slice %arg11[%add3A_78, %dma_wait3A_93] : memref<10240x128xf32, #tpu.memory_space<vmem_shared>> -> memref<128x128xf32, #tpu.memory_space<vmem_shared>>
      tpu.wait_dma2 semaphore(%run_scoped3A : memref<!tpu.dma_semaphore, #tpu.memory_space<semaphore_mem>>) src(%dma_wait3A_94 : memref<128x128xf32, #tpu.memory_space<vmem_shared>>) dst(%arg9 : memref<128x128xf32, #tpu.memory_space<vmem>>)
      tpu.yield
    }) : () -> ()
    "tpu.region"() ({
      %run_scoped3A = tpu.sem_alloc : memref<!tpu.dma_semaphore, #tpu.memory_space<semaphore_mem>>
      %dma_start3A_87 = arith.constant 0 : i32
      %dma_start3A_88 = tpu.memref_slice %arg6[%arg0, %add3A_78, %dma_start3A_87] : memref<2x10240x128xf32, #tpu.memory_space<hbm>> -> memref<1x128x128xf32, #tpu.memory_space<hbm>>
      %dma_start3A_89 = tpu.memref_squeeze %dma_start3A_88 : memref<1x128x128xf32, #tpu.memory_space<hbm>> -> memref<128x128xf32, #tpu.memory_space<hbm>>
      %dma_start3A_90 = arith.constant 0 : i32
      %dma_start3A_91 = tpu.memref_slice %arg6[%arg0, %add3A_78, %dma_start3A_90] : memref<2x10240x128xf32, #tpu.memory_space<hbm>> -> memref<1x128x128xf32, #tpu.memory_space<hbm>>
      %dma_start3A_92 = tpu.memref_squeeze %dma_start3A_91 : memref<1x128x128xf32, #tpu.memory_space<hbm>> -> memref<128x128xf32, #tpu.memory_space<hbm>>
      tpu.enqueue_dma source(%arg9 : memref<128x128xf32, #tpu.memory_space<vmem>>) target(%dma_start3A_92 : memref<128x128xf32, #tpu.memory_space<hbm>>) target_semaphore(%run_scoped3A : memref<!tpu.dma_semaphore, #tpu.memory_space<semaphore_mem>>)
      %dma_wait3A_93 = arith.constant 0 : i32
      %dma_wait3A_94 = tpu.memref_slice %arg6[%arg0, %add3A_78, %dma_wait3A_93] : memref<2x10240x128xf32, #tpu.memory_space<hbm>> -> memref<1x128x128xf32, #tpu.memory_space<hbm>>
      %dma_wait3A_95 = tpu.memref_squeeze %dma_wait3A_94 : memref<1x128x128xf32, #tpu.memory_space<hbm>> -> memref<128x128xf32, #tpu.memory_space<hbm>>
      %dma_wait3A_96 = arith.constant 0 : i32
      %dma_wait3A_97 = tpu.memref_slice %arg6[%arg0, %add3A_78, %dma_wait3A_96] : memref<2x10240x128xf32, #tpu.memory_space<hbm>> -> memref<1x128x128xf32, #tpu.memory_space<hbm>>
      %dma_wait3A_98 = tpu.memref_squeeze %dma_wait3A_97 : memref<1x128x128xf32, #tpu.memory_space<hbm>> -> memref<128x128xf32, #tpu.memory_space<hbm>>
      tpu.wait_dma2 semaphore(%run_scoped3A : memref<!tpu.dma_semaphore, #tpu.memory_space<semaphore_mem>>) src(%arg9 : memref<128x128xf32, #tpu.memory_space<vmem>>) dst(%dma_wait3A_98 : memref<128x128xf32, #tpu.memory_space<hbm>>)
      tpu.yield
    }) : () -> ()
    %mul3A_79 = arith.constant 640 : i32
    %mul3A_80 = arith.muli %arg1, %mul3A_79 : i32
    %add3A_81 = arith.constant 384 : i32
    %add3A_82 = arith.addi %mul3A_80, %add3A_81 : i32
    "tpu.region"() ({
      %run_scoped3A = tpu.sem_alloc : memref<!tpu.dma_semaphore, #tpu.memory_space<semaphore_mem>>
      %dma_start3A_87 = arith.constant 0 : i32
      %dma_start3A_88 = tpu.memref_slice %arg11[%add3A_82, %dma_start3A_87] : memref<10240x128xf32, #tpu.memory_space<vmem_shared>> -> memref<128x128xf32, #tpu.memory_space<vmem_shared>>
      %dma_start3A_89 = arith.constant 0 : i32
      %dma_start3A_90 = tpu.memref_slice %arg11[%add3A_82, %dma_start3A_89] : memref<10240x128xf32, #tpu.memory_space<vmem_shared>> -> memref<128x128xf32, #tpu.memory_space<vmem_shared>>
      tpu.enqueue_dma source(%dma_start3A_90 : memref<128x128xf32, #tpu.memory_space<vmem_shared>>) target(%arg9 : memref<128x128xf32, #tpu.memory_space<vmem>>) target_semaphore(%run_scoped3A : memref<!tpu.dma_semaphore, #tpu.memory_space<semaphore_mem>>)
      %dma_wait3A_91 = arith.constant 0 : i32
      %dma_wait3A_92 = tpu.memref_slice %arg11[%add3A_82, %dma_wait3A_91] : memref<10240x128xf32, #tpu.memory_space<vmem_shared>> -> memref<128x128xf32, #tpu.memory_space<vmem_shared>>
      %dma_wait3A_93 = arith.constant 0 : i32
      %dma_wait3A_94 = tpu.memref_slice %arg11[%add3A_82, %dma_wait3A_93] : memref<10240x128xf32, #tpu.memory_space<vmem_shared>> -> memref<128x128xf32, #tpu.memory_space<vmem_shared>>
      tpu.wait_dma2 semaphore(%run_scoped3A : memref<!tpu.dma_semaphore, #tpu.memory_space<semaphore_mem>>) src(%dma_wait3A_94 : memref<128x128xf32, #tpu.memory_space<vmem_shared>>) dst(%arg9 : memref<128x128xf32, #tpu.memory_space<vmem>>)
      tpu.yield
    }) : () -> ()
    "tpu.region"() ({
      %run_scoped3A = tpu.sem_alloc : memref<!tpu.dma_semaphore, #tpu.memory_space<semaphore_mem>>
      %dma_start3A_87 = arith.constant 0 : i32
      %dma_start3A_88 = tpu.memref_slice %arg6[%arg0, %add3A_82, %dma_start3A_87] : memref<2x10240x128xf32, #tpu.memory_space<hbm>> -> memref<1x128x128xf32, #tpu.memory_space<hbm>>
      %dma_start3A_89 = tpu.memref_squeeze %dma_start3A_88 : memref<1x128x128xf32, #tpu.memory_space<hbm>> -> memref<128x128xf32, #tpu.memory_space<hbm>>
      %dma_start3A_90 = arith.constant 0 : i32
      %dma_start3A_91 = tpu.memref_slice %arg6[%arg0, %add3A_82, %dma_start3A_90] : memref<2x10240x128xf32, #tpu.memory_space<hbm>> -> memref<1x128x128xf32, #tpu.memory_space<hbm>>
      %dma_start3A_92 = tpu.memref_squeeze %dma_start3A_91 : memref<1x128x128xf32, #tpu.memory_space<hbm>> -> memref<128x128xf32, #tpu.memory_space<hbm>>
      tpu.enqueue_dma source(%arg9 : memref<128x128xf32, #tpu.memory_space<vmem>>) target(%dma_start3A_92 : memref<128x128xf32, #tpu.memory_space<hbm>>) target_semaphore(%run_scoped3A : memref<!tpu.dma_semaphore, #tpu.memory_space<semaphore_mem>>)
      %dma_wait3A_93 = arith.constant 0 : i32
      %dma_wait3A_94 = tpu.memref_slice %arg6[%arg0, %add3A_82, %dma_wait3A_93] : memref<2x10240x128xf32, #tpu.memory_space<hbm>> -> memref<1x128x128xf32, #tpu.memory_space<hbm>>
      %dma_wait3A_95 = tpu.memref_squeeze %dma_wait3A_94 : memref<1x128x128xf32, #tpu.memory_space<hbm>> -> memref<128x128xf32, #tpu.memory_space<hbm>>
      %dma_wait3A_96 = arith.constant 0 : i32
      %dma_wait3A_97 = tpu.memref_slice %arg6[%arg0, %add3A_82, %dma_wait3A_96] : memref<2x10240x128xf32, #tpu.memory_space<hbm>> -> memref<1x128x128xf32, #tpu.memory_space<hbm>>
      %dma_wait3A_98 = tpu.memref_squeeze %dma_wait3A_97 : memref<1x128x128xf32, #tpu.memory_space<hbm>> -> memref<128x128xf32, #tpu.memory_space<hbm>>
      tpu.wait_dma2 semaphore(%run_scoped3A : memref<!tpu.dma_semaphore, #tpu.memory_space<semaphore_mem>>) src(%arg9 : memref<128x128xf32, #tpu.memory_space<vmem>>) dst(%dma_wait3A_98 : memref<128x128xf32, #tpu.memory_space<hbm>>)
      tpu.yield
    }) : () -> ()
    %mul3A_83 = arith.constant 640 : i32
    %mul3A_84 = arith.muli %arg1, %mul3A_83 : i32
    %add3A_85 = arith.constant 512 : i32
    %add3A_86 = arith.addi %mul3A_84, %add3A_85 : i32
    "tpu.region"() ({
      %run_scoped3A = tpu.sem_alloc : memref<!tpu.dma_semaphore, #tpu.memory_space<semaphore_mem>>
      %dma_start3A_87 = arith.constant 0 : i32
      %dma_start3A_88 = tpu.memref_slice %arg11[%add3A_86, %dma_start3A_87] : memref<10240x128xf32, #tpu.memory_space<vmem_shared>> -> memref<128x128xf32, #tpu.memory_space<vmem_shared>>
      %dma_start3A_89 = arith.constant 0 : i32
      %dma_start3A_90 = tpu.memref_slice %arg11[%add3A_86, %dma_start3A_89] : memref<10240x128xf32, #tpu.memory_space<vmem_shared>> -> memref<128x128xf32, #tpu.memory_space<vmem_shared>>
      tpu.enqueue_dma source(%dma_start3A_90 : memref<128x128xf32, #tpu.memory_space<vmem_shared>>) target(%arg9 : memref<128x128xf32, #tpu.memory_space<vmem>>) target_semaphore(%run_scoped3A : memref<!tpu.dma_semaphore, #tpu.memory_space<semaphore_mem>>)
      %dma_wait3A_91 = arith.constant 0 : i32
      %dma_wait3A_92 = tpu.memref_slice %arg11[%add3A_86, %dma_wait3A_91] : memref<10240x128xf32, #tpu.memory_space<vmem_shared>> -> memref<128x128xf32, #tpu.memory_space<vmem_shared>>
      %dma_wait3A_93 = arith.constant 0 : i32
      %dma_wait3A_94 = tpu.memref_slice %arg11[%add3A_86, %dma_wait3A_93] : memref<10240x128xf32, #tpu.memory_space<vmem_shared>> -> memref<128x128xf32, #tpu.memory_space<vmem_shared>>
      tpu.wait_dma2 semaphore(%run_scoped3A : memref<!tpu.dma_semaphore, #tpu.memory_space<semaphore_mem>>) src(%dma_wait3A_94 : memref<128x128xf32, #tpu.memory_space<vmem_shared>>) dst(%arg9 : memref<128x128xf32, #tpu.memory_space<vmem>>)
      tpu.yield
    }) : () -> ()
    "tpu.region"() ({
      %run_scoped3A = tpu.sem_alloc : memref<!tpu.dma_semaphore, #tpu.memory_space<semaphore_mem>>
      %dma_start3A_87 = arith.constant 0 : i32
      %dma_start3A_88 = tpu.memref_slice %arg6[%arg0, %add3A_86, %dma_start3A_87] : memref<2x10240x128xf32, #tpu.memory_space<hbm>> -> memref<1x128x128xf32, #tpu.memory_space<hbm>>
      %dma_start3A_89 = tpu.memref_squeeze %dma_start3A_88 : memref<1x128x128xf32, #tpu.memory_space<hbm>> -> memref<128x128xf32, #tpu.memory_space<hbm>>
      %dma_start3A_90 = arith.constant 0 : i32
      %dma_start3A_91 = tpu.memref_slice %arg6[%arg0, %add3A_86, %dma_start3A_90] : memref<2x10240x128xf32, #tpu.memory_space<hbm>> -> memref<1x128x128xf32, #tpu.memory_space<hbm>>
      %dma_start3A_92 = tpu.memref_squeeze %dma_start3A_91 : memref<1x128x128xf32, #tpu.memory_space<hbm>> -> memref<128x128xf32, #tpu.memory_space<hbm>>
      tpu.enqueue_dma source(%arg9 : memref<128x128xf32, #tpu.memory_space<vmem>>) target(%dma_start3A_92 : memref<128x128xf32, #tpu.memory_space<hbm>>) target_semaphore(%run_scoped3A : memref<!tpu.dma_semaphore, #tpu.memory_space<semaphore_mem>>)
      %dma_wait3A_93 = arith.constant 0 : i32
      %dma_wait3A_94 = tpu.memref_slice %arg6[%arg0, %add3A_86, %dma_wait3A_93] : memref<2x10240x128xf32, #tpu.memory_space<hbm>> -> memref<1x128x128xf32, #tpu.memory_space<hbm>>
      %dma_wait3A_95 = tpu.memref_squeeze %dma_wait3A_94 : memref<1x128x128xf32, #tpu.memory_space<hbm>> -> memref<128x128xf32, #tpu.memory_space<hbm>>
      %dma_wait3A_96 = arith.constant 0 : i32
      %dma_wait3A_97 = tpu.memref_slice %arg6[%arg0, %add3A_86, %dma_wait3A_96] : memref<2x10240x128xf32, #tpu.memory_space<hbm>> -> memref<1x128x128xf32, #tpu.memory_space<hbm>>
      %dma_wait3A_98 = tpu.memref_squeeze %dma_wait3A_97 : memref<1x128x128xf32, #tpu.memory_space<hbm>> -> memref<128x128xf32, #tpu.memory_space<hbm>>
      tpu.wait_dma2 semaphore(%run_scoped3A : memref<!tpu.dma_semaphore, #tpu.memory_space<semaphore_mem>>) src(%arg9 : memref<128x128xf32, #tpu.memory_space<vmem>>) dst(%dma_wait3A_98 : memref<128x128xf32, #tpu.memory_space<hbm>>)
      tpu.yield
    }) : () -> ()
    return
  }
}

#map = affine_map<(d0, d1) -> (0, 0)>
#map1 = affine_map<(d0, d1) -> (0, 0, 0)>
module attributes {stable_mosaic.version = 14 : i64} {
  func.func @_aggregate(%arg0: i32, %arg1: i32, %arg2: memref<10240x128xf32, #tpu.memory_space<hbm>>, %arg3: memref<2560x128xi32, #tpu.memory_space<hbm>>, %arg4: memref<2560x128xi32, #tpu.memory_space<hbm>>, %arg5: memref<128x128xf32, #tpu.memory_space<hbm>>, %arg6: memref<2x10240x128xf32, #tpu.memory_space<hbm>>, %arg7: memref<40x128xi32, #tpu.memory_space<vmem>>, %arg8: memref<40x128xi32, #tpu.memory_space<vmem>>, %arg9: memref<128x128xf32, #tpu.memory_space<vmem>>, %arg10: memref<128x128xf32, #tpu.memory_space<vmem>>, %arg11: memref<10240x128xf32, #tpu.memory_space<vmem_shared>>, %arg12: memref<!tpu.dma_semaphore, #tpu.memory_space<semaphore_mem>>, %arg13: memref<!tpu.dma_semaphore, #tpu.memory_space<semaphore_mem>>, %arg14: memref<!tpu.dma_semaphore, #tpu.memory_space<semaphore_mem>>, %arg15: memref<!tpu.dma_semaphore, #tpu.memory_space<semaphore_mem>>) attributes {dimension_semantics = [#tpu.dimension_semantics<core_parallel>, #tpu.dimension_semantics<subcore_parallel>], iteration_bounds = array<i64: 2, 16>, scalar_prefetch = 0 : i64, scratch_operands = 9 : i64, tpu.core_type = #tpu.core_type<sc_vector_subcore>, window_params = [{transform_indices = #map}, {transform_indices = #map}, {transform_indices = #map}, {transform_indices = #map}, {transform_indices = #map1}]} {
    %mul3A = arith.constant 16 : i32
    %mul3A_0 = arith.muli %arg0, %mul3A : i32
    %add3A = arith.addi %mul3A_0, %arg1 : i32
    "tpu.region"() ({
      %run_scoped3A = tpu.sem_alloc : memref<!tpu.dma_semaphore, #tpu.memory_space<semaphore_mem>>
      tpu.enqueue_dma source(%arg5 : memref<128x128xf32, #tpu.memory_space<hbm>>) target(%arg9 : memref<128x128xf32, #tpu.memory_space<vmem>>) target_semaphore(%run_scoped3A : memref<!tpu.dma_semaphore, #tpu.memory_space<semaphore_mem>>)
      tpu.wait_dma2 semaphore(%run_scoped3A : memref<!tpu.dma_semaphore, #tpu.memory_space<semaphore_mem>>) src(%arg5 : memref<128x128xf32, #tpu.memory_space<hbm>>) dst(%arg9 : memref<128x128xf32, #tpu.memory_space<vmem>>)
      tpu.yield
    }) : () -> ()
    %mul3A_1 = arith.constant 640 : i32
    %mul3A_2 = arith.muli %arg1, %mul3A_1 : i32
    %add3A_3 = arith.constant 0 : i32
    %add3A_4 = arith.addi %mul3A_2, %add3A_3 : i32
    "tpu.region"() ({
      %run_scoped3A = tpu.sem_alloc : memref<!tpu.dma_semaphore, #tpu.memory_space<semaphore_mem>>
      %dma_start3A_87 = arith.constant 0 : i32
      %dma_start3A_88 = tpu.memref_slice %arg11[%add3A_4, %dma_start3A_87] : memref<10240x128xf32, #tpu.memory_space<vmem_shared>> -> memref<128x128xf32, #tpu.memory_space<vmem_shared>>
      %dma_start3A_89 = arith.constant 0 : i32
      %dma_start3A_90 = tpu.memref_slice %arg11[%add3A_4, %dma_start3A_89] : memref<10240x128xf32, #tpu.memory_space<vmem_shared>> -> memref<128x128xf32, #tpu.memory_space<vmem_shared>>
      tpu.enqueue_dma source(%arg9 : memref<128x128xf32, #tpu.memory_space<vmem>>) target(%dma_start3A_90 : memref<128x128xf32, #tpu.memory_space<vmem_shared>>) target_semaphore(%run_scoped3A : memref<!tpu.dma_semaphore, #tpu.memory_space<semaphore_mem>>)
      %dma_wait3A_91 = arith.constant 0 : i32
      %dma_wait3A_92 = tpu.memref_slice %arg11[%add3A_4, %dma_wait3A_91] : memref<10240x128xf32, #tpu.memory_space<vmem_shared>> -> memref<128x128xf32, #tpu.memory_space<vmem_shared>>
      %dma_wait3A_93 = arith.constant 0 : i32
      %dma_wait3A_94 = tpu.memref_slice %arg11[%add3A_4, %dma_wait3A_93] : memref<10240x128xf32, #tpu.memory_space<vmem_shared>> -> memref<128x128xf32, #tpu.memory_space<vmem_shared>>
      tpu.wait_dma2 semaphore(%run_scoped3A : memref<!tpu.dma_semaphore, #tpu.memory_space<semaphore_mem>>) src(%arg9 : memref<128x128xf32, #tpu.memory_space<vmem>>) dst(%dma_wait3A_94 : memref<128x128xf32, #tpu.memory_space<vmem_shared>>)
      tpu.yield
    }) : () -> ()
    %mul3A_5 = arith.constant 640 : i32
    %mul3A_6 = arith.muli %arg1, %mul3A_5 : i32
    %add3A_7 = arith.constant 128 : i32
    %add3A_8 = arith.addi %mul3A_6, %add3A_7 : i32
    "tpu.region"() ({
      %run_scoped3A = tpu.sem_alloc : memref<!tpu.dma_semaphore, #tpu.memory_space<semaphore_mem>>
      %dma_start3A_87 = arith.constant 0 : i32
      %dma_start3A_88 = tpu.memref_slice %arg11[%add3A_8, %dma_start3A_87] : memref<10240x128xf32, #tpu.memory_space<vmem_shared>> -> memref<128x128xf32, #tpu.memory_space<vmem_shared>>
      %dma_start3A_89 = arith.constant 0 : i32
      %dma_start3A_90 = tpu.memref_slice %arg11[%add3A_8, %dma_start3A_89] : memref<10240x128xf32, #tpu.memory_space<vmem_shared>> -> memref<128x128xf32, #tpu.memory_space<vmem_shared>>
      tpu.enqueue_dma source(%arg9 : memref<128x128xf32, #tpu.memory_space<vmem>>) target(%dma_start3A_90 : memref<128x128xf32, #tpu.memory_space<vmem_shared>>) target_semaphore(%run_scoped3A : memref<!tpu.dma_semaphore, #tpu.memory_space<semaphore_mem>>)
      %dma_wait3A_91 = arith.constant 0 : i32
      %dma_wait3A_92 = tpu.memref_slice %arg11[%add3A_8, %dma_wait3A_91] : memref<10240x128xf32, #tpu.memory_space<vmem_shared>> -> memref<128x128xf32, #tpu.memory_space<vmem_shared>>
      %dma_wait3A_93 = arith.constant 0 : i32
      %dma_wait3A_94 = tpu.memref_slice %arg11[%add3A_8, %dma_wait3A_93] : memref<10240x128xf32, #tpu.memory_space<vmem_shared>> -> memref<128x128xf32, #tpu.memory_space<vmem_shared>>
      tpu.wait_dma2 semaphore(%run_scoped3A : memref<!tpu.dma_semaphore, #tpu.memory_space<semaphore_mem>>) src(%arg9 : memref<128x128xf32, #tpu.memory_space<vmem>>) dst(%dma_wait3A_94 : memref<128x128xf32, #tpu.memory_space<vmem_shared>>)
      tpu.yield
    }) : () -> ()
    %mul3A_9 = arith.constant 640 : i32
    %mul3A_10 = arith.muli %arg1, %mul3A_9 : i32
    %add3A_11 = arith.constant 256 : i32
    %add3A_12 = arith.addi %mul3A_10, %add3A_11 : i32
    "tpu.region"() ({
      %run_scoped3A = tpu.sem_alloc : memref<!tpu.dma_semaphore, #tpu.memory_space<semaphore_mem>>
      %dma_start3A_87 = arith.constant 0 : i32
      %dma_start3A_88 = tpu.memref_slice %arg11[%add3A_12, %dma_start3A_87] : memref<10240x128xf32, #tpu.memory_space<vmem_shared>> -> memref<128x128xf32, #tpu.memory_space<vmem_shared>>
      %dma_start3A_89 = arith.constant 0 : i32
      %dma_start3A_90 = tpu.memref_slice %arg11[%add3A_12, %dma_start3A_89] : memref<10240x128xf32, #tpu.memory_space<vmem_shared>> -> memref<128x128xf32, #tpu.memory_space<vmem_shared>>
      tpu.enqueue_dma source(%arg9 : memref<128x128xf32, #tpu.memory_space<vmem>>) target(%dma_start3A_90 : memref<128x128xf32, #tpu.memory_space<vmem_shared>>) target_semaphore(%run_scoped3A : memref<!tpu.dma_semaphore, #tpu.memory_space<semaphore_mem>>)
      %dma_wait3A_91 = arith.constant 0 : i32
      %dma_wait3A_92 = tpu.memref_slice %arg11[%add3A_12, %dma_wait3A_91] : memref<10240x128xf32, #tpu.memory_space<vmem_shared>> -> memref<128x128xf32, #tpu.memory_space<vmem_shared>>
      %dma_wait3A_93 = arith.constant 0 : i32
      %dma_wait3A_94 = tpu.memref_slice %arg11[%add3A_12, %dma_wait3A_93] : memref<10240x128xf32, #tpu.memory_space<vmem_shared>> -> memref<128x128xf32, #tpu.memory_space<vmem_shared>>
      tpu.wait_dma2 semaphore(%run_scoped3A : memref<!tpu.dma_semaphore, #tpu.memory_space<semaphore_mem>>) src(%arg9 : memref<128x128xf32, #tpu.memory_space<vmem>>) dst(%dma_wait3A_94 : memref<128x128xf32, #tpu.memory_space<vmem_shared>>)
      tpu.yield
    }) : () -> ()
    %mul3A_13 = arith.constant 640 : i32
    %mul3A_14 = arith.muli %arg1, %mul3A_13 : i32
    %add3A_15 = arith.constant 384 : i32
    %add3A_16 = arith.addi %mul3A_14, %add3A_15 : i32
    "tpu.region"() ({
      %run_scoped3A = tpu.sem_alloc : memref<!tpu.dma_semaphore, #tpu.memory_space<semaphore_mem>>
      %dma_start3A_87 = arith.constant 0 : i32
      %dma_start3A_88 = tpu.memref_slice %arg11[%add3A_16, %dma_start3A_87] : memref<10240x128xf32, #tpu.memory_space<vmem_shared>> -> memref<128x128xf32, #tpu.memory_space<vmem_shared>>
      %dma_start3A_89 = arith.constant 0 : i32
      %dma_start3A_90 = tpu.memref_slice %arg11[%add3A_16, %dma_start3A_89] : memref<10240x128xf32, #tpu.memory_space<vmem_shared>> -> memref<128x128xf32, #tpu.memory_space<vmem_shared>>
      tpu.enqueue_dma source(%arg9 : memref<128x128xf32, #tpu.memory_space<vmem>>) target(%dma_start3A_90 : memref<128x128xf32, #tpu.memory_space<vmem_shared>>) target_semaphore(%run_scoped3A : memref<!tpu.dma_semaphore, #tpu.memory_space<semaphore_mem>>)
      %dma_wait3A_91 = arith.constant 0 : i32
      %dma_wait3A_92 = tpu.memref_slice %arg11[%add3A_16, %dma_wait3A_91] : memref<10240x128xf32, #tpu.memory_space<vmem_shared>> -> memref<128x128xf32, #tpu.memory_space<vmem_shared>>
      %dma_wait3A_93 = arith.constant 0 : i32
      %dma_wait3A_94 = tpu.memref_slice %arg11[%add3A_16, %dma_wait3A_93] : memref<10240x128xf32, #tpu.memory_space<vmem_shared>> -> memref<128x128xf32, #tpu.memory_space<vmem_shared>>
      tpu.wait_dma2 semaphore(%run_scoped3A : memref<!tpu.dma_semaphore, #tpu.memory_space<semaphore_mem>>) src(%arg9 : memref<128x128xf32, #tpu.memory_space<vmem>>) dst(%dma_wait3A_94 : memref<128x128xf32, #tpu.memory_space<vmem_shared>>)
      tpu.yield
    }) : () -> ()
    %mul3A_17 = arith.constant 640 : i32
    %mul3A_18 = arith.muli %arg1, %mul3A_17 : i32
    %add3A_19 = arith.constant 512 : i32
    %add3A_20 = arith.addi %mul3A_18, %add3A_19 : i32
    "tpu.region"() ({
      %run_scoped3A = tpu.sem_alloc : memref<!tpu.dma_semaphore, #tpu.memory_space<semaphore_mem>>
      %dma_start3A_87 = arith.constant 0 : i32
      %dma_start3A_88 = tpu.memref_slice %arg11[%add3A_20, %dma_start3A_87] : memref<10240x128xf32, #tpu.memory_space<vmem_shared>> -> memref<128x128xf32, #tpu.memory_space<vmem_shared>>
      %dma_start3A_89 = arith.constant 0 : i32
      %dma_start3A_90 = tpu.memref_slice %arg11[%add3A_20, %dma_start3A_89] : memref<10240x128xf32, #tpu.memory_space<vmem_shared>> -> memref<128x128xf32, #tpu.memory_space<vmem_shared>>
      tpu.enqueue_dma source(%arg9 : memref<128x128xf32, #tpu.memory_space<vmem>>) target(%dma_start3A_90 : memref<128x128xf32, #tpu.memory_space<vmem_shared>>) target_semaphore(%run_scoped3A : memref<!tpu.dma_semaphore, #tpu.memory_space<semaphore_mem>>)
      %dma_wait3A_91 = arith.constant 0 : i32
      %dma_wait3A_92 = tpu.memref_slice %arg11[%add3A_20, %dma_wait3A_91] : memref<10240x128xf32, #tpu.memory_space<vmem_shared>> -> memref<128x128xf32, #tpu.memory_space<vmem_shared>>
      %dma_wait3A_93 = arith.constant 0 : i32
      %dma_wait3A_94 = tpu.memref_slice %arg11[%add3A_20, %dma_wait3A_93] : memref<10240x128xf32, #tpu.memory_space<vmem_shared>> -> memref<128x128xf32, #tpu.memory_space<vmem_shared>>
      tpu.wait_dma2 semaphore(%run_scoped3A : memref<!tpu.dma_semaphore, #tpu.memory_space<semaphore_mem>>) src(%arg9 : memref<128x128xf32, #tpu.memory_space<vmem>>) dst(%dma_wait3A_94 : memref<128x128xf32, #tpu.memory_space<vmem_shared>>)
      tpu.yield
    }) : () -> ()
    %barrier3A = arith.constant 0 : index
    tpu.barrier barrier_id(%barrier3A)
    %mul3A_21 = arith.constant 80 : i32
    %mul3A_22 = arith.muli %add3A, %mul3A_21 : i32
    %add3A_23 = arith.constant 0 : i32
    %add3A_24 = arith.addi %mul3A_22, %add3A_23 : i32
    "tpu.region"() ({
      %run_scoped3A = tpu.sem_alloc : memref<!tpu.dma_semaphore, #tpu.memory_space<semaphore_mem>>
      %dma_start3A_87 = arith.constant 0 : i32
      %dma_start3A_88 = tpu.memref_slice %arg3[%add3A_24, %dma_start3A_87] : memref<2560x128xi32, #tpu.memory_space<hbm>> -> memref<40x128xi32, #tpu.memory_space<hbm>>
      %dma_start3A_89 = arith.constant 0 : i32
      %dma_start3A_90 = tpu.memref_slice %arg3[%add3A_24, %dma_start3A_89] : memref<2560x128xi32, #tpu.memory_space<hbm>> -> memref<40x128xi32, #tpu.memory_space<hbm>>
      tpu.enqueue_dma source(%dma_start3A_90 : memref<40x128xi32, #tpu.memory_space<hbm>>) target(%arg7 : memref<40x128xi32, #tpu.memory_space<vmem>>) target_semaphore(%run_scoped3A : memref<!tpu.dma_semaphore, #tpu.memory_space<semaphore_mem>>)
      %dma_wait3A_91 = arith.constant 0 : i32
      %dma_wait3A_92 = tpu.memref_slice %arg3[%add3A_24, %dma_wait3A_91] : memref<2560x128xi32, #tpu.memory_space<hbm>> -> memref<40x128xi32, #tpu.memory_space<hbm>>
      %dma_wait3A_93 = arith.constant 0 : i32
      %dma_wait3A_94 = tpu.memref_slice %arg3[%add3A_24, %dma_wait3A_93] : memref<2560x128xi32, #tpu.memory_space<hbm>> -> memref<40x128xi32, #tpu.memory_space<hbm>>
      tpu.wait_dma2 semaphore(%run_scoped3A : memref<!tpu.dma_semaphore, #tpu.memory_space<semaphore_mem>>) src(%dma_wait3A_94 : memref<40x128xi32, #tpu.memory_space<hbm>>) dst(%arg7 : memref<40x128xi32, #tpu.memory_space<vmem>>)
      tpu.yield
    }) : () -> ()
    "tpu.region"() ({
      %run_scoped3A = tpu.sem_alloc : memref<!tpu.dma_semaphore, #tpu.memory_space<semaphore_mem>>
      %dma_start3A_87 = arith.constant 0 : i32
      %dma_start3A_88 = tpu.memref_slice %arg4[%add3A_24, %dma_start3A_87] : memref<2560x128xi32, #tpu.memory_space<hbm>> -> memref<40x128xi32, #tpu.memory_space<hbm>>
      %dma_start3A_89 = arith.constant 0 : i32
      %dma_start3A_90 = tpu.memref_slice %arg4[%add3A_24, %dma_start3A_89] : memref<2560x128xi32, #tpu.memory_space<hbm>> -> memref<40x128xi32, #tpu.memory_space<hbm>>
      tpu.enqueue_dma source(%dma_start3A_90 : memref<40x128xi32, #tpu.memory_space<hbm>>) target(%arg8 : memref<40x128xi32, #tpu.memory_space<vmem>>) target_semaphore(%run_scoped3A : memref<!tpu.dma_semaphore, #tpu.memory_space<semaphore_mem>>)
      %dma_wait3A_91 = arith.constant 0 : i32
      %dma_wait3A_92 = tpu.memref_slice %arg4[%add3A_24, %dma_wait3A_91] : memref<2560x128xi32, #tpu.memory_space<hbm>> -> memref<40x128xi32, #tpu.memory_space<hbm>>
      %dma_wait3A_93 = arith.constant 0 : i32
      %dma_wait3A_94 = tpu.memref_slice %arg4[%add3A_24, %dma_wait3A_93] : memref<2560x128xi32, #tpu.memory_space<hbm>> -> memref<40x128xi32, #tpu.memory_space<hbm>>
      tpu.wait_dma2 semaphore(%run_scoped3A : memref<!tpu.dma_semaphore, #tpu.memory_space<semaphore_mem>>) src(%dma_wait3A_94 : memref<40x128xi32, #tpu.memory_space<hbm>>) dst(%arg8 : memref<40x128xi32, #tpu.memory_space<vmem>>)
      tpu.yield
    }) : () -> ()
    %dma_start3A = arith.constant 0 : i32
    %dma_start3A_25 = arith.constant 0 : i32
    %dma_start3A_26 = tpu.memref_slice %arg7[%dma_start3A, %dma_start3A_25] : memref<40x128xi32, #tpu.memory_space<vmem>> -> memref<1x128xi32, #tpu.memory_space<vmem>>
    %dma_start3A_27 = tpu.memref_squeeze %dma_start3A_26 : memref<1x128xi32, #tpu.memory_space<vmem>> -> memref<128xi32, #tpu.memory_space<vmem>>
    %dma_start3A_28 = arith.constant 0 : i32
    %dma_start3A_29 = arith.constant 0 : i32
    %dma_start3A_30 = tpu.memref_slice %arg2[%dma_start3A_28, %dma_start3A_29] : memref<10240x128xf32, #tpu.memory_space<hbm>> -> memref<10240x128xf32, #tpu.memory_space<hbm>>
    tpu.enqueue_indirect_dma source(%dma_start3A_30 : memref<10240x128xf32, #tpu.memory_space<hbm>>) target(%arg9 : memref<128x128xf32, #tpu.memory_space<vmem>>) offsets(%dma_start3A_27 : memref<128xi32, #tpu.memory_space<vmem>>) semaphore(%arg12 : memref<!tpu.dma_semaphore, #tpu.memory_space<semaphore_mem>>)
    %scan3A = arith.constant 0 : i32
    %scan3A_31 = arith.constant 0 : i32
    %scan3A_32 = arith.constant 20 : i32
    %scan3A_33 = arith.addi %scan3A_31, %scan3A_32 : i32
    %scan3A_34 = arith.constant 1 : i32
    scf.for %scan3A_87 = %scan3A_31 to %scan3A_33 step %scan3A_34  : i32 {
      %mul3A_88 = arith.constant 2 : i32
      %mul3A_89 = arith.muli %mul3A_88, %scan3A_87 : i32
      %mul3A_90 = arith.constant 2 : i32
      %mul3A_91 = arith.muli %mul3A_90, %scan3A_87 : i32
      %add3A_92 = arith.constant 1 : i32
      %add3A_93 = arith.addi %mul3A_91, %add3A_92 : i32
      %mul3A_94 = arith.constant 2 : i32
      %mul3A_95 = arith.muli %mul3A_94, %scan3A_87 : i32
      %add3A_96 = arith.constant 2 : i32
      %add3A_97 = arith.addi %mul3A_95, %add3A_96 : i32
      %min3A = arith.constant 39 : i32
      %min3A_98 = arith.minsi %add3A_97, %min3A : i32
      %dma_wait3A_99 = arith.constant 0 : i32
      %dma_wait3A_100 = tpu.memref_slice %arg7[%mul3A_89, %dma_wait3A_99] : memref<40x128xi32, #tpu.memory_space<vmem>> -> memref<1x128xi32, #tpu.memory_space<vmem>>
      %dma_wait3A_101 = tpu.memref_squeeze %dma_wait3A_100 : memref<1x128xi32, #tpu.memory_space<vmem>> -> memref<128xi32, #tpu.memory_space<vmem>>
      %dma_wait3A_102 = arith.constant 0 : i32
      %dma_wait3A_103 = arith.constant 0 : i32
      %dma_wait3A_104 = tpu.memref_slice %arg2[%dma_wait3A_102, %dma_wait3A_103] : memref<10240x128xf32, #tpu.memory_space<hbm>> -> memref<10240x128xf32, #tpu.memory_space<hbm>>
      tpu.wait_indirect_dma semaphore(%arg12 : memref<!tpu.dma_semaphore, #tpu.memory_space<semaphore_mem>>) src(%dma_wait3A_104 : memref<10240x128xf32, #tpu.memory_space<hbm>>) dst(%arg9 : memref<128x128xf32, #tpu.memory_space<vmem>>)
      %dma_start3A_105 = arith.constant 0 : i32
      %dma_start3A_106 = tpu.memref_slice %arg8[%mul3A_89, %dma_start3A_105] : memref<40x128xi32, #tpu.memory_space<vmem>> -> memref<1x128xi32, #tpu.memory_space<vmem>>
      %dma_start3A_107 = tpu.memref_squeeze %dma_start3A_106 : memref<1x128xi32, #tpu.memory_space<vmem>> -> memref<128xi32, #tpu.memory_space<vmem>>
      %dma_start3A_108 = arith.constant 0 : i32
      %dma_start3A_109 = arith.constant 0 : i32
      %dma_start3A_110 = tpu.memref_slice %arg11[%dma_start3A_108, %dma_start3A_109] : memref<10240x128xf32, #tpu.memory_space<vmem_shared>> -> memref<10240x128xf32, #tpu.memory_space<vmem_shared>>
      tpu.enqueue_indirect_dma source(%arg9 : memref<128x128xf32, #tpu.memory_space<vmem>>) target(%dma_start3A_110 : memref<10240x128xf32, #tpu.memory_space<vmem_shared>>) offsets(%dma_start3A_107 : memref<128xi32, #tpu.memory_space<vmem>>) semaphore(%arg14 : memref<!tpu.dma_semaphore, #tpu.memory_space<semaphore_mem>>) {add = true}
      %dma_start3A_111 = arith.constant 0 : i32
      %dma_start3A_112 = tpu.memref_slice %arg7[%add3A_93, %dma_start3A_111] : memref<40x128xi32, #tpu.memory_space<vmem>> -> memref<1x128xi32, #tpu.memory_space<vmem>>
      %dma_start3A_113 = tpu.memref_squeeze %dma_start3A_112 : memref<1x128xi32, #tpu.memory_space<vmem>> -> memref<128xi32, #tpu.memory_space<vmem>>
      %dma_start3A_114 = arith.constant 0 : i32
      %dma_start3A_115 = arith.constant 0 : i32
      %dma_start3A_116 = tpu.memref_slice %arg2[%dma_start3A_114, %dma_start3A_115] : memref<10240x128xf32, #tpu.memory_space<hbm>> -> memref<10240x128xf32, #tpu.memory_space<hbm>>
      tpu.enqueue_indirect_dma source(%dma_start3A_116 : memref<10240x128xf32, #tpu.memory_space<hbm>>) target(%arg10 : memref<128x128xf32, #tpu.memory_space<vmem>>) offsets(%dma_start3A_113 : memref<128xi32, #tpu.memory_space<vmem>>) semaphore(%arg13 : memref<!tpu.dma_semaphore, #tpu.memory_space<semaphore_mem>>)
      %dma_wait3A_117 = arith.constant 0 : i32
      %dma_wait3A_118 = tpu.memref_slice %arg7[%add3A_93, %dma_wait3A_117] : memref<40x128xi32, #tpu.memory_space<vmem>> -> memref<1x128xi32, #tpu.memory_space<vmem>>
      %dma_wait3A_119 = tpu.memref_squeeze %dma_wait3A_118 : memref<1x128xi32, #tpu.memory_space<vmem>> -> memref<128xi32, #tpu.memory_space<vmem>>
      %dma_wait3A_120 = arith.constant 0 : i32
      %dma_wait3A_121 = arith.constant 0 : i32
      %dma_wait3A_122 = tpu.memref_slice %arg2[%dma_wait3A_120, %dma_wait3A_121] : memref<10240x128xf32, #tpu.memory_space<hbm>> -> memref<10240x128xf32, #tpu.memory_space<hbm>>
      tpu.wait_indirect_dma semaphore(%arg13 : memref<!tpu.dma_semaphore, #tpu.memory_space<semaphore_mem>>) src(%dma_wait3A_122 : memref<10240x128xf32, #tpu.memory_space<hbm>>) dst(%arg10 : memref<128x128xf32, #tpu.memory_space<vmem>>)
      %dma_start3A_123 = arith.constant 0 : i32
      %dma_start3A_124 = tpu.memref_slice %arg8[%add3A_93, %dma_start3A_123] : memref<40x128xi32, #tpu.memory_space<vmem>> -> memref<1x128xi32, #tpu.memory_space<vmem>>
      %dma_start3A_125 = tpu.memref_squeeze %dma_start3A_124 : memref<1x128xi32, #tpu.memory_space<vmem>> -> memref<128xi32, #tpu.memory_space<vmem>>
      %dma_start3A_126 = arith.constant 0 : i32
      %dma_start3A_127 = arith.constant 0 : i32
      %dma_start3A_128 = tpu.memref_slice %arg11[%dma_start3A_126, %dma_start3A_127] : memref<10240x128xf32, #tpu.memory_space<vmem_shared>> -> memref<10240x128xf32, #tpu.memory_space<vmem_shared>>
      tpu.enqueue_indirect_dma source(%arg10 : memref<128x128xf32, #tpu.memory_space<vmem>>) target(%dma_start3A_128 : memref<10240x128xf32, #tpu.memory_space<vmem_shared>>) offsets(%dma_start3A_125 : memref<128xi32, #tpu.memory_space<vmem>>) semaphore(%arg15 : memref<!tpu.dma_semaphore, #tpu.memory_space<semaphore_mem>>) {add = true}
      %dma_wait3A_129 = arith.constant 0 : i32
      %dma_wait3A_130 = tpu.memref_slice %arg8[%mul3A_89, %dma_wait3A_129] : memref<40x128xi32, #tpu.memory_space<vmem>> -> memref<1x128xi32, #tpu.memory_space<vmem>>
      %dma_wait3A_131 = tpu.memref_squeeze %dma_wait3A_130 : memref<1x128xi32, #tpu.memory_space<vmem>> -> memref<128xi32, #tpu.memory_space<vmem>>
      %dma_wait3A_132 = arith.constant 0 : i32
      %dma_wait3A_133 = arith.constant 0 : i32
      %dma_wait3A_134 = tpu.memref_slice %arg11[%dma_wait3A_132, %dma_wait3A_133] : memref<10240x128xf32, #tpu.memory_space<vmem_shared>> -> memref<10240x128xf32, #tpu.memory_space<vmem_shared>>
      tpu.wait_indirect_dma semaphore(%arg14 : memref<!tpu.dma_semaphore, #tpu.memory_space<semaphore_mem>>) src(%arg9 : memref<128x128xf32, #tpu.memory_space<vmem>>) dst(%dma_wait3A_134 : memref<10240x128xf32, #tpu.memory_space<vmem_shared>>)
      %dma_start3A_135 = arith.constant 0 : i32
      %dma_start3A_136 = tpu.memref_slice %arg7[%min3A_98, %dma_start3A_135] : memref<40x128xi32, #tpu.memory_space<vmem>> -> memref<1x128xi32, #tpu.memory_space<vmem>>
      %dma_start3A_137 = tpu.memref_squeeze %dma_start3A_136 : memref<1x128xi32, #tpu.memory_space<vmem>> -> memref<128xi32, #tpu.memory_space<vmem>>
      %dma_start3A_138 = arith.constant 0 : i32
      %dma_start3A_139 = arith.constant 0 : i32
      %dma_start3A_140 = tpu.memref_slice %arg2[%dma_start3A_138, %dma_start3A_139] : memref<10240x128xf32, #tpu.memory_space<hbm>> -> memref<10240x128xf32, #tpu.memory_space<hbm>>
      tpu.enqueue_indirect_dma source(%dma_start3A_140 : memref<10240x128xf32, #tpu.memory_space<hbm>>) target(%arg9 : memref<128x128xf32, #tpu.memory_space<vmem>>) offsets(%dma_start3A_137 : memref<128xi32, #tpu.memory_space<vmem>>) semaphore(%arg12 : memref<!tpu.dma_semaphore, #tpu.memory_space<semaphore_mem>>)
      %dma_wait3A_141 = arith.constant 0 : i32
      %dma_wait3A_142 = tpu.memref_slice %arg8[%add3A_93, %dma_wait3A_141] : memref<40x128xi32, #tpu.memory_space<vmem>> -> memref<1x128xi32, #tpu.memory_space<vmem>>
      %dma_wait3A_143 = tpu.memref_squeeze %dma_wait3A_142 : memref<1x128xi32, #tpu.memory_space<vmem>> -> memref<128xi32, #tpu.memory_space<vmem>>
      %dma_wait3A_144 = arith.constant 0 : i32
      %dma_wait3A_145 = arith.constant 0 : i32
      %dma_wait3A_146 = tpu.memref_slice %arg11[%dma_wait3A_144, %dma_wait3A_145] : memref<10240x128xf32, #tpu.memory_space<vmem_shared>> -> memref<10240x128xf32, #tpu.memory_space<vmem_shared>>
      tpu.wait_indirect_dma semaphore(%arg15 : memref<!tpu.dma_semaphore, #tpu.memory_space<semaphore_mem>>) src(%arg10 : memref<128x128xf32, #tpu.memory_space<vmem>>) dst(%dma_wait3A_146 : memref<10240x128xf32, #tpu.memory_space<vmem_shared>>)
    }
    %scan3A_35 = arith.constant 20 : i32
    %dma_wait3A = arith.constant 39 : i32
    %dma_wait3A_36 = arith.constant 0 : i32
    %dma_wait3A_37 = tpu.memref_slice %arg7[%dma_wait3A, %dma_wait3A_36] : memref<40x128xi32, #tpu.memory_space<vmem>> -> memref<1x128xi32, #tpu.memory_space<vmem>>
    %dma_wait3A_38 = tpu.memref_squeeze %dma_wait3A_37 : memref<1x128xi32, #tpu.memory_space<vmem>> -> memref<128xi32, #tpu.memory_space<vmem>>
    %dma_wait3A_39 = arith.constant 0 : i32
    %dma_wait3A_40 = arith.constant 0 : i32
    %dma_wait3A_41 = tpu.memref_slice %arg2[%dma_wait3A_39, %dma_wait3A_40] : memref<10240x128xf32, #tpu.memory_space<hbm>> -> memref<10240x128xf32, #tpu.memory_space<hbm>>
    tpu.wait_indirect_dma semaphore(%arg12 : memref<!tpu.dma_semaphore, #tpu.memory_space<semaphore_mem>>) src(%dma_wait3A_41 : memref<10240x128xf32, #tpu.memory_space<hbm>>) dst(%arg9 : memref<128x128xf32, #tpu.memory_space<vmem>>)
    %mul3A_42 = arith.constant 80 : i32
    %mul3A_43 = arith.muli %add3A, %mul3A_42 : i32
    %add3A_44 = arith.constant 40 : i32
    %add3A_45 = arith.addi %mul3A_43, %add3A_44 : i32
    "tpu.region"() ({
      %run_scoped3A = tpu.sem_alloc : memref<!tpu.dma_semaphore, #tpu.memory_space<semaphore_mem>>
      %dma_start3A_87 = arith.constant 0 : i32
      %dma_start3A_88 = tpu.memref_slice %arg3[%add3A_45, %dma_start3A_87] : memref<2560x128xi32, #tpu.memory_space<hbm>> -> memref<40x128xi32, #tpu.memory_space<hbm>>
      %dma_start3A_89 = arith.constant 0 : i32
      %dma_start3A_90 = tpu.memref_slice %arg3[%add3A_45, %dma_start3A_89] : memref<2560x128xi32, #tpu.memory_space<hbm>> -> memref<40x128xi32, #tpu.memory_space<hbm>>
      tpu.enqueue_dma source(%dma_start3A_90 : memref<40x128xi32, #tpu.memory_space<hbm>>) target(%arg7 : memref<40x128xi32, #tpu.memory_space<vmem>>) target_semaphore(%run_scoped3A : memref<!tpu.dma_semaphore, #tpu.memory_space<semaphore_mem>>)
      %dma_wait3A_91 = arith.constant 0 : i32
      %dma_wait3A_92 = tpu.memref_slice %arg3[%add3A_45, %dma_wait3A_91] : memref<2560x128xi32, #tpu.memory_space<hbm>> -> memref<40x128xi32, #tpu.memory_space<hbm>>
      %dma_wait3A_93 = arith.constant 0 : i32
      %dma_wait3A_94 = tpu.memref_slice %arg3[%add3A_45, %dma_wait3A_93] : memref<2560x128xi32, #tpu.memory_space<hbm>> -> memref<40x128xi32, #tpu.memory_space<hbm>>
      tpu.wait_dma2 semaphore(%run_scoped3A : memref<!tpu.dma_semaphore, #tpu.memory_space<semaphore_mem>>) src(%dma_wait3A_94 : memref<40x128xi32, #tpu.memory_space<hbm>>) dst(%arg7 : memref<40x128xi32, #tpu.memory_space<vmem>>)
      tpu.yield
    }) : () -> ()
    "tpu.region"() ({
      %run_scoped3A = tpu.sem_alloc : memref<!tpu.dma_semaphore, #tpu.memory_space<semaphore_mem>>
      %dma_start3A_87 = arith.constant 0 : i32
      %dma_start3A_88 = tpu.memref_slice %arg4[%add3A_45, %dma_start3A_87] : memref<2560x128xi32, #tpu.memory_space<hbm>> -> memref<40x128xi32, #tpu.memory_space<hbm>>
      %dma_start3A_89 = arith.constant 0 : i32
      %dma_start3A_90 = tpu.memref_slice %arg4[%add3A_45, %dma_start3A_89] : memref<2560x128xi32, #tpu.memory_space<hbm>> -> memref<40x128xi32, #tpu.memory_space<hbm>>
      tpu.enqueue_dma source(%dma_start3A_90 : memref<40x128xi32, #tpu.memory_space<hbm>>) target(%arg8 : memref<40x128xi32, #tpu.memory_space<vmem>>) target_semaphore(%run_scoped3A : memref<!tpu.dma_semaphore, #tpu.memory_space<semaphore_mem>>)
      %dma_wait3A_91 = arith.constant 0 : i32
      %dma_wait3A_92 = tpu.memref_slice %arg4[%add3A_45, %dma_wait3A_91] : memref<2560x128xi32, #tpu.memory_space<hbm>> -> memref<40x128xi32, #tpu.memory_space<hbm>>
      %dma_wait3A_93 = arith.constant 0 : i32
      %dma_wait3A_94 = tpu.memref_slice %arg4[%add3A_45, %dma_wait3A_93] : memref<2560x128xi32, #tpu.memory_space<hbm>> -> memref<40x128xi32, #tpu.memory_space<hbm>>
      tpu.wait_dma2 semaphore(%run_scoped3A : memref<!tpu.dma_semaphore, #tpu.memory_space<semaphore_mem>>) src(%dma_wait3A_94 : memref<40x128xi32, #tpu.memory_space<hbm>>) dst(%arg8 : memref<40x128xi32, #tpu.memory_space<vmem>>)
      tpu.yield
    }) : () -> ()
    %dma_start3A_46 = arith.constant 0 : i32
    %dma_start3A_47 = arith.constant 0 : i32
    %dma_start3A_48 = tpu.memref_slice %arg7[%dma_start3A_46, %dma_start3A_47] : memref<40x128xi32, #tpu.memory_space<vmem>> -> memref<1x128xi32, #tpu.memory_space<vmem>>
    %dma_start3A_49 = tpu.memref_squeeze %dma_start3A_48 : memref<1x128xi32, #tpu.memory_space<vmem>> -> memref<128xi32, #tpu.memory_space<vmem>>
    %dma_start3A_50 = arith.constant 0 : i32
    %dma_start3A_51 = arith.constant 0 : i32
    %dma_start3A_52 = tpu.memref_slice %arg2[%dma_start3A_50, %dma_start3A_51] : memref<10240x128xf32, #tpu.memory_space<hbm>> -> memref<10240x128xf32, #tpu.memory_space<hbm>>
    tpu.enqueue_indirect_dma source(%dma_start3A_52 : memref<10240x128xf32, #tpu.memory_space<hbm>>) target(%arg9 : memref<128x128xf32, #tpu.memory_space<vmem>>) offsets(%dma_start3A_49 : memref<128xi32, #tpu.memory_space<vmem>>) semaphore(%arg12 : memref<!tpu.dma_semaphore, #tpu.memory_space<semaphore_mem>>)
    %scan3A_53 = arith.constant 0 : i32
    %scan3A_54 = arith.constant 0 : i32
    %scan3A_55 = arith.constant 20 : i32
    %scan3A_56 = arith.addi %scan3A_54, %scan3A_55 : i32
    %scan3A_57 = arith.constant 1 : i32
    scf.for %scan3A_87 = %scan3A_54 to %scan3A_56 step %scan3A_57  : i32 {
      %mul3A_88 = arith.constant 2 : i32
      %mul3A_89 = arith.muli %mul3A_88, %scan3A_87 : i32
      %mul3A_90 = arith.constant 2 : i32
      %mul3A_91 = arith.muli %mul3A_90, %scan3A_87 : i32
      %add3A_92 = arith.constant 1 : i32
      %add3A_93 = arith.addi %mul3A_91, %add3A_92 : i32
      %mul3A_94 = arith.constant 2 : i32
      %mul3A_95 = arith.muli %mul3A_94, %scan3A_87 : i32
      %add3A_96 = arith.constant 2 : i32
      %add3A_97 = arith.addi %mul3A_95, %add3A_96 : i32
      %min3A = arith.constant 39 : i32
      %min3A_98 = arith.minsi %add3A_97, %min3A : i32
      %dma_wait3A_99 = arith.constant 0 : i32
      %dma_wait3A_100 = tpu.memref_slice %arg7[%mul3A_89, %dma_wait3A_99] : memref<40x128xi32, #tpu.memory_space<vmem>> -> memref<1x128xi32, #tpu.memory_space<vmem>>
      %dma_wait3A_101 = tpu.memref_squeeze %dma_wait3A_100 : memref<1x128xi32, #tpu.memory_space<vmem>> -> memref<128xi32, #tpu.memory_space<vmem>>
      %dma_wait3A_102 = arith.constant 0 : i32
      %dma_wait3A_103 = arith.constant 0 : i32
      %dma_wait3A_104 = tpu.memref_slice %arg2[%dma_wait3A_102, %dma_wait3A_103] : memref<10240x128xf32, #tpu.memory_space<hbm>> -> memref<10240x128xf32, #tpu.memory_space<hbm>>
      tpu.wait_indirect_dma semaphore(%arg12 : memref<!tpu.dma_semaphore, #tpu.memory_space<semaphore_mem>>) src(%dma_wait3A_104 : memref<10240x128xf32, #tpu.memory_space<hbm>>) dst(%arg9 : memref<128x128xf32, #tpu.memory_space<vmem>>)
      %dma_start3A_105 = arith.constant 0 : i32
      %dma_start3A_106 = tpu.memref_slice %arg8[%mul3A_89, %dma_start3A_105] : memref<40x128xi32, #tpu.memory_space<vmem>> -> memref<1x128xi32, #tpu.memory_space<vmem>>
      %dma_start3A_107 = tpu.memref_squeeze %dma_start3A_106 : memref<1x128xi32, #tpu.memory_space<vmem>> -> memref<128xi32, #tpu.memory_space<vmem>>
      %dma_start3A_108 = arith.constant 0 : i32
      %dma_start3A_109 = arith.constant 0 : i32
      %dma_start3A_110 = tpu.memref_slice %arg11[%dma_start3A_108, %dma_start3A_109] : memref<10240x128xf32, #tpu.memory_space<vmem_shared>> -> memref<10240x128xf32, #tpu.memory_space<vmem_shared>>
      tpu.enqueue_indirect_dma source(%arg9 : memref<128x128xf32, #tpu.memory_space<vmem>>) target(%dma_start3A_110 : memref<10240x128xf32, #tpu.memory_space<vmem_shared>>) offsets(%dma_start3A_107 : memref<128xi32, #tpu.memory_space<vmem>>) semaphore(%arg14 : memref<!tpu.dma_semaphore, #tpu.memory_space<semaphore_mem>>) {add = true}
      %dma_start3A_111 = arith.constant 0 : i32
      %dma_start3A_112 = tpu.memref_slice %arg7[%add3A_93, %dma_start3A_111] : memref<40x128xi32, #tpu.memory_space<vmem>> -> memref<1x128xi32, #tpu.memory_space<vmem>>
      %dma_start3A_113 = tpu.memref_squeeze %dma_start3A_112 : memref<1x128xi32, #tpu.memory_space<vmem>> -> memref<128xi32, #tpu.memory_space<vmem>>
      %dma_start3A_114 = arith.constant 0 : i32
      %dma_start3A_115 = arith.constant 0 : i32
      %dma_start3A_116 = tpu.memref_slice %arg2[%dma_start3A_114, %dma_start3A_115] : memref<10240x128xf32, #tpu.memory_space<hbm>> -> memref<10240x128xf32, #tpu.memory_space<hbm>>
      tpu.enqueue_indirect_dma source(%dma_start3A_116 : memref<10240x128xf32, #tpu.memory_space<hbm>>) target(%arg10 : memref<128x128xf32, #tpu.memory_space<vmem>>) offsets(%dma_start3A_113 : memref<128xi32, #tpu.memory_space<vmem>>) semaphore(%arg13 : memref<!tpu.dma_semaphore, #tpu.memory_space<semaphore_mem>>)
      %dma_wait3A_117 = arith.constant 0 : i32
      %dma_wait3A_118 = tpu.memref_slice %arg7[%add3A_93, %dma_wait3A_117] : memref<40x128xi32, #tpu.memory_space<vmem>> -> memref<1x128xi32, #tpu.memory_space<vmem>>
      %dma_wait3A_119 = tpu.memref_squeeze %dma_wait3A_118 : memref<1x128xi32, #tpu.memory_space<vmem>> -> memref<128xi32, #tpu.memory_space<vmem>>
      %dma_wait3A_120 = arith.constant 0 : i32
      %dma_wait3A_121 = arith.constant 0 : i32
      %dma_wait3A_122 = tpu.memref_slice %arg2[%dma_wait3A_120, %dma_wait3A_121] : memref<10240x128xf32, #tpu.memory_space<hbm>> -> memref<10240x128xf32, #tpu.memory_space<hbm>>
      tpu.wait_indirect_dma semaphore(%arg13 : memref<!tpu.dma_semaphore, #tpu.memory_space<semaphore_mem>>) src(%dma_wait3A_122 : memref<10240x128xf32, #tpu.memory_space<hbm>>) dst(%arg10 : memref<128x128xf32, #tpu.memory_space<vmem>>)
      %dma_start3A_123 = arith.constant 0 : i32
      %dma_start3A_124 = tpu.memref_slice %arg8[%add3A_93, %dma_start3A_123] : memref<40x128xi32, #tpu.memory_space<vmem>> -> memref<1x128xi32, #tpu.memory_space<vmem>>
      %dma_start3A_125 = tpu.memref_squeeze %dma_start3A_124 : memref<1x128xi32, #tpu.memory_space<vmem>> -> memref<128xi32, #tpu.memory_space<vmem>>
      %dma_start3A_126 = arith.constant 0 : i32
      %dma_start3A_127 = arith.constant 0 : i32
      %dma_start3A_128 = tpu.memref_slice %arg11[%dma_start3A_126, %dma_start3A_127] : memref<10240x128xf32, #tpu.memory_space<vmem_shared>> -> memref<10240x128xf32, #tpu.memory_space<vmem_shared>>
      tpu.enqueue_indirect_dma source(%arg10 : memref<128x128xf32, #tpu.memory_space<vmem>>) target(%dma_start3A_128 : memref<10240x128xf32, #tpu.memory_space<vmem_shared>>) offsets(%dma_start3A_125 : memref<128xi32, #tpu.memory_space<vmem>>) semaphore(%arg15 : memref<!tpu.dma_semaphore, #tpu.memory_space<semaphore_mem>>) {add = true}
      %dma_wait3A_129 = arith.constant 0 : i32
      %dma_wait3A_130 = tpu.memref_slice %arg8[%mul3A_89, %dma_wait3A_129] : memref<40x128xi32, #tpu.memory_space<vmem>> -> memref<1x128xi32, #tpu.memory_space<vmem>>
      %dma_wait3A_131 = tpu.memref_squeeze %dma_wait3A_130 : memref<1x128xi32, #tpu.memory_space<vmem>> -> memref<128xi32, #tpu.memory_space<vmem>>
      %dma_wait3A_132 = arith.constant 0 : i32
      %dma_wait3A_133 = arith.constant 0 : i32
      %dma_wait3A_134 = tpu.memref_slice %arg11[%dma_wait3A_132, %dma_wait3A_133] : memref<10240x128xf32, #tpu.memory_space<vmem_shared>> -> memref<10240x128xf32, #tpu.memory_space<vmem_shared>>
      tpu.wait_indirect_dma semaphore(%arg14 : memref<!tpu.dma_semaphore, #tpu.memory_space<semaphore_mem>>) src(%arg9 : memref<128x128xf32, #tpu.memory_space<vmem>>) dst(%dma_wait3A_134 : memref<10240x128xf32, #tpu.memory_space<vmem_shared>>)
      %dma_start3A_135 = arith.constant 0 : i32
      %dma_start3A_136 = tpu.memref_slice %arg7[%min3A_98, %dma_start3A_135] : memref<40x128xi32, #tpu.memory_space<vmem>> -> memref<1x128xi32, #tpu.memory_space<vmem>>
      %dma_start3A_137 = tpu.memref_squeeze %dma_start3A_136 : memref<1x128xi32, #tpu.memory_space<vmem>> -> memref<128xi32, #tpu.memory_space<vmem>>
      %dma_start3A_138 = arith.constant 0 : i32
      %dma_start3A_139 = arith.constant 0 : i32
      %dma_start3A_140 = tpu.memref_slice %arg2[%dma_start3A_138, %dma_start3A_139] : memref<10240x128xf32, #tpu.memory_space<hbm>> -> memref<10240x128xf32, #tpu.memory_space<hbm>>
      tpu.enqueue_indirect_dma source(%dma_start3A_140 : memref<10240x128xf32, #tpu.memory_space<hbm>>) target(%arg9 : memref<128x128xf32, #tpu.memory_space<vmem>>) offsets(%dma_start3A_137 : memref<128xi32, #tpu.memory_space<vmem>>) semaphore(%arg12 : memref<!tpu.dma_semaphore, #tpu.memory_space<semaphore_mem>>)
      %dma_wait3A_141 = arith.constant 0 : i32
      %dma_wait3A_142 = tpu.memref_slice %arg8[%add3A_93, %dma_wait3A_141] : memref<40x128xi32, #tpu.memory_space<vmem>> -> memref<1x128xi32, #tpu.memory_space<vmem>>
      %dma_wait3A_143 = tpu.memref_squeeze %dma_wait3A_142 : memref<1x128xi32, #tpu.memory_space<vmem>> -> memref<128xi32, #tpu.memory_space<vmem>>
      %dma_wait3A_144 = arith.constant 0 : i32
      %dma_wait3A_145 = arith.constant 0 : i32
      %dma_wait3A_146 = tpu.memref_slice %arg11[%dma_wait3A_144, %dma_wait3A_145] : memref<10240x128xf32, #tpu.memory_space<vmem_shared>> -> memref<10240x128xf32, #tpu.memory_space<vmem_shared>>
      tpu.wait_indirect_dma semaphore(%arg15 : memref<!tpu.dma_semaphore, #tpu.memory_space<semaphore_mem>>) src(%arg10 : memref<128x128xf32, #tpu.memory_space<vmem>>) dst(%dma_wait3A_146 : memref<10240x128xf32, #tpu.memory_space<vmem_shared>>)
    }
    %scan3A_58 = arith.constant 20 : i32
    %dma_wait3A_59 = arith.constant 39 : i32
    %dma_wait3A_60 = arith.constant 0 : i32
    %dma_wait3A_61 = tpu.memref_slice %arg7[%dma_wait3A_59, %dma_wait3A_60] : memref<40x128xi32, #tpu.memory_space<vmem>> -> memref<1x128xi32, #tpu.memory_space<vmem>>
    %dma_wait3A_62 = tpu.memref_squeeze %dma_wait3A_61 : memref<1x128xi32, #tpu.memory_space<vmem>> -> memref<128xi32, #tpu.memory_space<vmem>>
    %dma_wait3A_63 = arith.constant 0 : i32
    %dma_wait3A_64 = arith.constant 0 : i32
    %dma_wait3A_65 = tpu.memref_slice %arg2[%dma_wait3A_63, %dma_wait3A_64] : memref<10240x128xf32, #tpu.memory_space<hbm>> -> memref<10240x128xf32, #tpu.memory_space<hbm>>
    tpu.wait_indirect_dma semaphore(%arg12 : memref<!tpu.dma_semaphore, #tpu.memory_space<semaphore_mem>>) src(%dma_wait3A_65 : memref<10240x128xf32, #tpu.memory_space<hbm>>) dst(%arg9 : memref<128x128xf32, #tpu.memory_space<vmem>>)
    %barrier3A_66 = arith.constant 0 : index
    tpu.barrier barrier_id(%barrier3A_66)
    %mul3A_67 = arith.constant 640 : i32
    %mul3A_68 = arith.muli %arg1, %mul3A_67 : i32
    %add3A_69 = arith.constant 0 : i32
    %add3A_70 = arith.addi %mul3A_68, %add3A_69 : i32
    "tpu.region"() ({
      %run_scoped3A = tpu.sem_alloc : memref<!tpu.dma_semaphore, #tpu.memory_space<semaphore_mem>>
      %dma_start3A_87 = arith.constant 0 : i32
      %dma_start3A_88 = tpu.memref_slice %arg11[%add3A_70, %dma_start3A_87] : memref<10240x128xf32, #tpu.memory_space<vmem_shared>> -> memref<128x128xf32, #tpu.memory_space<vmem_shared>>
      %dma_start3A_89 = arith.constant 0 : i32
      %dma_start3A_90 = tpu.memref_slice %arg11[%add3A_70, %dma_start3A_89] : memref<10240x128xf32, #tpu.memory_space<vmem_shared>> -> memref<128x128xf32, #tpu.memory_space<vmem_shared>>
      tpu.enqueue_dma source(%dma_start3A_90 : memref<128x128xf32, #tpu.memory_space<vmem_shared>>) target(%arg9 : memref<128x128xf32, #tpu.memory_space<vmem>>) target_semaphore(%run_scoped3A : memref<!tpu.dma_semaphore, #tpu.memory_space<semaphore_mem>>)
      %dma_wait3A_91 = arith.constant 0 : i32
      %dma_wait3A_92 = tpu.memref_slice %arg11[%add3A_70, %dma_wait3A_91] : memref<10240x128xf32, #tpu.memory_space<vmem_shared>> -> memref<128x128xf32, #tpu.memory_space<vmem_shared>>
      %dma_wait3A_93 = arith.constant 0 : i32
      %dma_wait3A_94 = tpu.memref_slice %arg11[%add3A_70, %dma_wait3A_93] : memref<10240x128xf32, #tpu.memory_space<vmem_shared>> -> memref<128x128xf32, #tpu.memory_space<vmem_shared>>
      tpu.wait_dma2 semaphore(%run_scoped3A : memref<!tpu.dma_semaphore, #tpu.memory_space<semaphore_mem>>) src(%dma_wait3A_94 : memref<128x128xf32, #tpu.memory_space<vmem_shared>>) dst(%arg9 : memref<128x128xf32, #tpu.memory_space<vmem>>)
      tpu.yield
    }) : () -> ()
    "tpu.region"() ({
      %run_scoped3A = tpu.sem_alloc : memref<!tpu.dma_semaphore, #tpu.memory_space<semaphore_mem>>
      %dma_start3A_87 = arith.constant 0 : i32
      %dma_start3A_88 = tpu.memref_slice %arg6[%arg0, %add3A_70, %dma_start3A_87] : memref<2x10240x128xf32, #tpu.memory_space<hbm>> -> memref<1x128x128xf32, #tpu.memory_space<hbm>>
      %dma_start3A_89 = tpu.memref_squeeze %dma_start3A_88 : memref<1x128x128xf32, #tpu.memory_space<hbm>> -> memref<128x128xf32, #tpu.memory_space<hbm>>
      %dma_start3A_90 = arith.constant 0 : i32
      %dma_start3A_91 = tpu.memref_slice %arg6[%arg0, %add3A_70, %dma_start3A_90] : memref<2x10240x128xf32, #tpu.memory_space<hbm>> -> memref<1x128x128xf32, #tpu.memory_space<hbm>>
      %dma_start3A_92 = tpu.memref_squeeze %dma_start3A_91 : memref<1x128x128xf32, #tpu.memory_space<hbm>> -> memref<128x128xf32, #tpu.memory_space<hbm>>
      tpu.enqueue_dma source(%arg9 : memref<128x128xf32, #tpu.memory_space<vmem>>) target(%dma_start3A_92 : memref<128x128xf32, #tpu.memory_space<hbm>>) target_semaphore(%run_scoped3A : memref<!tpu.dma_semaphore, #tpu.memory_space<semaphore_mem>>)
      %dma_wait3A_93 = arith.constant 0 : i32
      %dma_wait3A_94 = tpu.memref_slice %arg6[%arg0, %add3A_70, %dma_wait3A_93] : memref<2x10240x128xf32, #tpu.memory_space<hbm>> -> memref<1x128x128xf32, #tpu.memory_space<hbm>>
      %dma_wait3A_95 = tpu.memref_squeeze %dma_wait3A_94 : memref<1x128x128xf32, #tpu.memory_space<hbm>> -> memref<128x128xf32, #tpu.memory_space<hbm>>
      %dma_wait3A_96 = arith.constant 0 : i32
      %dma_wait3A_97 = tpu.memref_slice %arg6[%arg0, %add3A_70, %dma_wait3A_96] : memref<2x10240x128xf32, #tpu.memory_space<hbm>> -> memref<1x128x128xf32, #tpu.memory_space<hbm>>
      %dma_wait3A_98 = tpu.memref_squeeze %dma_wait3A_97 : memref<1x128x128xf32, #tpu.memory_space<hbm>> -> memref<128x128xf32, #tpu.memory_space<hbm>>
      tpu.wait_dma2 semaphore(%run_scoped3A : memref<!tpu.dma_semaphore, #tpu.memory_space<semaphore_mem>>) src(%arg9 : memref<128x128xf32, #tpu.memory_space<vmem>>) dst(%dma_wait3A_98 : memref<128x128xf32, #tpu.memory_space<hbm>>)
      tpu.yield
    }) : () -> ()
    %mul3A_71 = arith.constant 640 : i32
    %mul3A_72 = arith.muli %arg1, %mul3A_71 : i32
    %add3A_73 = arith.constant 128 : i32
    %add3A_74 = arith.addi %mul3A_72, %add3A_73 : i32
    "tpu.region"() ({
      %run_scoped3A = tpu.sem_alloc : memref<!tpu.dma_semaphore, #tpu.memory_space<semaphore_mem>>
      %dma_start3A_87 = arith.constant 0 : i32
      %dma_start3A_88 = tpu.memref_slice %arg11[%add3A_74, %dma_start3A_87] : memref<10240x128xf32, #tpu.memory_space<vmem_shared>> -> memref<128x128xf32, #tpu.memory_space<vmem_shared>>
      %dma_start3A_89 = arith.constant 0 : i32
      %dma_start3A_90 = tpu.memref_slice %arg11[%add3A_74, %dma_start3A_89] : memref<10240x128xf32, #tpu.memory_space<vmem_shared>> -> memref<128x128xf32, #tpu.memory_space<vmem_shared>>
      tpu.enqueue_dma source(%dma_start3A_90 : memref<128x128xf32, #tpu.memory_space<vmem_shared>>) target(%arg9 : memref<128x128xf32, #tpu.memory_space<vmem>>) target_semaphore(%run_scoped3A : memref<!tpu.dma_semaphore, #tpu.memory_space<semaphore_mem>>)
      %dma_wait3A_91 = arith.constant 0 : i32
      %dma_wait3A_92 = tpu.memref_slice %arg11[%add3A_74, %dma_wait3A_91] : memref<10240x128xf32, #tpu.memory_space<vmem_shared>> -> memref<128x128xf32, #tpu.memory_space<vmem_shared>>
      %dma_wait3A_93 = arith.constant 0 : i32
      %dma_wait3A_94 = tpu.memref_slice %arg11[%add3A_74, %dma_wait3A_93] : memref<10240x128xf32, #tpu.memory_space<vmem_shared>> -> memref<128x128xf32, #tpu.memory_space<vmem_shared>>
      tpu.wait_dma2 semaphore(%run_scoped3A : memref<!tpu.dma_semaphore, #tpu.memory_space<semaphore_mem>>) src(%dma_wait3A_94 : memref<128x128xf32, #tpu.memory_space<vmem_shared>>) dst(%arg9 : memref<128x128xf32, #tpu.memory_space<vmem>>)
      tpu.yield
    }) : () -> ()
    "tpu.region"() ({
      %run_scoped3A = tpu.sem_alloc : memref<!tpu.dma_semaphore, #tpu.memory_space<semaphore_mem>>
      %dma_start3A_87 = arith.constant 0 : i32
      %dma_start3A_88 = tpu.memref_slice %arg6[%arg0, %add3A_74, %dma_start3A_87] : memref<2x10240x128xf32, #tpu.memory_space<hbm>> -> memref<1x128x128xf32, #tpu.memory_space<hbm>>
      %dma_start3A_89 = tpu.memref_squeeze %dma_start3A_88 : memref<1x128x128xf32, #tpu.memory_space<hbm>> -> memref<128x128xf32, #tpu.memory_space<hbm>>
      %dma_start3A_90 = arith.constant 0 : i32
      %dma_start3A_91 = tpu.memref_slice %arg6[%arg0, %add3A_74, %dma_start3A_90] : memref<2x10240x128xf32, #tpu.memory_space<hbm>> -> memref<1x128x128xf32, #tpu.memory_space<hbm>>
      %dma_start3A_92 = tpu.memref_squeeze %dma_start3A_91 : memref<1x128x128xf32, #tpu.memory_space<hbm>> -> memref<128x128xf32, #tpu.memory_space<hbm>>
      tpu.enqueue_dma source(%arg9 : memref<128x128xf32, #tpu.memory_space<vmem>>) target(%dma_start3A_92 : memref<128x128xf32, #tpu.memory_space<hbm>>) target_semaphore(%run_scoped3A : memref<!tpu.dma_semaphore, #tpu.memory_space<semaphore_mem>>)
      %dma_wait3A_93 = arith.constant 0 : i32
      %dma_wait3A_94 = tpu.memref_slice %arg6[%arg0, %add3A_74, %dma_wait3A_93] : memref<2x10240x128xf32, #tpu.memory_space<hbm>> -> memref<1x128x128xf32, #tpu.memory_space<hbm>>
      %dma_wait3A_95 = tpu.memref_squeeze %dma_wait3A_94 : memref<1x128x128xf32, #tpu.memory_space<hbm>> -> memref<128x128xf32, #tpu.memory_space<hbm>>
      %dma_wait3A_96 = arith.constant 0 : i32
      %dma_wait3A_97 = tpu.memref_slice %arg6[%arg0, %add3A_74, %dma_wait3A_96] : memref<2x10240x128xf32, #tpu.memory_space<hbm>> -> memref<1x128x128xf32, #tpu.memory_space<hbm>>
      %dma_wait3A_98 = tpu.memref_squeeze %dma_wait3A_97 : memref<1x128x128xf32, #tpu.memory_space<hbm>> -> memref<128x128xf32, #tpu.memory_space<hbm>>
      tpu.wait_dma2 semaphore(%run_scoped3A : memref<!tpu.dma_semaphore, #tpu.memory_space<semaphore_mem>>) src(%arg9 : memref<128x128xf32, #tpu.memory_space<vmem>>) dst(%dma_wait3A_98 : memref<128x128xf32, #tpu.memory_space<hbm>>)
      tpu.yield
    }) : () -> ()
    %mul3A_75 = arith.constant 640 : i32
    %mul3A_76 = arith.muli %arg1, %mul3A_75 : i32
    %add3A_77 = arith.constant 256 : i32
    %add3A_78 = arith.addi %mul3A_76, %add3A_77 : i32
    "tpu.region"() ({
      %run_scoped3A = tpu.sem_alloc : memref<!tpu.dma_semaphore, #tpu.memory_space<semaphore_mem>>
      %dma_start3A_87 = arith.constant 0 : i32
      %dma_start3A_88 = tpu.memref_slice %arg11[%add3A_78, %dma_start3A_87] : memref<10240x128xf32, #tpu.memory_space<vmem_shared>> -> memref<128x128xf32, #tpu.memory_space<vmem_shared>>
      %dma_start3A_89 = arith.constant 0 : i32
      %dma_start3A_90 = tpu.memref_slice %arg11[%add3A_78, %dma_start3A_89] : memref<10240x128xf32, #tpu.memory_space<vmem_shared>> -> memref<128x128xf32, #tpu.memory_space<vmem_shared>>
      tpu.enqueue_dma source(%dma_start3A_90 : memref<128x128xf32, #tpu.memory_space<vmem_shared>>) target(%arg9 : memref<128x128xf32, #tpu.memory_space<vmem>>) target_semaphore(%run_scoped3A : memref<!tpu.dma_semaphore, #tpu.memory_space<semaphore_mem>>)
      %dma_wait3A_91 = arith.constant 0 : i32
      %dma_wait3A_92 = tpu.memref_slice %arg11[%add3A_78, %dma_wait3A_91] : memref<10240x128xf32, #tpu.memory_space<vmem_shared>> -> memref<128x128xf32, #tpu.memory_space<vmem_shared>>
      %dma_wait3A_93 = arith.constant 0 : i32
      %dma_wait3A_94 = tpu.memref_slice %arg11[%add3A_78, %dma_wait3A_93] : memref<10240x128xf32, #tpu.memory_space<vmem_shared>> -> memref<128x128xf32, #tpu.memory_space<vmem_shared>>
      tpu.wait_dma2 semaphore(%run_scoped3A : memref<!tpu.dma_semaphore, #tpu.memory_space<semaphore_mem>>) src(%dma_wait3A_94 : memref<128x128xf32, #tpu.memory_space<vmem_shared>>) dst(%arg9 : memref<128x128xf32, #tpu.memory_space<vmem>>)
      tpu.yield
    }) : () -> ()
    "tpu.region"() ({
      %run_scoped3A = tpu.sem_alloc : memref<!tpu.dma_semaphore, #tpu.memory_space<semaphore_mem>>
      %dma_start3A_87 = arith.constant 0 : i32
      %dma_start3A_88 = tpu.memref_slice %arg6[%arg0, %add3A_78, %dma_start3A_87] : memref<2x10240x128xf32, #tpu.memory_space<hbm>> -> memref<1x128x128xf32, #tpu.memory_space<hbm>>
      %dma_start3A_89 = tpu.memref_squeeze %dma_start3A_88 : memref<1x128x128xf32, #tpu.memory_space<hbm>> -> memref<128x128xf32, #tpu.memory_space<hbm>>
      %dma_start3A_90 = arith.constant 0 : i32
      %dma_start3A_91 = tpu.memref_slice %arg6[%arg0, %add3A_78, %dma_start3A_90] : memref<2x10240x128xf32, #tpu.memory_space<hbm>> -> memref<1x128x128xf32, #tpu.memory_space<hbm>>
      %dma_start3A_92 = tpu.memref_squeeze %dma_start3A_91 : memref<1x128x128xf32, #tpu.memory_space<hbm>> -> memref<128x128xf32, #tpu.memory_space<hbm>>
      tpu.enqueue_dma source(%arg9 : memref<128x128xf32, #tpu.memory_space<vmem>>) target(%dma_start3A_92 : memref<128x128xf32, #tpu.memory_space<hbm>>) target_semaphore(%run_scoped3A : memref<!tpu.dma_semaphore, #tpu.memory_space<semaphore_mem>>)
      %dma_wait3A_93 = arith.constant 0 : i32
      %dma_wait3A_94 = tpu.memref_slice %arg6[%arg0, %add3A_78, %dma_wait3A_93] : memref<2x10240x128xf32, #tpu.memory_space<hbm>> -> memref<1x128x128xf32, #tpu.memory_space<hbm>>
      %dma_wait3A_95 = tpu.memref_squeeze %dma_wait3A_94 : memref<1x128x128xf32, #tpu.memory_space<hbm>> -> memref<128x128xf32, #tpu.memory_space<hbm>>
      %dma_wait3A_96 = arith.constant 0 : i32
      %dma_wait3A_97 = tpu.memref_slice %arg6[%arg0, %add3A_78, %dma_wait3A_96] : memref<2x10240x128xf32, #tpu.memory_space<hbm>> -> memref<1x128x128xf32, #tpu.memory_space<hbm>>
      %dma_wait3A_98 = tpu.memref_squeeze %dma_wait3A_97 : memref<1x128x128xf32, #tpu.memory_space<hbm>> -> memref<128x128xf32, #tpu.memory_space<hbm>>
      tpu.wait_dma2 semaphore(%run_scoped3A : memref<!tpu.dma_semaphore, #tpu.memory_space<semaphore_mem>>) src(%arg9 : memref<128x128xf32, #tpu.memory_space<vmem>>) dst(%dma_wait3A_98 : memref<128x128xf32, #tpu.memory_space<hbm>>)
      tpu.yield
    }) : () -> ()
    %mul3A_79 = arith.constant 640 : i32
    %mul3A_80 = arith.muli %arg1, %mul3A_79 : i32
    %add3A_81 = arith.constant 384 : i32
    %add3A_82 = arith.addi %mul3A_80, %add3A_81 : i32
    "tpu.region"() ({
      %run_scoped3A = tpu.sem_alloc : memref<!tpu.dma_semaphore, #tpu.memory_space<semaphore_mem>>
      %dma_start3A_87 = arith.constant 0 : i32
      %dma_start3A_88 = tpu.memref_slice %arg11[%add3A_82, %dma_start3A_87] : memref<10240x128xf32, #tpu.memory_space<vmem_shared>> -> memref<128x128xf32, #tpu.memory_space<vmem_shared>>
      %dma_start3A_89 = arith.constant 0 : i32
      %dma_start3A_90 = tpu.memref_slice %arg11[%add3A_82, %dma_start3A_89] : memref<10240x128xf32, #tpu.memory_space<vmem_shared>> -> memref<128x128xf32, #tpu.memory_space<vmem_shared>>
      tpu.enqueue_dma source(%dma_start3A_90 : memref<128x128xf32, #tpu.memory_space<vmem_shared>>) target(%arg9 : memref<128x128xf32, #tpu.memory_space<vmem>>) target_semaphore(%run_scoped3A : memref<!tpu.dma_semaphore, #tpu.memory_space<semaphore_mem>>)
      %dma_wait3A_91 = arith.constant 0 : i32
      %dma_wait3A_92 = tpu.memref_slice %arg11[%add3A_82, %dma_wait3A_91] : memref<10240x128xf32, #tpu.memory_space<vmem_shared>> -> memref<128x128xf32, #tpu.memory_space<vmem_shared>>
      %dma_wait3A_93 = arith.constant 0 : i32
      %dma_wait3A_94 = tpu.memref_slice %arg11[%add3A_82, %dma_wait3A_93] : memref<10240x128xf32, #tpu.memory_space<vmem_shared>> -> memref<128x128xf32, #tpu.memory_space<vmem_shared>>
      tpu.wait_dma2 semaphore(%run_scoped3A : memref<!tpu.dma_semaphore, #tpu.memory_space<semaphore_mem>>) src(%dma_wait3A_94 : memref<128x128xf32, #tpu.memory_space<vmem_shared>>) dst(%arg9 : memref<128x128xf32, #tpu.memory_space<vmem>>)
      tpu.yield
    }) : () -> ()
    "tpu.region"() ({
      %run_scoped3A = tpu.sem_alloc : memref<!tpu.dma_semaphore, #tpu.memory_space<semaphore_mem>>
      %dma_start3A_87 = arith.constant 0 : i32
      %dma_start3A_88 = tpu.memref_slice %arg6[%arg0, %add3A_82, %dma_start3A_87] : memref<2x10240x128xf32, #tpu.memory_space<hbm>> -> memref<1x128x128xf32, #tpu.memory_space<hbm>>
      %dma_start3A_89 = tpu.memref_squeeze %dma_start3A_88 : memref<1x128x128xf32, #tpu.memory_space<hbm>> -> memref<128x128xf32, #tpu.memory_space<hbm>>
      %dma_start3A_90 = arith.constant 0 : i32
      %dma_start3A_91 = tpu.memref_slice %arg6[%arg0, %add3A_82, %dma_start3A_90] : memref<2x10240x128xf32, #tpu.memory_space<hbm>> -> memref<1x128x128xf32, #tpu.memory_space<hbm>>
      %dma_start3A_92 = tpu.memref_squeeze %dma_start3A_91 : memref<1x128x128xf32, #tpu.memory_space<hbm>> -> memref<128x128xf32, #tpu.memory_space<hbm>>
      tpu.enqueue_dma source(%arg9 : memref<128x128xf32, #tpu.memory_space<vmem>>) target(%dma_start3A_92 : memref<128x128xf32, #tpu.memory_space<hbm>>) target_semaphore(%run_scoped3A : memref<!tpu.dma_semaphore, #tpu.memory_space<semaphore_mem>>)
      %dma_wait3A_93 = arith.constant 0 : i32
      %dma_wait3A_94 = tpu.memref_slice %arg6[%arg0, %add3A_82, %dma_wait3A_93] : memref<2x10240x128xf32, #tpu.memory_space<hbm>> -> memref<1x128x128xf32, #tpu.memory_space<hbm>>
      %dma_wait3A_95 = tpu.memref_squeeze %dma_wait3A_94 : memref<1x128x128xf32, #tpu.memory_space<hbm>> -> memref<128x128xf32, #tpu.memory_space<hbm>>
      %dma_wait3A_96 = arith.constant 0 : i32
      %dma_wait3A_97 = tpu.memref_slice %arg6[%arg0, %add3A_82, %dma_wait3A_96] : memref<2x10240x128xf32, #tpu.memory_space<hbm>> -> memref<1x128x128xf32, #tpu.memory_space<hbm>>
      %dma_wait3A_98 = tpu.memref_squeeze %dma_wait3A_97 : memref<1x128x128xf32, #tpu.memory_space<hbm>> -> memref<128x128xf32, #tpu.memory_space<hbm>>
      tpu.wait_dma2 semaphore(%run_scoped3A : memref<!tpu.dma_semaphore, #tpu.memory_space<semaphore_mem>>) src(%arg9 : memref<128x128xf32, #tpu.memory_space<vmem>>) dst(%dma_wait3A_98 : memref<128x128xf32, #tpu.memory_space<hbm>>)
      tpu.yield
    }) : () -> ()
    %mul3A_83 = arith.constant 640 : i32
    %mul3A_84 = arith.muli %arg1, %mul3A_83 : i32
    %add3A_85 = arith.constant 512 : i32
    %add3A_86 = arith.addi %mul3A_84, %add3A_85 : i32
    "tpu.region"() ({
      %run_scoped3A = tpu.sem_alloc : memref<!tpu.dma_semaphore, #tpu.memory_space<semaphore_mem>>
      %dma_start3A_87 = arith.constant 0 : i32
      %dma_start3A_88 = tpu.memref_slice %arg11[%add3A_86, %dma_start3A_87] : memref<10240x128xf32, #tpu.memory_space<vmem_shared>> -> memref<128x128xf32, #tpu.memory_space<vmem_shared>>
      %dma_start3A_89 = arith.constant 0 : i32
      %dma_start3A_90 = tpu.memref_slice %arg11[%add3A_86, %dma_start3A_89] : memref<10240x128xf32, #tpu.memory_space<vmem_shared>> -> memref<128x128xf32, #tpu.memory_space<vmem_shared>>
      tpu.enqueue_dma source(%dma_start3A_90 : memref<128x128xf32, #tpu.memory_space<vmem_shared>>) target(%arg9 : memref<128x128xf32, #tpu.memory_space<vmem>>) target_semaphore(%run_scoped3A : memref<!tpu.dma_semaphore, #tpu.memory_space<semaphore_mem>>)
      %dma_wait3A_91 = arith.constant 0 : i32
      %dma_wait3A_92 = tpu.memref_slice %arg11[%add3A_86, %dma_wait3A_91] : memref<10240x128xf32, #tpu.memory_space<vmem_shared>> -> memref<128x128xf32, #tpu.memory_space<vmem_shared>>
      %dma_wait3A_93 = arith.constant 0 : i32
      %dma_wait3A_94 = tpu.memref_slice %arg11[%add3A_86, %dma_wait3A_93] : memref<10240x128xf32, #tpu.memory_space<vmem_shared>> -> memref<128x128xf32, #tpu.memory_space<vmem_shared>>
      tpu.wait_dma2 semaphore(%run_scoped3A : memref<!tpu.dma_semaphore, #tpu.memory_space<semaphore_mem>>) src(%dma_wait3A_94 : memref<128x128xf32, #tpu.memory_space<vmem_shared>>) dst(%arg9 : memref<128x128xf32, #tpu.memory_space<vmem>>)
      tpu.yield
    }) : () -> ()
    "tpu.region"() ({
      %run_scoped3A = tpu.sem_alloc : memref<!tpu.dma_semaphore, #tpu.memory_space<semaphore_mem>>
      %dma_start3A_87 = arith.constant 0 : i32
      %dma_start3A_88 = tpu.memref_slice %arg6[%arg0, %add3A_86, %dma_start3A_87] : memref<2x10240x128xf32, #tpu.memory_space<hbm>> -> memref<1x128x128xf32, #tpu.memory_space<hbm>>
      %dma_start3A_89 = tpu.memref_squeeze %dma_start3A_88 : memref<1x128x128xf32, #tpu.memory_space<hbm>> -> memref<128x128xf32, #tpu.memory_space<hbm>>
      %dma_start3A_90 = arith.constant 0 : i32
      %dma_start3A_91 = tpu.memref_slice %arg6[%arg0, %add3A_86, %dma_start3A_90] : memref<2x10240x128xf32, #tpu.memory_space<hbm>> -> memref<1x128x128xf32, #tpu.memory_space<hbm>>
      %dma_start3A_92 = tpu.memref_squeeze %dma_start3A_91 : memref<1x128x128xf32, #tpu.memory_space<hbm>> -> memref<128x128xf32, #tpu.memory_space<hbm>>
      tpu.enqueue_dma source(%arg9 : memref<128x128xf32, #tpu.memory_space<vmem>>) target(%dma_start3A_92 : memref<128x128xf32, #tpu.memory_space<hbm>>) target_semaphore(%run_scoped3A : memref<!tpu.dma_semaphore, #tpu.memory_space<semaphore_mem>>)
      %dma_wait3A_93 = arith.constant 0 : i32
      %dma_wait3A_94 = tpu.memref_slice %arg6[%arg0, %add3A_86, %dma_wait3A_93] : memref<2x10240x128xf32, #tpu.memory_space<hbm>> -> memref<1x128x128xf32, #tpu.memory_space<hbm>>
      %dma_wait3A_95 = tpu.memref_squeeze %dma_wait3A_94 : memref<1x128x128xf32, #tpu.memory_space<hbm>> -> memref<128x128xf32, #tpu.memory_space<hbm>>
      %dma_wait3A_96 = arith.constant 0 : i32
      %dma_wait3A_97 = tpu.memref_slice %arg6[%arg0, %add3A_86, %dma_wait3A_96] : memref<2x10240x128xf32, #tpu.memory_space<hbm>> -> memref<1x128x128xf32, #tpu.memory_space<hbm>>
      %dma_wait3A_98 = tpu.memref_squeeze %dma_wait3A_97 : memref<1x128x128xf32, #tpu.memory_space<hbm>> -> memref<128x128xf32, #tpu.memory_space<hbm>>
      tpu.wait_dma2 semaphore(%run_scoped3A : memref<!tpu.dma_semaphore, #tpu.memory_space<semaphore_mem>>) src(%arg9 : memref<128x128xf32, #tpu.memory_space<vmem>>) dst(%dma_wait3A_98 : memref<128x128xf32, #tpu.memory_space<hbm>>)
      tpu.yield
    }) : () -> ()
    return
  }
}

module attributes {stable_mosaic.version = 14 : i64} {
  func.func @_mm_scale_body(%arg0: i32, %arg1: memref<2x1000x128xf32, #tpu.memory_space<vmem>>, %arg2: memref<1000x128xf32, #tpu.memory_space<vmem>>, %arg3: memref<128x128xf32, #tpu.memory_space<vmem>>, %arg4: memref<1000x128xf32, #tpu.memory_space<vmem>>) attributes {dimension_semantics = [#tpu.dimension_semantics<arbitrary>], iteration_bounds = array<i64: 10>, scalar_prefetch = 0 : i64, scratch_operands = 0 : i64, tpu.core_type = #tpu.core_type<tc>, window_params = [{transform_indices = @transform_0, window_bounds = array<i64: 2, 1000, 128>}, {transform_indices = @transform_1, window_bounds = array<i64: 1000, 128>}, {pipeline_mode = #tpu.pipeline_mode<synchronous>, transform_indices = @transform_2, window_bounds = array<i64: 128, 128>}, {transform_indices = @transform_3, window_bounds = array<i64: 1000, 128>}]} {
    %get3A = arith.constant 0 : index
    %get3A_0 = arith.constant 0 : index
    %get3A_1 = vector.load %arg2[%get3A, %get3A_0] : memref<1000x128xf32, #tpu.memory_space<vmem>>, vector<1000x128xf32>
    %get3A_2 = arith.constant 0 : index
    %get3A_3 = arith.constant 0 : index
    %get3A_4 = vector.load %arg3[%get3A_2, %get3A_3] : memref<128x128xf32, #tpu.memory_space<vmem>>, vector<128x128xf32>
    %dot_general3A = arith.constant dense<0.000000e+00> : vector<1000x128xf32>
    %dot_general3A_5 = tpu.matmul %get3A_1, %get3A_4, %dot_general3A {dimension_numbers = #tpu.dot_dimension_numbers<[1], [0], [0], [1], [0, 0, 1, 1], [], []>, transpose_lhs_hint = false} : vector<1000x128xf32>, vector<128x128xf32>, vector<1000x128xf32> -> vector<1000x128xf32>
    %get3A_6 = arith.constant 0 : index
    %get3A_7 = arith.constant 0 : index
    %get3A_8 = arith.constant 0 : index
    %get3A_9 = vector.load %arg1[%get3A_6, %get3A_7, %get3A_8] : memref<2x1000x128xf32, #tpu.memory_space<vmem>>, vector<1x1000x128xf32>
    %get3A_10 = vector.shape_cast %get3A_9 : vector<1x1000x128xf32> to vector<1000x128xf32>
    %get3A_11 = arith.constant 1 : index
    %get3A_12 = arith.constant 0 : index
    %get3A_13 = arith.constant 0 : index
    %get3A_14 = vector.load %arg1[%get3A_11, %get3A_12, %get3A_13] : memref<2x1000x128xf32, #tpu.memory_space<vmem>>, vector<1x1000x128xf32>
    %get3A_15 = vector.shape_cast %get3A_14 : vector<1x1000x128xf32> to vector<1000x128xf32>
    %add3A = arith.addf %get3A_10, %get3A_15 : vector<1000x128xf32>
    %gt3A = arith.constant 0.000000e+00 : f32
    %gt3A_16 = vector.broadcast %gt3A : f32 to vector<1000x128xf32>
    %gt3A_17 = arith.cmpf ogt, %add3A, %gt3A_16 : vector<1000x128xf32>
    %rsqrt3A = math.rsqrt %add3A : vector<1000x128xf32>
    %jit3A = arith.constant 0.000000e+00 : f32
    %broadcast_in_dim3A = vector.broadcast %jit3A : f32 to vector<1000x128xf32>
    %select_n3A = arith.select %gt3A_17, %rsqrt3A, %broadcast_in_dim3A : vector<1000x128xi1>, vector<1000x128xf32>
    %slice3A = vector.extract_strided_slice %select_n3A {offsets = [0, 0], sizes = [1000, 1], strides = [1, 1]} : vector<1000x128xf32> to vector<1000x1xf32>
    %mul3A = vector.broadcast %slice3A : vector<1000x1xf32> to vector<1000x128xf32>
    %mul3A_18 = arith.mulf %dot_general3A_5, %mul3A : vector<1000x128xf32>
    %swap3A = arith.constant 0 : index
    %swap3A_19 = arith.constant 0 : index
    %swap3A_20 = vector.load %arg4[%swap3A, %swap3A_19] : memref<1000x128xf32, #tpu.memory_space<vmem>>, vector<1000x128xf32>
    tpu.vector_store %arg4[%swap3A, %swap3A_19], %mul3A_18 {strides = array<i32>} : memref<1000x128xf32, #tpu.memory_space<vmem>>, vector<1000x128xf32>,
    return
  }
  func.func @transform_0(%arg0: i32) -> (i32, i32, i32) {
    %c0_i32 = arith.constant 0 : i32
    %c0_i32_0 = arith.constant 0 : i32
    %c0_i32_1 = arith.constant 0 : i32
    return %c0_i32, %arg0, %c0_i32_0 : i32, i32, i32
  }
  func.func @transform_1(%arg0: i32) -> (i32, i32) {
    %c0_i32 = arith.constant 0 : i32
    %c0_i32_0 = arith.constant 0 : i32
    return %arg0, %c0_i32 : i32, i32
  }
  func.func @transform_2(%arg0: i32) -> (i32, i32) {
    %c0_i32 = arith.constant 0 : i32
    %c0_i32_0 = arith.constant 0 : i32
    %c0_i32_1 = arith.constant 0 : i32
    return %c0_i32, %c0_i32_0 : i32, i32
  }
  func.func @transform_3(%arg0: i32) -> (i32, i32) {
    %c0_i32 = arith.constant 0 : i32
    %c0_i32_0 = arith.constant 0 : i32
    return %arg0, %c0_i32 : i32, i32
  }
}

module attributes {stable_mosaic.version = 14 : i64} {
  func.func @_combine_scale_mid_body(%arg0: i32, %arg1: memref<2x1000x128xf32, #tpu.memory_space<vmem>>, %arg2: memref<2x1000x128xf32, #tpu.memory_space<vmem>>, %arg3: memref<1000x128xf32, #tpu.memory_space<vmem>>) attributes {dimension_semantics = [#tpu.dimension_semantics<arbitrary>], iteration_bounds = array<i64: 10>, scalar_prefetch = 0 : i64, scratch_operands = 0 : i64, tpu.core_type = #tpu.core_type<tc>, window_params = [{transform_indices = @transform_0, window_bounds = array<i64: 2, 1000, 128>}, {transform_indices = @transform_1, window_bounds = array<i64: 2, 1000, 128>}, {transform_indices = @transform_2, window_bounds = array<i64: 1000, 128>}]} {
    %get3A = arith.constant 0 : index
    %get3A_0 = arith.constant 0 : index
    %get3A_1 = arith.constant 0 : index
    %get3A_2 = vector.load %arg1[%get3A, %get3A_0, %get3A_1] : memref<2x1000x128xf32, #tpu.memory_space<vmem>>, vector<1x1000x128xf32>
    %get3A_3 = vector.shape_cast %get3A_2 : vector<1x1000x128xf32> to vector<1000x128xf32>
    %get3A_4 = arith.constant 1 : index
    %get3A_5 = arith.constant 0 : index
    %get3A_6 = arith.constant 0 : index
    %get3A_7 = vector.load %arg1[%get3A_4, %get3A_5, %get3A_6] : memref<2x1000x128xf32, #tpu.memory_space<vmem>>, vector<1x1000x128xf32>
    %get3A_8 = vector.shape_cast %get3A_7 : vector<1x1000x128xf32> to vector<1000x128xf32>
    %add3A = arith.addf %get3A_3, %get3A_8 : vector<1000x128xf32>
    %gt3A = arith.constant 0.000000e+00 : f32
    %gt3A_9 = vector.broadcast %gt3A : f32 to vector<1000x128xf32>
    %gt3A_10 = arith.cmpf ogt, %add3A, %gt3A_9 : vector<1000x128xf32>
    %rsqrt3A = math.rsqrt %add3A : vector<1000x128xf32>
    %jit3A = arith.constant 0.000000e+00 : f32
    %broadcast_in_dim3A = vector.broadcast %jit3A : f32 to vector<1000x128xf32>
    %select_n3A = arith.select %gt3A_10, %rsqrt3A, %broadcast_in_dim3A : vector<1000x128xi1>, vector<1000x128xf32>
    %slice3A = vector.extract_strided_slice %select_n3A {offsets = [0, 0], sizes = [1000, 1], strides = [1, 1]} : vector<1000x128xf32> to vector<1000x1xf32>
    %get3A_11 = arith.constant 0 : index
    %get3A_12 = arith.constant 0 : index
    %get3A_13 = arith.constant 0 : index
    %get3A_14 = vector.load %arg2[%get3A_11, %get3A_12, %get3A_13] : memref<2x1000x128xf32, #tpu.memory_space<vmem>>, vector<1x1000x128xf32>
    %get3A_15 = vector.shape_cast %get3A_14 : vector<1x1000x128xf32> to vector<1000x128xf32>
    %get3A_16 = arith.constant 1 : index
    %get3A_17 = arith.constant 0 : index
    %get3A_18 = arith.constant 0 : index
    %get3A_19 = vector.load %arg2[%get3A_16, %get3A_17, %get3A_18] : memref<2x1000x128xf32, #tpu.memory_space<vmem>>, vector<1x1000x128xf32>
    %get3A_20 = vector.shape_cast %get3A_19 : vector<1x1000x128xf32> to vector<1000x128xf32>
    %add3A_21 = arith.addf %get3A_15, %get3A_20 : vector<1000x128xf32>
    %mul3A = arith.mulf %slice3A, %slice3A : vector<1000x1xf32>
    %mul3A_22 = vector.broadcast %mul3A : vector<1000x1xf32> to vector<1000x128xf32>
    %mul3A_23 = arith.mulf %add3A_21, %mul3A_22 : vector<1000x128xf32>
    %swap3A = arith.constant 0 : index
    %swap3A_24 = arith.constant 0 : index
    %swap3A_25 = vector.load %arg3[%swap3A, %swap3A_24] : memref<1000x128xf32, #tpu.memory_space<vmem>>, vector<1000x128xf32>
    tpu.vector_store %arg3[%swap3A, %swap3A_24], %mul3A_23 {strides = array<i32>} : memref<1000x128xf32, #tpu.memory_space<vmem>>, vector<1000x128xf32>,
    return
  }
  func.func @transform_0(%arg0: i32) -> (i32, i32, i32) {
    %c0_i32 = arith.constant 0 : i32
    %c0_i32_0 = arith.constant 0 : i32
    %c0_i32_1 = arith.constant 0 : i32
    return %c0_i32, %arg0, %c0_i32_0 : i32, i32, i32
  }
  func.func @transform_1(%arg0: i32) -> (i32, i32, i32) {
    %c0_i32 = arith.constant 0 : i32
    %c0_i32_0 = arith.constant 0 : i32
    %c0_i32_1 = arith.constant 0 : i32
    return %c0_i32, %arg0, %c0_i32_0 : i32, i32, i32
  }
  func.func @transform_2(%arg0: i32) -> (i32, i32) {
    %c0_i32 = arith.constant 0 : i32
    %c0_i32_0 = arith.constant 0 : i32
    return %arg0, %c0_i32 : i32, i32
  }
}

module attributes {stable_mosaic.version = 14 : i64} {
  func.func @_combine_scale_out_body(%arg0: i32, %arg1: memref<2x1000x128xf32, #tpu.memory_space<vmem>>, %arg2: memref<2x1000x128xf32, #tpu.memory_space<vmem>>, %arg3: memref<1000x64xf32, #tpu.memory_space<vmem>>) attributes {dimension_semantics = [#tpu.dimension_semantics<arbitrary>], iteration_bounds = array<i64: 10>, scalar_prefetch = 0 : i64, scratch_operands = 0 : i64, tpu.core_type = #tpu.core_type<tc>, window_params = [{transform_indices = @transform_0, window_bounds = array<i64: 2, 1000, 128>}, {transform_indices = @transform_1, window_bounds = array<i64: 2, 1000, 128>}, {transform_indices = @transform_2, window_bounds = array<i64: 1000, 64>}]} {
    %get3A = arith.constant 0 : index
    %get3A_0 = arith.constant 0 : index
    %get3A_1 = arith.constant 0 : index
    %get3A_2 = vector.load %arg1[%get3A, %get3A_0, %get3A_1] : memref<2x1000x128xf32, #tpu.memory_space<vmem>>, vector<1x1000x128xf32>
    %get3A_3 = vector.shape_cast %get3A_2 : vector<1x1000x128xf32> to vector<1000x128xf32>
    %get3A_4 = arith.constant 1 : index
    %get3A_5 = arith.constant 0 : index
    %get3A_6 = arith.constant 0 : index
    %get3A_7 = vector.load %arg1[%get3A_4, %get3A_5, %get3A_6] : memref<2x1000x128xf32, #tpu.memory_space<vmem>>, vector<1x1000x128xf32>
    %get3A_8 = vector.shape_cast %get3A_7 : vector<1x1000x128xf32> to vector<1000x128xf32>
    %add3A = arith.addf %get3A_3, %get3A_8 : vector<1000x128xf32>
    %gt3A = arith.constant 0.000000e+00 : f32
    %gt3A_9 = vector.broadcast %gt3A : f32 to vector<1000x128xf32>
    %gt3A_10 = arith.cmpf ogt, %add3A, %gt3A_9 : vector<1000x128xf32>
    %rsqrt3A = math.rsqrt %add3A : vector<1000x128xf32>
    %jit3A = arith.constant 0.000000e+00 : f32
    %broadcast_in_dim3A = vector.broadcast %jit3A : f32 to vector<1000x128xf32>
    %select_n3A = arith.select %gt3A_10, %rsqrt3A, %broadcast_in_dim3A : vector<1000x128xi1>, vector<1000x128xf32>
    %slice3A = vector.extract_strided_slice %select_n3A {offsets = [0, 0], sizes = [1000, 1], strides = [1, 1]} : vector<1000x128xf32> to vector<1000x1xf32>
    %get3A_11 = arith.constant 0 : index
    %get3A_12 = arith.constant 0 : index
    %get3A_13 = arith.constant 0 : index
    %get3A_14 = vector.load %arg2[%get3A_11, %get3A_12, %get3A_13] : memref<2x1000x128xf32, #tpu.memory_space<vmem>>, vector<1x1000x128xf32>
    %get3A_15 = vector.shape_cast %get3A_14 : vector<1x1000x128xf32> to vector<1000x128xf32>
    %get3A_16 = arith.constant 1 : index
    %get3A_17 = arith.constant 0 : index
    %get3A_18 = arith.constant 0 : index
    %get3A_19 = vector.load %arg2[%get3A_16, %get3A_17, %get3A_18] : memref<2x1000x128xf32, #tpu.memory_space<vmem>>, vector<1x1000x128xf32>
    %get3A_20 = vector.shape_cast %get3A_19 : vector<1x1000x128xf32> to vector<1000x128xf32>
    %add3A_21 = arith.addf %get3A_15, %get3A_20 : vector<1000x128xf32>
    %mul3A = vector.broadcast %slice3A : vector<1000x1xf32> to vector<1000x128xf32>
    %mul3A_22 = arith.mulf %add3A_21, %mul3A : vector<1000x128xf32>
    %slice3A_23 = vector.extract_strided_slice %mul3A_22 {offsets = [0, 0], sizes = [1000, 64], strides = [1, 1]} : vector<1000x128xf32> to vector<1000x64xf32>
    %swap3A = arith.constant 0 : index
    %swap3A_24 = arith.constant 0 : index
    %swap3A_25 = vector.load %arg3[%swap3A, %swap3A_24] : memref<1000x64xf32, #tpu.memory_space<vmem>>, vector<1000x64xf32>
    tpu.vector_store %arg3[%swap3A, %swap3A_24], %slice3A_23 {strides = array<i32>} : memref<1000x64xf32, #tpu.memory_space<vmem>>, vector<1000x64xf32>,
    return
  }
  func.func @transform_0(%arg0: i32) -> (i32, i32, i32) {
    %c0_i32 = arith.constant 0 : i32
    %c0_i32_0 = arith.constant 0 : i32
    %c0_i32_1 = arith.constant 0 : i32
    return %c0_i32, %arg0, %c0_i32_0 : i32, i32, i32
  }
  func.func @transform_1(%arg0: i32) -> (i32, i32, i32) {
    %c0_i32 = arith.constant 0 : i32
    %c0_i32_0 = arith.constant 0 : i32
    %c0_i32_1 = arith.constant 0 : i32
    return %c0_i32, %arg0, %c0_i32_0 : i32, i32, i32
  }
  func.func @transform_2(%arg0: i32) -> (i32, i32) {
    %c0_i32 = arith.constant 0 : i32
    %c0_i32_0 = arith.constant 0 : i32
    return %arg0, %c0_i32 : i32, i32
  }
}

</mosaic_0001>

<sc_bundles>
// kernel: kernel.11.cloned.1.call-start
scs
__scs_entry_jumppad:
0x0: {  	(pc) =	sbr.rel $0x88, $3  }
0x1: {  	(tag) =	ssettag $0x0;
	lr =	simm.s32 $0x1  }
0x2: {  	[smem:$0x3F9E] =	sst lr;
	_ =	strace $0xD0000000  }
0x3: {  	_ = 	snop  }
0x4: {  	_ = 	snop  }
0x5: {  	_ = 	snop  }
0x6: {  	_ = 	snop  }
0x7: {  	_ = 	snop  }
__scs_overlays_trampoline_lowered:
0x8: {  	[smem:$0x3FAD] =	sst s0  }
0x9: {  	[smem:$0x3FAE] =	sst s1  }
0xa: {  	[smem:$0x3FAF] =	sst s2  }
0xb: {  	[smem:$0x3FB0] =	sst s3  }
0xc: {  	[smem:$0x3FB1] =	sst s4  }
0xd: {  	[smem:$0x3FB2] =	sst s5  }
0xe: {  	[smem:$0x3FB3] =	sst s6  }
0xf: {  	[smem:$0x3FB4] =	sst s7  }
0x10: {  	[smem:$0x3FB5] =	sst s8  }
0x11: {  	[smem:$0x3FB6] =	sst s9;
	s0 =	simm.s32 @!p0 $0x0  }
0x12: {  	s1 =	sld [smem:$0x3F9C];
	s0 =	simm.s32 @p0 $0x1  }
0x13: {  	[smem:$0x3FB7] =	sst s0;
	s0 =	simm.s32 @!p1 $0x0  }
0x14: {  	s2 =	sld [smem:$0x3F9B];
	s0 =	simm.s32 @p1 $0x1  }
0x15: {  	[smem:$0x3FB8] =	sst s0;
	s0 =	simm.s32 @!p2 $0x0  }
0x16: {  	s3 =	sld [smem:$0x3FDB];
	s0 =	simm.s32 @p2 $0x1  }
0x17: {  	s4 =	simm.s32 $0x1BF5;
	[smem:$0x3FBA] =	sst s0  }
0x18: {  	s0 =	sld [smem:$0x3F9D];
	_ =	swait.ge [sflag:s4], $0x0  }
0x19: {  	s7 =	sld [smem:$0x3F9E]  }
0x1a: {  	s8 =	sadd.s32 $0xFFFFE003, lr  }
0x1b: {  	s9 =	sadd.s32 $0xFFFFFEF7, lr;
	s5 =	simm.s32 $0xFFFFFFFF;
	p2 =	slt.u32 s8, $0xFFFFF086  }
0x1c: {  	p1 =	slt.u32 s9, $0xF7A;
	s5 =	simm.s32 @!p2 $0x0  }
0x1d: {  	s5 =	simm.s32 @p1 $0x1;
	p0 =	seq.s32 s7, s2  }
0x1e: {  	s7 =	smul.u32 @!p0 $0xF7A, s2;
	p2 =	seq.s32 @!p0 s5, $0x0  }
0x1f: {  	s9 =	smul.u32 $0xF7A, s1;
	s8 =	simm.s32 @!p0 $0x1BF5;
	p2 =	por !p2, p0  }
0x20: {  	[sflag:s8] =	ssyncset.s32 @!p0 $0xFFFFF086;
	s6 =	sadd.s32 @!p0 s3, s7;
	s7 =	simm.s32 @!p0 $0x108  }
0x21: {  	s3 =	sadd.s32 s3, s9;
	s6 =	sadd.s32 @!p0 $0x88, s6;
	s7 =	simm.s32 @p2 $0x1082  }
0x22: {  	[simem:s7], [sflag:s8] =	dma.local @!p0 [hbm:s6], $0xF7A  }
0x23: {  	s9 =	sor.u32 $0xD0000000, s2;
	s6 =	simm.s32 $0x108;
	_ =	swait.ge @!p0 [sflag:s8], $0x0  }
0x24: {  	s3 =	sadd.s32 $0x88, s3;
	s6 =	simm.s32 @!p1 $0x1082;
	[sflag:s4] =	ssyncset.s32 $0xFFFFF086  }
0x25: {  	[simem:s6], [sflag:s4] =	dma.local [hbm:s3], $0xF7A  }
0x26: {  	[smem:$0x3F9E] =	sst s1;
	(tag) =	ssettag s2;
	_ =	strace s9  }
0x27: {  	s1 =	sld [smem:$0x3FAE]  }
0x28: {  	s2 =	sld [smem:$0x3FAF]  }
0x29: {  	s4 =	sld [smem:$0x3FB1]  }
0x2a: {  	p0 =	seq.s32 s5, $0x0;
	s5 =	sld [smem:$0x3FB2]  }
0x2b: {  	s6 =	sld [smem:$0x3FB3]  }
0x2c: {  	s7 =	sld [smem:$0x3FB4]  }
0x2d: {  	s3 =	simm.s32 $0x108;
	s8 =	sld [smem:$0x3FB5]  }
0x2e: {  	s3 =	simm.s32 @!p0 $0x1082;
	s9 =	sld [smem:$0x3FB6]  }
0x2f: {  	lr =	sadd.s32 s0, s3;
	s0 =	sld [smem:$0x3FAD]  }
0x30: {  	s3 =	sld [smem:$0x3FB0]  }
0x31: {  	[smem:$0x3FB9] =	sst s10  }
0x32: {  	s10 =	sld [smem:$0x3FB7];
	_ =	sdelay $0x3  }
0x33: {  	p0 =	seq.s32 s10, $0x1;
	s10 =	sld [smem:$0x3FB9];
	_ =	sdelay $0x3  }
0x34: {  	[smem:$0x3FB9] =	sst s10  }
0x35: {  	s10 =	sld [smem:$0x3FB8];
	_ =	sdelay $0x3  }
0x36: {  	p1 =	seq.s32 s10, $0x1;
	s10 =	sld [smem:$0x3FB9];
	_ =	sdelay $0x3  }
0x37: {  	[smem:$0x3FB9] =	sst s10  }
0x38: {  	s10 =	sld [smem:$0x3FBA]  }
0x39: {  	_ = 	snop;
	(pc) =	sbr.ind lr, $3  }
0x3a: {  	_ = 	snop  }
0x3b: {  	_ = 	snop  }
0x3c: {  	p2 =	seq.s32 s10, $0x1;
	s10 =	sld [smem:$0x3FB9]  }
0x3d: {  	_ =	shalt  }
0x3e: {  	_ =	shalt  }
0x3f: {  	_ =	shalt  }
0x40: {  	_ =	shalt  }
0x41: {  	_ =	shalt  }
0x42: {  	_ =	shalt  }
0x43: {  	_ =	shalt  }
0x44: {  	_ =	shalt  }
0x45: {  	_ =	shalt  }
0x46: {  	_ =	shalt  }
0x47: {  	_ =	shalt  }
0x48: {  	_ =	shalt  }
0x49: {  	_ =	shalt  }
0x4a: {  	_ =	shalt  }
0x4b: {  	_ =	shalt  }
0x4c: {  	_ =	shalt  }
0x4d: {  	_ =	shalt  }
0x4e: {  	_ =	shalt  }
0x4f: {  	_ =	shalt  }
0x50: {  	_ =	shalt  }
0x51: {  	_ =	shalt  }
0x52: {  	_ =	shalt  }
0x53: {  	_ =	shalt  }
0x54: {  	_ =	shalt  }
0x55: {  	_ =	shalt  }
0x56: {  	_ =	shalt  }
0x57: {  	_ =	shalt  }
0x58: {  	_ =	shalt  }
0x59: {  	_ =	shalt  }
0x5a: {  	_ =	shalt  }
0x5b: {  	_ =	shalt  }
0x5c: {  	_ =	shalt  }
0x5d: {  	_ =	shalt  }
0x5e: {  	_ =	shalt  }
0x5f: {  	_ =	shalt  }
0x60: {  	_ =	shalt  }
0x61: {  	_ =	shalt  }
0x62: {  	_ =	shalt  }
0x63: {  	_ =	shalt  }
0x64: {  	_ =	shalt  }
0x65: {  	_ =	shalt  }
0x66: {  	_ =	shalt  }
0x67: {  	_ =	shalt  }
0x68: {  	_ =	shalt  }
0x69: {  	_ =	shalt  }
0x6a: {  	_ =	shalt  }
0x6b: {  	_ =	shalt  }
0x6c: {  	_ =	shalt  }
0x6d: {  	_ =	shalt  }
0x6e: {  	_ =	shalt  }
0x6f: {  	_ =	shalt  }
0x70: {  	_ =	shalt  }
0x71: {  	_ =	shalt  }
0x72: {  	_ =	shalt  }
0x73: {  	_ =	shalt  }
0x74: {  	_ =	shalt  }
0x75: {  	_ =	shalt  }
0x76: {  	_ =	shalt  }
0x77: {  	_ =	shalt  }
0x78: {  	_ =	shalt  }
0x79: {  	_ =	shalt  }
0x7a: {  	_ =	shalt  }
0x7b: {  	_ =	shalt  }
0x7c: {  	_ =	shalt  }
0x7d: {  	_ =	shalt  }
0x7e: {  	_ =	shalt  }
0x7f: {  	_ =	shalt  }
0x80: {  	_ =	shalt  }
0x81: {  	_ =	shalt  }
0x82: {  	_ =	shalt  }
0x83: {  	_ =	shalt  }
0x84: {  	_ =	shalt  }
0x85: {  	_ =	shalt  }
0x86: {  	_ =	shalt  }
0x87: {  	_ =	shalt  }
.Lfunc_end0:
.L_simem_size_0:
called_computation.1_lowered:
.L_overlay_start_0:
0x88: {  	s2 =	sld [smem:$0x3FD9]  }
0x89: {  	s3 =	sld [smem:$0x3FFE];
	_ =	sdelay $0x1  }
0x8a: {  	s1 =	srdreg.scid  }
0x8b: {  	s0 =	sand.u32 $0x1, s1  }
0x8c: {  	s17 =	sshll.u32 s0, $0xA;
	s2 =	sadd.s32 s3, s2  }
0x8d: {  	s2 =	sadd.s32 s2, s17  }
0x8e: {  	[smem:$0x3FC5] =	sst s2  }
0x8f: {  	_ = 	snop  }
0x90: {  	s2 =	sld [smem:$0x3FD0];
	(tm) =	ssettm $0x1  }
0x91: {  	s18 =	sld [smem:$0x3FFB];
	_ =	sdelay $0x3  }
0x92: {  	_ =	strace s18  }
0x93: {  	s3 =	sld [smem:$0x3FFC];
	_ =	sdelay $0x3  }
0x94: {  	_ =	strace s3  }
0x95: {  	s3 =	sld [smem:$0x3FFD];
	_ =	sdelay $0x3  }
0x96: {  	_ =	strace s3  }
0x97: {  	_ =	strace $0x8FFFFFFF  }
0x98: {  	s19 =	sld [smem:$0x3FDB];
	_ =	sdelay $0x1  }
0x99: {  	s4 =	simm.s32 $_scs_section_size  }
0x9a: {  	s5 =	simm.s32 $_size__tile_overlayer_lowered;
	s6 =	simm.s32 $_tile_overlayer_lowered  }
0x9b: {  	s22 =	simm.s32 $0x1BFF;
	s21 =	sshll.u32 s6, $0x1;
	s3 =	sadd.s32 s4, s19  }
0x9c: {  	s7 =	simm.s32 $0x0;
	s20 =	sshll.u32 s5, $0x1;
	s5 =	sadd.s32 s21, s3  }
0x9d: {  	[timem:s7], [sflag:s22] =	dma.local [hbm:s5], s20  }
0x9e: {  	_ =	swait.ge [sflag:s22], s20  }
0x9f: {  	s4 =	ssub.s32 $0x0, s20;
	[sflag:s22] =	ssyncset.done $0x0  }
0xa0: {  	[sflag:s22] =	ssyncadd.s32 s4;
	_ =	sdelay $0x1  }
0xa1: {  	s23 =	simm.s32 $0x1B8B  }
0xa2: {  	_ =	swait.ge [sflag:s23], $0x1  }
0xa3: {  	[sflag:s23] =	ssyncset.done $0x0  }
0xa4: {  	s25 =	simm.s32 $0x1B8E;
	s24 =	sld [smem:$0x3FFE];
	[sflag:s23] =	ssyncadd.s32 $0xFFFFFFFF  }
0xa5: {  	s26 =	simm.s32 $execute0_lowered;
	[smem:$0x3FD2] =	sst s25  }
0xa6: {  	s5 =	sshll.u32 s26, $0x1;
	_ =	strace $0x80000049;
	[dreg:$0x1] =	wrdreg $0xFFFFFFFF  }
0xa7: {  	s28 =	simm.s32 $_size_execute0_lowered;
	s3 =	sadd.s32 s3, s5;
	[dreg:$0x0] =	wrdreg $0x0  }
0xa8: {  	s5 =	sshll.u32 s28, $0x1;
	[dreg:$0x2] =	wrdreg s3  }
0xa9: {  	[dreg:$0x3] =	wrdreg s5  }
0xaa: {  	[dreg:$0x4] =	wrdreg $0xC0  }
0xab: {  	_ =	task [dreg:s7], $0x5FFFF  }
0xac: {  	[dreg:$0x1] =	wrdreg $0xFFFFFFFF  }
0xad: {  	[dreg:$0x0] =	wrdreg $0x60  }
0xae: {  	[dreg:$0x2] =	wrdreg s24  }
0xaf: {  	[dreg:$0x3] =	wrdreg s2  }
0xb0: {  	[dreg:$0x4] =	wrdreg $0xA8000  }
0xb1: {  	[dreg:$0x5] =	wrdreg $0x9  }
0xb2: {  	_ =	task.clear_ibuf [dreg:s7], $0x6FFFF;
	_ =	strace $0x90000049  }
0xb3: {  	s29 =	simm.s32 $0x9;
	_ =	strace $0x8000004B  }
0xb4: {  	_ =	swait.ge [sflag:s29], $0x1  }
0xb5: {  	[sflag:s29] =	ssyncadd.s32 $0xFFFFFFFF  }
0xb6: {  	_ =	strace $0x9000004B  }
0xb7: {  	_ =	sfence  }
0xb8: {  	s30 =	sld [smem:$0x0];
	_ =	sdelay $0x2  }
0xb9: {  	s31 =	sshll.u32 s1, $0xD;
	s1 =	sshrl.u32 s1, $0x2  }
0xba: {  	s3 =	sand.u32 $0x4000, s31;
	s1 =	sadd.s32 s1, s30  }
0xbb: {  	s0 =	sor.u32 s3, s0;
	s1 =	sshll.u32 s1, $0x11  }
0xbc: {  	s0 =	sor.u32 s1, s0  }
0xbd: {  	s0 =	sadd.s32 $0x8F2B, s0  }
0xbe: {  	[sflag:s0] =	ssyncadd.remote.s32 $0x1  }
0xbf: {  	_ =	sfence.sel $0xFFFF  }
0xc0: {  	[dreg:$0x0] =	wrdreg $0xFFFFFFFF;
	(pc) =	sbr.abs _section_cstart, $3  }
0xc1: {  	[dreg:$0x1] =	wrdreg $0xFFFFFFFF  }
0xc2: {  	_ =	task.clear_ibuf [dreg:s7], $0x2FFFF;
	_ =	strace $0x9FFFFFFF  }
0xc3: {  	(tm) =	ssettm $0x7FFFFFFF  }
tec
execute0_lowered:
.L_overlay_start_1:
0x0: {  	(tag) =	ssettag $0x1  }
0x1: {  	s0 =	rddreg [dreg:$0x0]  }
0x2: {  	s3 =	rddreg [dreg:$0x1]  }
0x3: {  	s1 =	rddreg [dreg:$0x2]  }
0x4: {  	s2 =	simm.s32 $0x0;
	s5 =	srdreg.scid;
	s9 =	stileid.u32  }
0x5: {  	s28 =	simm.s32 $0x2;
	s29 =	simm.s32 $0x3;
	s30 =	simm.s32 $0x4  }
0x6: {  	s31 =	simm.s32 $0x2700;
	[smem:$0x7FF] =	sst s2;
	s4 =	sadd.s32 $0xB800, s0  }
0x7: {  	s11 =	sadd.s32 $0x1000, s0;
	s5 =	sand.u32 $0x1, s5;
	s7 =	smul.u32 $0x50000, s9  }
0x8: {  	s6 =	sadd.s32 $0xB000, s0;
	s0 =	sadd.s32 $0x33800, s0;
	s13 =	smul.u32 $0x14000, s9  }
0x9: {  	_ =	strace $0x8000004A;
	[dreg:$0x4] =	wrdreg s6;
	s10 =	ssub.s32 $0x2, s5  }
0xa: {  	s12 =	sshll.u32 s5, $0x4;
	s5 =	smul.u32 $0x140000, s5;
	s8 =	sshrl.u32 s10, $0x1  }
0xb: {  	s7 =	sshrl.u32 s7, $0x2;
	s9 =	sor.u32 s9, s12;
	s14 =	sadd.s32 $0x4000, s13  }
0xc: {  	s17 =	sadd.s32 $0x8000, s13;
	s18 =	sadd.s32 $0xC000, s13;
	s19 =	sadd.s32 $0x10000, s13  }
0xd: {  	s20 =	ssub.s32 s10, s8;
	s6 =	sadd.s32 s7, s1;
	s12 =	smul.u32 $0x500, s9  }
0xe: {  	s7 =	sadd.s32 s14, s1;
	s8 =	sadd.s32 s17, s1;
	s15 =	smul.u32 $0x2800, s9  }
0xf: {  	s9 =	sadd.s32 s18, s1;
	s10 =	sadd.s32 s19, s1;
	s13 =	sadd.s32 s13, s5  }
0x10: {  	s22 =	sadd.s32 s5, s14;
	s24 =	sadd.s32 s5, s17;
	s25 =	sadd.s32 s5, s18  }
0x11: {  	s5 =	sadd.s32 s5, s19;
	s21 =	sshrl.u32 s13, $0x3;
	s23 =	sshrl.u32 s22, $0x3  }
0x12: {  	s26 =	sshrl.u32 s5, $0x3;
	s20 =	smax.u32 s20, $0x1;
	s22 =	simm.s32 $0x5  }
0x13: {  	s5 =	simm.s32 $0x0;
	s16 =	sadd.s32 s11, s12;
	s15 =	sshrl.u32 s15, $0x3  }
0x14: {  	s12 =	sadd.s32 s3, s12;
	s19 =	sadd.s32 s0, s26;
	[dreg:$0x5] =	wrdreg s16  }
0x15: {  	s26 =	simm.s32 $0x6800;
	[dreg:$0x6] =	wrdreg s12;
	s15 =	sadd.s32 $0x280, s15  }
0x16: {  	s16 =	sadd.s32 s0, s23;
	s23 =	simm.s32 $0x1400;
	s11 =	sadd.s32 s11, s15  }
0x17: {  	s14 =	sadd.s32 s3, s15;
	s15 =	sadd.s32 s0, s21;
	s3 =	sshrl.u32 s24, $0x3  }
0x18: {  	s21 =	simm.s32 $0x2800;
	s24 =	simm.s32 $0x80;
	[dreg:$0x7] =	wrdreg s11  }
0x19: {  	s11 =	sshrl.u32 s25, $0x3;
	s17 =	sadd.s32 s0, s3;
	s25 =	simm.s32 $0x1  }
0x1a: {  	s3 =	simm.s32 $0x2780;
	s18 =	sadd.s32 s0, s11;
	s0 =	simm.s32 $0x1380  }
.LBB2_1:
0x1b: {  	s11 =	rddreg [dreg:$0x4]  }
0x1c: {  	[tilespmem:s21], [sflag:$0x5] =	stream.linear.gather [hbm4b:s11+s2], $0x4000, $0x38;
	[tilespmem:$0x1E800] =	vst v63  }
0x1d: {  	_ =	swait.ge [sflag:s22], $0x4000  }
0x1e: {  	[sflag:s22] =	ssyncset.done $0x0  }
0x1f: {  	[sflag:s22] =	ssyncadd.s32 $0xFFFFC000  }
0x20: {  	[spmem:s6] =	stream.linear.scatter [tilespmem:s21], [sflag:$0x5], $0x4000, $0x38;
	[tilespmem:$0x1E800] =	vst v63  }
0x21: {  	_ =	swait.ge [sflag:s22], $0x4000  }
0x22: {  	[sflag:s22] =	ssyncset.done $0x0  }
0x23: {  	[sflag:s22] =	ssyncadd.s32 $0xFFFFC000  }
0x24: {  	[spmem:s7] =	stream.linear.scatter [tilespmem:s21], [sflag:$0x5], $0x4000, $0x38;
	[tilespmem:$0x1E800] =	vst v63  }
0x25: {  	_ =	swait.ge [sflag:s22], $0x4000  }
0x26: {  	[sflag:s22] =	ssyncset.done $0x0  }
0x27: {  	[sflag:s22] =	ssyncadd.s32 $0xFFFFC000  }
0x28: {  	[spmem:s8] =	stream.linear.scatter [tilespmem:s21], [sflag:$0x5], $0x4000, $0x38;
	[tilespmem:$0x1E800] =	vst v63  }
0x29: {  	_ =	swait.ge [sflag:s22], $0x4000  }
0x2a: {  	[sflag:s22] =	ssyncset.done $0x0  }
0x2b: {  	[sflag:s22] =	ssyncadd.s32 $0xFFFFC000  }
0x2c: {  	[spmem:s9] =	stream.linear.scatter [tilespmem:s21], [sflag:$0x5], $0x4000, $0x38;
	[tilespmem:$0x1E800] =	vst v63  }
0x2d: {  	_ =	swait.ge [sflag:s22], $0x4000  }
0x2e: {  	[sflag:s22] =	ssyncset.done $0x0  }
0x2f: {  	[sflag:s22] =	ssyncadd.s32 $0xFFFFC000  }
0x30: {  	[spmem:s10] =	stream.linear.scatter [tilespmem:s21], [sflag:$0x5], $0x4000, $0x38;
	[tilespmem:$0x1E800] =	vst v63  }
0x31: {  	_ =	swait.ge [sflag:s22], $0x4000  }
0x32: {  	[sflag:s22] =	ssyncset.done $0x0  }
0x33: {  	[sflag:s22] =	ssyncadd.s32 $0xFFFFC000  }
0x34: {  	[bflag:$0x0] =	sbarrier.arrive $0xFFFF  }
0x35: {  	s12 =	rddreg [dreg:$0x5]  }
0x36: {  	[tilespmem:s2], [sflag:$0x5] =	stream.linear.gather [hbm4b:s12+s2], $0x1400, $0x38;
	[tilespmem:$0x1E800] =	vst v63  }
0x37: {  	_ =	swait.ge [sflag:s22], $0x1400  }
0x38: {  	[sflag:s22] =	ssyncset.done $0x0  }
0x39: {  	s13 =	rddreg [dreg:$0x6];
	[sflag:s22] =	ssyncadd.s32 $0xFFFFEC00  }
0x3a: {  	[tilespmem:s23], [sflag:$0x5] =	stream.linear.gather [hbm4b:s13+s2], $0x1400, $0x38;
	[tilespmem:$0x1E800] =	vst v63  }
0x3b: {  	_ =	swait.ge [sflag:s22], $0x1400  }
0x3c: {  	[sflag:s22] =	ssyncset.done $0x0  }
0x3d: {  	[sflag:s22] =	ssyncadd.s32 $0xFFFFEC00  }
0x3e: {  	[tilespmem:s21], [sflag:$0x1] =	stream.indirect.gather [hbm4b:s4+s24], $0x80, s2, s24, $0xb8;
	[tilespmem:$0x1E800] =	vst v63  }
0x3f: {  	_ =	swait.ge [sflag:s25], $0x4000  }
0x40: {  	[sflag:s25] =	ssyncset.done $0x0  }
0x41: {  	s12 =	simm.s32 $0x1400;
	[sflag:s25] =	ssyncadd.s32 $0xFFFFC000  }
0x42: {  	[spmem:s1] =	stream.indirect.scatter.add.f32 [tilespmem:s21], [sflag:$0x3], $0x80, s12, s24, $0xb8;
	[tilespmem:$0x1E800] =	vst v63  }
0x43: {  	s13 =	simm.s32 $0x80  }
0x44: {  	[tilespmem:s26], [sflag:$0x2] =	stream.indirect.gather [hbm4b:s4+s24], $0x80, s13, s24, $0xb8;
	[tilespmem:$0x1E800] =	vst v63  }
0x45: {  	_ =	swait.ge [sflag:s28], $0x4000  }
0x46: {  	[sflag:s28] =	ssyncset.done $0x0  }
0x47: {  	s12 =	simm.s32 $0x1480;
	[sflag:s28] =	ssyncadd.s32 $0xFFFFC000  }
0x48: {  	[spmem:s1] =	stream.indirect.scatter.add.f32 [tilespmem:s26], [sflag:$0x4], $0x80, s12, s24, $0xb8;
	[tilespmem:$0x1E800] =	vst v63  }
0x49: {  	_ =	swait.ge [sflag:s29], $0x4000  }
0x4a: {  	[sflag:s29] =	ssyncset.done $0x0  }
0x4b: {  	s13 =	simm.s32 $0x100;
	[sflag:s29] =	ssyncadd.s32 $0xFFFFC000  }
0x4c: {  	[tilespmem:s21], [sflag:$0x1] =	stream.indirect.gather [hbm4b:s4+s24], $0x80, s13, s24, $0xb8;
	[tilespmem:$0x1E800] =	vst v63  }
0x4d: {  	_ =	swait.ge [sflag:s30], $0x4000  }
0x4e: {  	s11 =	simm.s32 $0x400;
	[sflag:s30] =	ssyncset.done $0x0  }
.LBB2_2:
0x4f: {  	p0 =	sne.s32 s11, $0x4800  }
0x50: {  	[sflag:s30] =	ssyncadd.s32 $0xFFFFC000;
	s12 =	smov.u32 s11;
	s11 =	sadd.s32 $0x400, s11  }
0x51: {  	_ =	swait.ge [sflag:s25], $0x4000  }
0x52: {  	s12 =	sshra.s32 s12, $0x2;
	[sflag:s25] =	ssyncset.done $0x0  }
0x53: {  	s13 =	sadd.s32 $0x1400, s12;
	[sflag:s25] =	ssyncadd.s32 $0xFFFFC000  }
0x54: {  	[spmem:s1] =	stream.indirect.scatter.add.f32 [tilespmem:s21], [sflag:$0x3], $0x80, s13, s24, $0xb8;
	[tilespmem:$0x1E800] =	vst v63  }
0x55: {  	s13 =	sadd.s32 $0x80, s12  }
0x56: {  	[tilespmem:s26], [sflag:$0x2] =	stream.indirect.gather [hbm4b:s4+s24], $0x80, s13, s24, $0xb8;
	[tilespmem:$0x1E800] =	vst v63  }
0x57: {  	_ =	swait.ge [sflag:s28], $0x4000  }
0x58: {  	[sflag:s28] =	ssyncset.done $0x0  }
0x59: {  	s13 =	sadd.s32 $0x1480, s12;
	[sflag:s28] =	ssyncadd.s32 $0xFFFFC000  }
0x5a: {  	[spmem:s1] =	stream.indirect.scatter.add.f32 [tilespmem:s26], [sflag:$0x4], $0x80, s13, s24, $0xb8;
	[tilespmem:$0x1E800] =	vst v63  }
0x5b: {  	_ =	swait.ge [sflag:s29], $0x4000  }
.Ltmp0:
0x5c: {  	[sflag:s29] =	ssyncset.done $0x0;
	(pc) =	sbr.rel @p0 .LBB2_2-.Ltmp0, $4  }
0x5d: {  	s12 =	sadd.s32 $0x100, s12;
	[sflag:s29] =	ssyncadd.s32 $0xFFFFC000  }
0x5e: {  	[tilespmem:s21], [sflag:$0x1] =	stream.indirect.gather [hbm4b:s4+s24], $0x80, s12, s24, $0xb8;
	[tilespmem:$0x1E800] =	vst v63  }
0x5f: {  	_ =	swait.ge [sflag:s30], $0x4000  }
0x60: {  	[sflag:s30] =	ssyncset.done $0x0  }
0x61: {  	[sflag:s30] =	ssyncadd.s32 $0xFFFFC000  }
0x62: {  	_ =	swait.ge [sflag:s25], $0x4000  }
0x63: {  	[sflag:s25] =	ssyncset.done $0x0  }
0x64: {  	[sflag:s25] =	ssyncadd.s32 $0xFFFFC000  }
0x65: {  	[spmem:s1] =	stream.indirect.scatter.add.f32 [tilespmem:s21], [sflag:$0x3], $0x80, s31, s24, $0xb8;
	[tilespmem:$0x1E800] =	vst v63  }
0x66: {  	_ = 	snop  }
0x67: {  	[tilespmem:s26], [sflag:$0x2] =	stream.indirect.gather [hbm4b:s4+s24], $0x80, s0, s24, $0xb8;
	[tilespmem:$0x1E800] =	vst v63  }
0x68: {  	_ =	swait.ge [sflag:s28], $0x4000  }
0x69: {  	[sflag:s28] =	ssyncset.done $0x0  }
0x6a: {  	[sflag:s28] =	ssyncadd.s32 $0xFFFFC000  }
0x6b: {  	[spmem:s1] =	stream.indirect.scatter.add.f32 [tilespmem:s26], [sflag:$0x4], $0x80, s3, s24, $0xb8;
	[tilespmem:$0x1E800] =	vst v63  }
0x6c: {  	_ =	swait.ge [sflag:s29], $0x4000  }
0x6d: {  	[sflag:s29] =	ssyncset.done $0x0  }
0x6e: {  	[sflag:s29] =	ssyncadd.s32 $0xFFFFC000  }
0x6f: {  	[tilespmem:s21], [sflag:$0x1] =	stream.indirect.gather [hbm4b:s4+s24], $0x80, s0, s24, $0xb8;
	[tilespmem:$0x1E800] =	vst v63  }
0x70: {  	_ =	swait.ge [sflag:s30], $0x4000  }
0x71: {  	[sflag:s30] =	ssyncset.done $0x0  }
0x72: {  	[sflag:s30] =	ssyncadd.s32 $0xFFFFC000  }
0x73: {  	_ =	swait.ge [sflag:s25], $0x4000  }
0x74: {  	[sflag:s25] =	ssyncset.done $0x0  }
0x75: {  	s11 =	simm.s32 $0x0;
	s12 =	rddreg [dreg:$0x7];
	[sflag:s25] =	ssyncadd.s32 $0xFFFFC000  }
0x76: {  	[tilespmem:s11], [sflag:$0x5] =	stream.linear.gather [hbm4b:s12+s11], $0x1400, $0x38;
	[tilespmem:$0x1E800] =	vst v63  }
0x77: {  	_ =	swait.ge [sflag:s22], $0x1400  }
0x78: {  	[sflag:s22] =	ssyncset.done $0x0  }
0x79: {  	[sflag:s22] =	ssyncadd.s32 $0xFFFFEC00  }
0x7a: {  	[tilespmem:s23], [sflag:$0x5] =	stream.linear.gather [hbm4b:s14+s11], $0x1400, $0x38;
	[tilespmem:$0x1E800] =	vst v63  }
0x7b: {  	_ =	swait.ge [sflag:s22], $0x1400  }
0x7c: {  	[sflag:s22] =	ssyncset.done $0x0  }
0x7d: {  	[sflag:s22] =	ssyncadd.s32 $0xFFFFEC00  }
0x7e: {  	[tilespmem:s21], [sflag:$0x1] =	stream.indirect.gather [hbm4b:s4+s24], $0x80, s11, s24, $0xb8;
	[tilespmem:$0x1E800] =	vst v63  }
0x7f: {  	_ =	swait.ge [sflag:s25], $0x4000  }
0x80: {  	[sflag:s25] =	ssyncset.done $0x0  }
0x81: {  	s12 =	simm.s32 $0x1400;
	[sflag:s25] =	ssyncadd.s32 $0xFFFFC000  }
0x82: {  	[spmem:s1] =	stream.indirect.scatter.add.f32 [tilespmem:s21], [sflag:$0x3], $0x80, s12, s24, $0xb8;
	[tilespmem:$0x1E800] =	vst v63  }
0x83: {  	s13 =	simm.s32 $0x80  }
0x84: {  	[tilespmem:s26], [sflag:$0x2] =	stream.indirect.gather [hbm4b:s4+s24], $0x80, s13, s24, $0xb8;
	[tilespmem:$0x1E800] =	vst v63  }
0x85: {  	_ =	swait.ge [sflag:s28], $0x4000  }
0x86: {  	[sflag:s28] =	ssyncset.done $0x0  }
0x87: {  	s12 =	simm.s32 $0x1480;
	[sflag:s28] =	ssyncadd.s32 $0xFFFFC000  }
0x88: {  	[spmem:s1] =	stream.indirect.scatter.add.f32 [tilespmem:s26], [sflag:$0x4], $0x80, s12, s24, $0xb8;
	[tilespmem:$0x1E800] =	vst v63  }
0x89: {  	_ =	swait.ge [sflag:s29], $0x4000  }
0x8a: {  	[sflag:s29] =	ssyncset.done $0x0  }
0x8b: {  	s13 =	simm.s32 $0x100;
	[sflag:s29] =	ssyncadd.s32 $0xFFFFC000  }
0x8c: {  	[tilespmem:s21], [sflag:$0x1] =	stream.indirect.gather [hbm4b:s4+s24], $0x80, s13, s24, $0xb8;
	[tilespmem:$0x1E800] =	vst v63  }
0x8d: {  	_ =	swait.ge [sflag:s30], $0x4000  }
0x8e: {  	s11 =	simm.s32 $0x400;
	[sflag:s30] =	ssyncset.done $0x0  }
.LBB2_4:
0x8f: {  	p0 =	sne.s32 s11, $0x4800  }
0x90: {  	[sflag:s30] =	ssyncadd.s32 $0xFFFFC000;
	s12 =	smov.u32 s11;
	s11 =	sadd.s32 $0x400, s11  }
0x91: {  	_ =	swait.ge [sflag:s25], $0x4000  }
0x92: {  	s12 =	sshra.s32 s12, $0x2;
	[sflag:s25] =	ssyncset.done $0x0  }
0x93: {  	s13 =	sadd.s32 $0x1400, s12;
	[sflag:s25] =	ssyncadd.s32 $0xFFFFC000  }
0x94: {  	[spmem:s1] =	stream.indirect.scatter.add.f32 [tilespmem:s21], [sflag:$0x3], $0x80, s13, s24, $0xb8;
	[tilespmem:$0x1E800] =	vst v63  }
0x95: {  	s13 =	sadd.s32 $0x80, s12  }
0x96: {  	[tilespmem:s26], [sflag:$0x2] =	stream.indirect.gather [hbm4b:s4+s24], $0x80, s13, s24, $0xb8;
	[tilespmem:$0x1E800] =	vst v63  }
0x97: {  	_ =	swait.ge [sflag:s28], $0x4000  }
0x98: {  	[sflag:s28] =	ssyncset.done $0x0  }
0x99: {  	s13 =	sadd.s32 $0x1480, s12;
	[sflag:s28] =	ssyncadd.s32 $0xFFFFC000  }
0x9a: {  	[spmem:s1] =	stream.indirect.scatter.add.f32 [tilespmem:s26], [sflag:$0x4], $0x80, s13, s24, $0xb8;
	[tilespmem:$0x1E800] =	vst v63  }
0x9b: {  	_ =	swait.ge [sflag:s29], $0x4000  }
.Ltmp1:
0x9c: {  	[sflag:s29] =	ssyncset.done $0x0;
	(pc) =	sbr.rel @p0 .LBB2_4-.Ltmp1, $4  }
0x9d: {  	s12 =	sadd.s32 $0x100, s12;
	[sflag:s29] =	ssyncadd.s32 $0xFFFFC000  }
0x9e: {  	[tilespmem:s21], [sflag:$0x1] =	stream.indirect.gather [hbm4b:s4+s24], $0x80, s12, s24, $0xb8;
	[tilespmem:$0x1E800] =	vst v63  }
0x9f: {  	_ =	swait.ge [sflag:s30], $0x4000  }
0xa0: {  	[sflag:s30] =	ssyncset.done $0x0  }
0xa1: {  	[sflag:s30] =	ssyncadd.s32 $0xFFFFC000  }
0xa2: {  	_ =	swait.ge [sflag:s25], $0x4000  }
0xa3: {  	[sflag:s25] =	ssyncset.done $0x0  }
0xa4: {  	[sflag:s25] =	ssyncadd.s32 $0xFFFFC000  }
0xa5: {  	[spmem:s1] =	stream.indirect.scatter.add.f32 [tilespmem:s21], [sflag:$0x3], $0x80, s31, s24, $0xb8;
	[tilespmem:$0x1E800] =	vst v63  }
0xa6: {  	_ = 	snop  }
0xa7: {  	[tilespmem:s26], [sflag:$0x2] =	stream.indirect.gather [hbm4b:s4+s24], $0x80, s0, s24, $0xb8;
	[tilespmem:$0x1E800] =	vst v63  }
0xa8: {  	_ =	swait.ge [sflag:s28], $0x4000  }
0xa9: {  	[sflag:s28] =	ssyncset.done $0x0  }
0xaa: {  	[sflag:s28] =	ssyncadd.s32 $0xFFFFC000  }
0xab: {  	[spmem:s1] =	stream.indirect.scatter.add.f32 [tilespmem:s26], [sflag:$0x4], $0x80, s3, s24, $0xb8;
	[tilespmem:$0x1E800] =	vst v63  }
0xac: {  	_ =	swait.ge [sflag:s29], $0x4000  }
0xad: {  	[sflag:s29] =	ssyncset.done $0x0  }
0xae: {  	[sflag:s29] =	ssyncadd.s32 $0xFFFFC000  }
0xaf: {  	[tilespmem:s21], [sflag:$0x1] =	stream.indirect.gather [hbm4b:s4+s24], $0x80, s0, s24, $0xb8;
	[tilespmem:$0x1E800] =	vst v63  }
0xb0: {  	_ =	swait.ge [sflag:s30], $0x4000  }
0xb1: {  	[sflag:s30] =	ssyncset.done $0x0  }
0xb2: {  	[sflag:s30] =	ssyncadd.s32 $0xFFFFC000  }
0xb3: {  	_ =	swait.ge [sflag:s25], $0x4000  }
0xb4: {  	[sflag:s25] =	ssyncset.done $0x0  }
0xb5: {  	[sflag:s25] =	ssyncadd.s32 $0xFFFFC000  }
0xb6: {  	[bflag:$0x0] =	sbarrier.arrive $0xFFFF  }
0xb7: {  	[tilespmem:s21], [sflag:$0x5] =	stream.linear.gather [spmem:s6], $0x4000, $0x38;
	[tilespmem:$0x1E800] =	vst v63  }
0xb8: {  	_ =	swait.ge [sflag:s22], $0x4000  }
0xb9: {  	[sflag:s22] =	ssyncset.done $0x0  }
0xba: {  	[sflag:s22] =	ssyncadd.s32 $0xFFFFC000  }
0xbb: {  	[hbm4b:s15+s2] =	stream.linear.scatter [tilespmem:s21], [sflag:$0x5], $0x4000, $0x38;
	[tilespmem:$0x1E800] =	vst v63  }
0xbc: {  	_ =	swait.ge [sflag:s22], $0x4000  }
0xbd: {  	[sflag:s22] =	ssyncset.done $0x0  }
0xbe: {  	[sflag:s22] =	ssyncadd.s32 $0xFFFFC000  }
0xbf: {  	[tilespmem:s21], [sflag:$0x5] =	stream.linear.gather [spmem:s7], $0x4000, $0x38;
	[tilespmem:$0x1E800] =	vst v63  }
0xc0: {  	_ =	swait.ge [sflag:s22], $0x4000  }
0xc1: {  	[sflag:s22] =	ssyncset.done $0x0  }
0xc2: {  	[sflag:s22] =	ssyncadd.s32 $0xFFFFC000  }
0xc3: {  	[hbm4b:s16+s2] =	stream.linear.scatter [tilespmem:s21], [sflag:$0x5], $0x4000, $0x38;
	[tilespmem:$0x1E800] =	vst v63  }
0xc4: {  	_ =	swait.ge [sflag:s22], $0x4000  }
0xc5: {  	[sflag:s22] =	ssyncset.done $0x0  }
0xc6: {  	[sflag:s22] =	ssyncadd.s32 $0xFFFFC000  }
0xc7: {  	[tilespmem:s21], [sflag:$0x5] =	stream.linear.gather [spmem:s8], $0x4000, $0x38;
	[tilespmem:$0x1E800] =	vst v63  }
0xc8: {  	_ =	swait.ge [sflag:s22], $0x4000  }
0xc9: {  	[sflag:s22] =	ssyncset.done $0x0  }
0xca: {  	[sflag:s22] =	ssyncadd.s32 $0xFFFFC000  }
0xcb: {  	[hbm4b:s17+s2] =	stream.linear.scatter [tilespmem:s21], [sflag:$0x5], $0x4000, $0x38;
	[tilespmem:$0x1E800] =	vst v63  }
0xcc: {  	_ =	swait.ge [sflag:s22], $0x4000  }
0xcd: {  	[sflag:s22] =	ssyncset.done $0x0  }
0xce: {  	[sflag:s22] =	ssyncadd.s32 $0xFFFFC000  }
0xcf: {  	[tilespmem:s21], [sflag:$0x5] =	stream.linear.gather [spmem:s9], $0x4000, $0x38;
	[tilespmem:$0x1E800] =	vst v63  }
0xd0: {  	_ =	swait.ge [sflag:s22], $0x4000  }
0xd1: {  	[sflag:s22] =	ssyncset.done $0x0  }
0xd2: {  	[sflag:s22] =	ssyncadd.s32 $0xFFFFC000  }
0xd3: {  	[hbm4b:s18+s2] =	stream.linear.scatter [tilespmem:s21], [sflag:$0x5], $0x4000, $0x38;
	[tilespmem:$0x1E800] =	vst v63  }
0xd4: {  	_ =	swait.ge [sflag:s22], $0x4000  }
0xd5: {  	[sflag:s22] =	ssyncset.done $0x0  }
0xd6: {  	[sflag:s22] =	ssyncadd.s32 $0xFFFFC000  }
0xd7: {  	[tilespmem:s21], [sflag:$0x5] =	stream.linear.gather [spmem:s10], $0x4000, $0x38;
	[tilespmem:$0x1E800] =	vst v63  }
0xd8: {  	s5 =	sadd.s32 $0x1, s5;
	_ =	swait.ge [sflag:s22], $0x4000  }
0xd9: {  	p0 =	sne.s32 s5, s20;
	[sflag:s22] =	ssyncset.done $0x0  }
.Ltmp2:
0xda: {  	[sflag:s22] =	ssyncadd.s32 $0xFFFFC000;
	(pc) =	sbr.rel @p0 .LBB2_1-.Ltmp2, $4  }
0xdb: {  	[hbm4b:s19+s2] =	stream.linear.scatter [tilespmem:s21], [sflag:$0x5], $0x4000, $0x38;
	[tilespmem:$0x1E800] =	vst v63  }
0xdc: {  	_ =	swait.ge [sflag:s22], $0x4000  }
0xdd: {  	[sflag:s22] =	ssyncset.done $0x0  }
0xde: {  	[sflag:s22] =	ssyncadd.s32 $0xFFFFC000  }
0xdf: {  	_ =	sfence.sel $0x180000  }
0xe0: {  	[bflag:$0x0] =	sbarrier.arrive $0xFFFF  }
0xe1: {  	_ =	strace $0x9000004A  }
0xe2: {  	s0 =	stileid.u32;
	[bflag:$0x2] =	sbarrier.arrive $0xFFFF  }
0xe3: {  	p0 =	sne.s32 s0, $0x0;
	s0 =	rddreg [dreg:$0x3]  }
0xe4: {  	s0 =	sadd.s32 @!p0 $0x100000, s0  }
0xe5: {  	[sflag:s0] =	ssyncadd.tile.s32 @!p0 $0x1;
	_ =	shalt  }
.Lfunc_end2:
_tile_overlayer_lowered:
.L_overlay_start_2:
0xe6: {  	(tag) =	ssettag $0x2  }
0xe7: {  	s0 =	rddreg [dreg:$0x0];
	s2 =	stileid.u32  }
0xe8: {  	s1 =	rddreg [dreg:$0x1];
	p0 =	sne.s32 s2, $0x0  }
0xe9: {  	s3 =	rddreg [dreg:$0x2];
	[bflag:$0x3] =	sbarrier.arrive $0xFFFF;
	s2 =	simm.s32 @!p0 $0x1C05  }
0xea: {  	[timem:s3], [sflag:s2] =	dma.local @!p0 [hbm:s0], s1  }
0xeb: {  	s0 =	simm.s32 @!p0 $0x5  }
0xec: {  	_ =	swait.ge @!p0 [sflag:s0], s1  }
0xed: {  	s1 =	ssub.s32 @!p0 $0x0, s1;
	[sflag:s0] =	ssyncset.done @!p0 $0x0  }
0xee: {  	[sflag:s0] =	ssyncadd.s32 @!p0 s1  }
0xef: {  	[bflag:$0x3] =	sbarrier.arrive $0xFFFF  }
0xf0: {  	_ =	shalt  }

// kernel: kernel.14.cloned.1.call-start
scs
__scs_entry_jumppad:
0x0: {  	(pc) =	sbr.rel $0x88, $3  }
0x1: {  	(tag) =	ssettag $0x0;
	lr =	simm.s32 $0x1  }
0x2: {  	[smem:$0x3F9E] =	sst lr;
	_ =	strace $0xD0000000  }
0x3: {  	_ = 	snop  }
0x4: {  	_ = 	snop  }
0x5: {  	_ = 	snop  }
0x6: {  	_ = 	snop  }
0x7: {  	_ = 	snop  }
__scs_overlays_trampoline_lowered:
0x8: {  	[smem:$0x3FAD] =	sst s0  }
0x9: {  	[smem:$0x3FAE] =	sst s1  }
0xa: {  	[smem:$0x3FAF] =	sst s2  }
0xb: {  	[smem:$0x3FB0] =	sst s3  }
0xc: {  	[smem:$0x3FB1] =	sst s4  }
0xd: {  	[smem:$0x3FB2] =	sst s5  }
0xe: {  	[smem:$0x3FB3] =	sst s6  }
0xf: {  	[smem:$0x3FB4] =	sst s7  }
0x10: {  	[smem:$0x3FB5] =	sst s8  }
0x11: {  	[smem:$0x3FB6] =	sst s9;
	s0 =	simm.s32 @!p0 $0x0  }
0x12: {  	s1 =	sld [smem:$0x3F9C];
	s0 =	simm.s32 @p0 $0x1  }
0x13: {  	[smem:$0x3FB7] =	sst s0;
	s0 =	simm.s32 @!p1 $0x0  }
0x14: {  	s2 =	sld [smem:$0x3F9B];
	s0 =	simm.s32 @p1 $0x1  }
0x15: {  	[smem:$0x3FB8] =	sst s0;
	s0 =	simm.s32 @!p2 $0x0  }
0x16: {  	s3 =	sld [smem:$0x3FDB];
	s0 =	simm.s32 @p2 $0x1  }
0x17: {  	s4 =	simm.s32 $0x1BF5;
	[smem:$0x3FBA] =	sst s0  }
0x18: {  	s0 =	sld [smem:$0x3F9D];
	_ =	swait.ge [sflag:s4], $0x0  }
0x19: {  	s7 =	sld [smem:$0x3F9E]  }
0x1a: {  	s8 =	sadd.s32 $0xFFFFE003, lr  }
0x1b: {  	s9 =	sadd.s32 $0xFFFFFEF7, lr;
	s5 =	simm.s32 $0xFFFFFFFF;
	p2 =	slt.u32 s8, $0xFFFFF086  }
0x1c: {  	p1 =	slt.u32 s9, $0xF7A;
	s5 =	simm.s32 @!p2 $0x0  }
0x1d: {  	s5 =	simm.s32 @p1 $0x1;
	p0 =	seq.s32 s7, s2  }
0x1e: {  	s7 =	smul.u32 @!p0 $0xF7A, s2;
	p2 =	seq.s32 @!p0 s5, $0x0  }
0x1f: {  	s9 =	smul.u32 $0xF7A, s1;
	s8 =	simm.s32 @!p0 $0x1BF5;
	p2 =	por !p2, p0  }
0x20: {  	[sflag:s8] =	ssyncset.s32 @!p0 $0xFFFFF086;
	s6 =	sadd.s32 @!p0 s3, s7;
	s7 =	simm.s32 @!p0 $0x108  }
0x21: {  	s3 =	sadd.s32 s3, s9;
	s6 =	sadd.s32 @!p0 $0x88, s6;
	s7 =	simm.s32 @p2 $0x1082  }
0x22: {  	[simem:s7], [sflag:s8] =	dma.local @!p0 [hbm:s6], $0xF7A  }
0x23: {  	s9 =	sor.u32 $0xD0000000, s2;
	s6 =	simm.s32 $0x108;
	_ =	swait.ge @!p0 [sflag:s8], $0x0  }
0x24: {  	s3 =	sadd.s32 $0x88, s3;
	s6 =	simm.s32 @!p1 $0x1082;
	[sflag:s4] =	ssyncset.s32 $0xFFFFF086  }
0x25: {  	[simem:s6], [sflag:s4] =	dma.local [hbm:s3], $0xF7A  }
0x26: {  	[smem:$0x3F9E] =	sst s1;
	(tag) =	ssettag s2;
	_ =	strace s9  }
0x27: {  	s1 =	sld [smem:$0x3FAE]  }
0x28: {  	s2 =	sld [smem:$0x3FAF]  }
0x29: {  	s4 =	sld [smem:$0x3FB1]  }
0x2a: {  	p0 =	seq.s32 s5, $0x0;
	s5 =	sld [smem:$0x3FB2]  }
0x2b: {  	s6 =	sld [smem:$0x3FB3]  }
0x2c: {  	s7 =	sld [smem:$0x3FB4]  }
0x2d: {  	s3 =	simm.s32 $0x108;
	s8 =	sld [smem:$0x3FB5]  }
0x2e: {  	s3 =	simm.s32 @!p0 $0x1082;
	s9 =	sld [smem:$0x3FB6]  }
0x2f: {  	lr =	sadd.s32 s0, s3;
	s0 =	sld [smem:$0x3FAD]  }
0x30: {  	s3 =	sld [smem:$0x3FB0]  }
0x31: {  	[smem:$0x3FB9] =	sst s10  }
0x32: {  	s10 =	sld [smem:$0x3FB7];
	_ =	sdelay $0x3  }
0x33: {  	p0 =	seq.s32 s10, $0x1;
	s10 =	sld [smem:$0x3FB9];
	_ =	sdelay $0x3  }
0x34: {  	[smem:$0x3FB9] =	sst s10  }
0x35: {  	s10 =	sld [smem:$0x3FB8];
	_ =	sdelay $0x3  }
0x36: {  	p1 =	seq.s32 s10, $0x1;
	s10 =	sld [smem:$0x3FB9];
	_ =	sdelay $0x3  }
0x37: {  	[smem:$0x3FB9] =	sst s10  }
0x38: {  	s10 =	sld [smem:$0x3FBA]  }
0x39: {  	_ = 	snop;
	(pc) =	sbr.ind lr, $3  }
0x3a: {  	_ = 	snop  }
0x3b: {  	_ = 	snop  }
0x3c: {  	p2 =	seq.s32 s10, $0x1;
	s10 =	sld [smem:$0x3FB9]  }
0x3d: {  	_ =	shalt  }
0x3e: {  	_ =	shalt  }
0x3f: {  	_ =	shalt  }
0x40: {  	_ =	shalt  }
0x41: {  	_ =	shalt  }
0x42: {  	_ =	shalt  }
0x43: {  	_ =	shalt  }
0x44: {  	_ =	shalt  }
0x45: {  	_ =	shalt  }
0x46: {  	_ =	shalt  }
0x47: {  	_ =	shalt  }
0x48: {  	_ =	shalt  }
0x49: {  	_ =	shalt  }
0x4a: {  	_ =	shalt  }
0x4b: {  	_ =	shalt  }
0x4c: {  	_ =	shalt  }
0x4d: {  	_ =	shalt  }
0x4e: {  	_ =	shalt  }
0x4f: {  	_ =	shalt  }
0x50: {  	_ =	shalt  }
0x51: {  	_ =	shalt  }
0x52: {  	_ =	shalt  }
0x53: {  	_ =	shalt  }
0x54: {  	_ =	shalt  }
0x55: {  	_ =	shalt  }
0x56: {  	_ =	shalt  }
0x57: {  	_ =	shalt  }
0x58: {  	_ =	shalt  }
0x59: {  	_ =	shalt  }
0x5a: {  	_ =	shalt  }
0x5b: {  	_ =	shalt  }
0x5c: {  	_ =	shalt  }
0x5d: {  	_ =	shalt  }
0x5e: {  	_ =	shalt  }
0x5f: {  	_ =	shalt  }
0x60: {  	_ =	shalt  }
0x61: {  	_ =	shalt  }
0x62: {  	_ =	shalt  }
0x63: {  	_ =	shalt  }
0x64: {  	_ =	shalt  }
0x65: {  	_ =	shalt  }
0x66: {  	_ =	shalt  }
0x67: {  	_ =	shalt  }
0x68: {  	_ =	shalt  }
0x69: {  	_ =	shalt  }
0x6a: {  	_ =	shalt  }
0x6b: {  	_ =	shalt  }
0x6c: {  	_ =	shalt  }
0x6d: {  	_ =	shalt  }
0x6e: {  	_ =	shalt  }
0x6f: {  	_ =	shalt  }
0x70: {  	_ =	shalt  }
0x71: {  	_ =	shalt  }
0x72: {  	_ =	shalt  }
0x73: {  	_ =	shalt  }
0x74: {  	_ =	shalt  }
0x75: {  	_ =	shalt  }
0x76: {  	_ =	shalt  }
0x77: {  	_ =	shalt  }
0x78: {  	_ =	shalt  }
0x79: {  	_ =	shalt  }
0x7a: {  	_ =	shalt  }
0x7b: {  	_ =	shalt  }
0x7c: {  	_ =	shalt  }
0x7d: {  	_ =	shalt  }
0x7e: {  	_ =	shalt  }
0x7f: {  	_ =	shalt  }
0x80: {  	_ =	shalt  }
0x81: {  	_ =	shalt  }
0x82: {  	_ =	shalt  }
0x83: {  	_ =	shalt  }
0x84: {  	_ =	shalt  }
0x85: {  	_ =	shalt  }
0x86: {  	_ =	shalt  }
0x87: {  	_ =	shalt  }
.Lfunc_end0:
.L_simem_size_0:
called_computation.2_lowered:
.L_overlay_start_0:
0x88: {  	s2 =	sld [smem:$0x3FD9]  }
0x89: {  	s3 =	sld [smem:$0x3FFE];
	_ =	sdelay $0x1  }
0x8a: {  	s1 =	srdreg.scid  }
0x8b: {  	s0 =	sand.u32 $0x1, s1  }
0x8c: {  	s17 =	sshll.u32 s0, $0xA;
	s2 =	sadd.s32 s3, s2  }
0x8d: {  	s2 =	sadd.s32 s2, s17  }
0x8e: {  	[smem:$0x3FC5] =	sst s2  }
0x8f: {  	_ = 	snop  }
0x90: {  	s2 =	sld [smem:$0x3FD0];
	(tm) =	ssettm $0x1  }
0x91: {  	s18 =	sld [smem:$0x3FFB];
	_ =	sdelay $0x3  }
0x92: {  	_ =	strace s18  }
0x93: {  	s3 =	sld [smem:$0x3FFC];
	_ =	sdelay $0x3  }
0x94: {  	_ =	strace s3  }
0x95: {  	s3 =	sld [smem:$0x3FFD];
	_ =	sdelay $0x3  }
0x96: {  	_ =	strace s3  }
0x97: {  	_ =	strace $0x8FFFFFFF  }
0x98: {  	s19 =	sld [smem:$0x3FDB];
	_ =	sdelay $0x1  }
0x99: {  	s4 =	simm.s32 $_scs_section_size  }
0x9a: {  	s5 =	simm.s32 $_size__tile_overlayer_lowered;
	s6 =	simm.s32 $_tile_overlayer_lowered  }
0x9b: {  	s22 =	simm.s32 $0x1BFF;
	s21 =	sshll.u32 s6, $0x1;
	s3 =	sadd.s32 s4, s19  }
0x9c: {  	s7 =	simm.s32 $0x0;
	s20 =	sshll.u32 s5, $0x1;
	s5 =	sadd.s32 s21, s3  }
0x9d: {  	[timem:s7], [sflag:s22] =	dma.local [hbm:s5], s20  }
0x9e: {  	_ =	swait.ge [sflag:s22], s20  }
0x9f: {  	s4 =	ssub.s32 $0x0, s20;
	[sflag:s22] =	ssyncset.done $0x0  }
0xa0: {  	[sflag:s22] =	ssyncadd.s32 s4;
	_ =	sdelay $0x1  }
0xa1: {  	s23 =	simm.s32 $0x1B8B  }
0xa2: {  	_ =	swait.ge [sflag:s23], $0x1  }
0xa3: {  	[sflag:s23] =	ssyncset.done $0x0  }
0xa4: {  	s25 =	simm.s32 $0x1B8E;
	s24 =	sld [smem:$0x3FFE];
	[sflag:s23] =	ssyncadd.s32 $0xFFFFFFFF  }
0xa5: {  	s26 =	simm.s32 $execute0_lowered;
	[smem:$0x3FD2] =	sst s25  }
0xa6: {  	s5 =	sshll.u32 s26, $0x1;
	_ =	strace $0x8000004C;
	[dreg:$0x1] =	wrdreg $0xFFFFFFFF  }
0xa7: {  	s28 =	simm.s32 $_size_execute0_lowered;
	s3 =	sadd.s32 s3, s5;
	[dreg:$0x0] =	wrdreg $0x0  }
0xa8: {  	s5 =	sshll.u32 s28, $0x1;
	[dreg:$0x2] =	wrdreg s3  }
0xa9: {  	[dreg:$0x3] =	wrdreg s5  }
0xaa: {  	[dreg:$0x4] =	wrdreg $0xC0  }
0xab: {  	_ =	task [dreg:s7], $0x5FFFF  }
0xac: {  	[dreg:$0x1] =	wrdreg $0xFFFFFFFF  }
0xad: {  	[dreg:$0x0] =	wrdreg $0x60  }
0xae: {  	[dreg:$0x2] =	wrdreg s24  }
0xaf: {  	[dreg:$0x3] =	wrdreg s2  }
0xb0: {  	[dreg:$0x4] =	wrdreg $0xA8000  }
0xb1: {  	[dreg:$0x5] =	wrdreg $0x9  }
0xb2: {  	_ =	task.clear_ibuf [dreg:s7], $0x6FFFF;
	_ =	strace $0x9000004C  }
0xb3: {  	s29 =	simm.s32 $0x9;
	_ =	strace $0x8000004E  }
0xb4: {  	_ =	swait.ge [sflag:s29], $0x1  }
0xb5: {  	[sflag:s29] =	ssyncadd.s32 $0xFFFFFFFF  }
0xb6: {  	_ =	strace $0x9000004E  }
0xb7: {  	_ =	sfence  }
0xb8: {  	s30 =	sld [smem:$0x0];
	_ =	sdelay $0x2  }
0xb9: {  	s31 =	sshll.u32 s1, $0xD;
	s1 =	sshrl.u32 s1, $0x2  }
0xba: {  	s3 =	sand.u32 $0x4000, s31;
	s1 =	sadd.s32 s1, s30  }
0xbb: {  	s0 =	sor.u32 s3, s0;
	s1 =	sshll.u32 s1, $0x11  }
0xbc: {  	s0 =	sor.u32 s1, s0  }
0xbd: {  	s0 =	sadd.s32 $0x8F2B, s0  }
0xbe: {  	[sflag:s0] =	ssyncadd.remote.s32 $0x1  }
0xbf: {  	_ =	sfence.sel $0xFFFF  }
0xc0: {  	[dreg:$0x0] =	wrdreg $0xFFFFFFFF;
	(pc) =	sbr.abs _section_cstart, $3  }
0xc1: {  	[dreg:$0x1] =	wrdreg $0xFFFFFFFF  }
0xc2: {  	_ =	task.clear_ibuf [dreg:s7], $0x2FFFF;
	_ =	strace $0x9FFFFFFF  }
0xc3: {  	(tm) =	ssettm $0x7FFFFFFF  }
tec
execute0_lowered:
.L_overlay_start_1:
0x0: {  	(tag) =	ssettag $0x1  }
0x1: {  	s0 =	rddreg [dreg:$0x0]  }
0x2: {  	s3 =	rddreg [dreg:$0x1]  }
0x3: {  	s1 =	rddreg [dreg:$0x2]  }
0x4: {  	s2 =	simm.s32 $0x0;
	s5 =	srdreg.scid;
	s9 =	stileid.u32  }
0x5: {  	s28 =	simm.s32 $0x2;
	s29 =	simm.s32 $0x3;
	s30 =	simm.s32 $0x4  }
0x6: {  	s31 =	simm.s32 $0x2700;
	[smem:$0x7FF] =	sst s2;
	s4 =	sadd.s32 $0xB800, s0  }
0x7: {  	s11 =	sadd.s32 $0x1000, s0;
	s5 =	sand.u32 $0x1, s5;
	s7 =	smul.u32 $0x50000, s9  }
0x8: {  	s6 =	sadd.s32 $0xB000, s0;
	s0 =	sadd.s32 $0x33800, s0;
	s13 =	smul.u32 $0x14000, s9  }
0x9: {  	_ =	strace $0x8000004D;
	[dreg:$0x4] =	wrdreg s6;
	s10 =	ssub.s32 $0x2, s5  }
0xa: {  	s12 =	sshll.u32 s5, $0x4;
	s5 =	smul.u32 $0x140000, s5;
	s8 =	sshrl.u32 s10, $0x1  }
0xb: {  	s7 =	sshrl.u32 s7, $0x2;
	s9 =	sor.u32 s9, s12;
	s14 =	sadd.s32 $0x4000, s13  }
0xc: {  	s17 =	sadd.s32 $0x8000, s13;
	s18 =	sadd.s32 $0xC000, s13;
	s19 =	sadd.s32 $0x10000, s13  }
0xd: {  	s20 =	ssub.s32 s10, s8;
	s6 =	sadd.s32 s7, s1;
	s12 =	smul.u32 $0x500, s9  }
0xe: {  	s7 =	sadd.s32 s14, s1;
	s8 =	sadd.s32 s17, s1;
	s15 =	smul.u32 $0x2800, s9  }
0xf: {  	s9 =	sadd.s32 s18, s1;
	s10 =	sadd.s32 s19, s1;
	s13 =	sadd.s32 s13, s5  }
0x10: {  	s22 =	sadd.s32 s5, s14;
	s24 =	sadd.s32 s5, s17;
	s25 =	sadd.s32 s5, s18  }
0x11: {  	s5 =	sadd.s32 s5, s19;
	s21 =	sshrl.u32 s13, $0x3;
	s23 =	sshrl.u32 s22, $0x3  }
0x12: {  	s26 =	sshrl.u32 s5, $0x3;
	s20 =	smax.u32 s20, $0x1;
	s22 =	simm.s32 $0x5  }
0x13: {  	s5 =	simm.s32 $0x0;
	s16 =	sadd.s32 s11, s12;
	s15 =	sshrl.u32 s15, $0x3  }
0x14: {  	s12 =	sadd.s32 s3, s12;
	s19 =	sadd.s32 s0, s26;
	[dreg:$0x5] =	wrdreg s16  }
0x15: {  	s26 =	simm.s32 $0x6800;
	[dreg:$0x6] =	wrdreg s12;
	s15 =	sadd.s32 $0x280, s15  }
0x16: {  	s16 =	sadd.s32 s0, s23;
	s23 =	simm.s32 $0x1400;
	s11 =	sadd.s32 s11, s15  }
0x17: {  	s14 =	sadd.s32 s3, s15;
	s15 =	sadd.s32 s0, s21;
	s3 =	sshrl.u32 s24, $0x3  }
0x18: {  	s21 =	simm.s32 $0x2800;
	s24 =	simm.s32 $0x80;
	[dreg:$0x7] =	wrdreg s11  }
0x19: {  	s11 =	sshrl.u32 s25, $0x3;
	s17 =	sadd.s32 s0, s3;
	s25 =	simm.s32 $0x1  }
0x1a: {  	s3 =	simm.s32 $0x2780;
	s18 =	sadd.s32 s0, s11;
	s0 =	simm.s32 $0x1380  }
.LBB2_1:
0x1b: {  	s11 =	rddreg [dreg:$0x4]  }
0x1c: {  	[tilespmem:s21], [sflag:$0x5] =	stream.linear.gather [hbm4b:s11+s2], $0x4000, $0x38;
	[tilespmem:$0x1E800] =	vst v63  }
0x1d: {  	_ =	swait.ge [sflag:s22], $0x4000  }
0x1e: {  	[sflag:s22] =	ssyncset.done $0x0  }
0x1f: {  	[sflag:s22] =	ssyncadd.s32 $0xFFFFC000  }
0x20: {  	[spmem:s6] =	stream.linear.scatter [tilespmem:s21], [sflag:$0x5], $0x4000, $0x38;
	[tilespmem:$0x1E800] =	vst v63  }
0x21: {  	_ =	swait.ge [sflag:s22], $0x4000  }
0x22: {  	[sflag:s22] =	ssyncset.done $0x0  }
0x23: {  	[sflag:s22] =	ssyncadd.s32 $0xFFFFC000  }
0x24: {  	[spmem:s7] =	stream.linear.scatter [tilespmem:s21], [sflag:$0x5], $0x4000, $0x38;
	[tilespmem:$0x1E800] =	vst v63  }
0x25: {  	_ =	swait.ge [sflag:s22], $0x4000  }
0x26: {  	[sflag:s22] =	ssyncset.done $0x0  }
0x27: {  	[sflag:s22] =	ssyncadd.s32 $0xFFFFC000  }
0x28: {  	[spmem:s8] =	stream.linear.scatter [tilespmem:s21], [sflag:$0x5], $0x4000, $0x38;
	[tilespmem:$0x1E800] =	vst v63  }
0x29: {  	_ =	swait.ge [sflag:s22], $0x4000  }
0x2a: {  	[sflag:s22] =	ssyncset.done $0x0  }
0x2b: {  	[sflag:s22] =	ssyncadd.s32 $0xFFFFC000  }
0x2c: {  	[spmem:s9] =	stream.linear.scatter [tilespmem:s21], [sflag:$0x5], $0x4000, $0x38;
	[tilespmem:$0x1E800] =	vst v63  }
0x2d: {  	_ =	swait.ge [sflag:s22], $0x4000  }
0x2e: {  	[sflag:s22] =	ssyncset.done $0x0  }
0x2f: {  	[sflag:s22] =	ssyncadd.s32 $0xFFFFC000  }
0x30: {  	[spmem:s10] =	stream.linear.scatter [tilespmem:s21], [sflag:$0x5], $0x4000, $0x38;
	[tilespmem:$0x1E800] =	vst v63  }
0x31: {  	_ =	swait.ge [sflag:s22], $0x4000  }
0x32: {  	[sflag:s22] =	ssyncset.done $0x0  }
0x33: {  	[sflag:s22] =	ssyncadd.s32 $0xFFFFC000  }
0x34: {  	[bflag:$0x0] =	sbarrier.arrive $0xFFFF  }
0x35: {  	s12 =	rddreg [dreg:$0x5]  }
0x36: {  	[tilespmem:s2], [sflag:$0x5] =	stream.linear.gather [hbm4b:s12+s2], $0x1400, $0x38;
	[tilespmem:$0x1E800] =	vst v63  }
0x37: {  	_ =	swait.ge [sflag:s22], $0x1400  }
0x38: {  	[sflag:s22] =	ssyncset.done $0x0  }
0x39: {  	s13 =	rddreg [dreg:$0x6];
	[sflag:s22] =	ssyncadd.s32 $0xFFFFEC00  }
0x3a: {  	[tilespmem:s23], [sflag:$0x5] =	stream.linear.gather [hbm4b:s13+s2], $0x1400, $0x38;
	[tilespmem:$0x1E800] =	vst v63  }
0x3b: {  	_ =	swait.ge [sflag:s22], $0x1400  }
0x3c: {  	[sflag:s22] =	ssyncset.done $0x0  }
0x3d: {  	[sflag:s22] =	ssyncadd.s32 $0xFFFFEC00  }
0x3e: {  	[tilespmem:s21], [sflag:$0x1] =	stream.indirect.gather [hbm4b:s4+s24], $0x80, s2, s24, $0xb8;
	[tilespmem:$0x1E800] =	vst v63  }
0x3f: {  	_ =	swait.ge [sflag:s25], $0x4000  }
0x40: {  	[sflag:s25] =	ssyncset.done $0x0  }
0x41: {  	s12 =	simm.s32 $0x1400;
	[sflag:s25] =	ssyncadd.s32 $0xFFFFC000  }
0x42: {  	[spmem:s1] =	stream.indirect.scatter.add.f32 [tilespmem:s21], [sflag:$0x3], $0x80, s12, s24, $0xb8;
	[tilespmem:$0x1E800] =	vst v63  }
0x43: {  	s13 =	simm.s32 $0x80  }
0x44: {  	[tilespmem:s26], [sflag:$0x2] =	stream.indirect.gather [hbm4b:s4+s24], $0x80, s13, s24, $0xb8;
	[tilespmem:$0x1E800] =	vst v63  }
0x45: {  	_ =	swait.ge [sflag:s28], $0x4000  }
0x46: {  	[sflag:s28] =	ssyncset.done $0x0  }
0x47: {  	s12 =	simm.s32 $0x1480;
	[sflag:s28] =	ssyncadd.s32 $0xFFFFC000  }
0x48: {  	[spmem:s1] =	stream.indirect.scatter.add.f32 [tilespmem:s26], [sflag:$0x4], $0x80, s12, s24, $0xb8;
	[tilespmem:$0x1E800] =	vst v63  }
0x49: {  	_ =	swait.ge [sflag:s29], $0x4000  }
0x4a: {  	[sflag:s29] =	ssyncset.done $0x0  }
0x4b: {  	s13 =	simm.s32 $0x100;
	[sflag:s29] =	ssyncadd.s32 $0xFFFFC000  }
0x4c: {  	[tilespmem:s21], [sflag:$0x1] =	stream.indirect.gather [hbm4b:s4+s24], $0x80, s13, s24, $0xb8;
	[tilespmem:$0x1E800] =	vst v63  }
0x4d: {  	_ =	swait.ge [sflag:s30], $0x4000  }
0x4e: {  	s11 =	simm.s32 $0x400;
	[sflag:s30] =	ssyncset.done $0x0  }
.LBB2_2:
0x4f: {  	p0 =	sne.s32 s11, $0x4800  }
0x50: {  	[sflag:s30] =	ssyncadd.s32 $0xFFFFC000;
	s12 =	smov.u32 s11;
	s11 =	sadd.s32 $0x400, s11  }
0x51: {  	_ =	swait.ge [sflag:s25], $0x4000  }
0x52: {  	s12 =	sshra.s32 s12, $0x2;
	[sflag:s25] =	ssyncset.done $0x0  }
0x53: {  	s13 =	sadd.s32 $0x1400, s12;
	[sflag:s25] =	ssyncadd.s32 $0xFFFFC000  }
0x54: {  	[spmem:s1] =	stream.indirect.scatter.add.f32 [tilespmem:s21], [sflag:$0x3], $0x80, s13, s24, $0xb8;
	[tilespmem:$0x1E800] =	vst v63  }
0x55: {  	s13 =	sadd.s32 $0x80, s12  }
0x56: {  	[tilespmem:s26], [sflag:$0x2] =	stream.indirect.gather [hbm4b:s4+s24], $0x80, s13, s24, $0xb8;
	[tilespmem:$0x1E800] =	vst v63  }
0x57: {  	_ =	swait.ge [sflag:s28], $0x4000  }
0x58: {  	[sflag:s28] =	ssyncset.done $0x0  }
0x59: {  	s13 =	sadd.s32 $0x1480, s12;
	[sflag:s28] =	ssyncadd.s32 $0xFFFFC000  }
0x5a: {  	[spmem:s1] =	stream.indirect.scatter.add.f32 [tilespmem:s26], [sflag:$0x4], $0x80, s13, s24, $0xb8;
	[tilespmem:$0x1E800] =	vst v63  }
0x5b: {  	_ =	swait.ge [sflag:s29], $0x4000  }
.Ltmp0:
0x5c: {  	[sflag:s29] =	ssyncset.done $0x0;
	(pc) =	sbr.rel @p0 .LBB2_2-.Ltmp0, $4  }
0x5d: {  	s12 =	sadd.s32 $0x100, s12;
	[sflag:s29] =	ssyncadd.s32 $0xFFFFC000  }
0x5e: {  	[tilespmem:s21], [sflag:$0x1] =	stream.indirect.gather [hbm4b:s4+s24], $0x80, s12, s24, $0xb8;
	[tilespmem:$0x1E800] =	vst v63  }
0x5f: {  	_ =	swait.ge [sflag:s30], $0x4000  }
0x60: {  	[sflag:s30] =	ssyncset.done $0x0  }
0x61: {  	[sflag:s30] =	ssyncadd.s32 $0xFFFFC000  }
0x62: {  	_ =	swait.ge [sflag:s25], $0x4000  }
0x63: {  	[sflag:s25] =	ssyncset.done $0x0  }
0x64: {  	[sflag:s25] =	ssyncadd.s32 $0xFFFFC000  }
0x65: {  	[spmem:s1] =	stream.indirect.scatter.add.f32 [tilespmem:s21], [sflag:$0x3], $0x80, s31, s24, $0xb8;
	[tilespmem:$0x1E800] =	vst v63  }
0x66: {  	_ = 	snop  }
0x67: {  	[tilespmem:s26], [sflag:$0x2] =	stream.indirect.gather [hbm4b:s4+s24], $0x80, s0, s24, $0xb8;
	[tilespmem:$0x1E800] =	vst v63  }
0x68: {  	_ =	swait.ge [sflag:s28], $0x4000  }
0x69: {  	[sflag:s28] =	ssyncset.done $0x0  }
0x6a: {  	[sflag:s28] =	ssyncadd.s32 $0xFFFFC000  }
0x6b: {  	[spmem:s1] =	stream.indirect.scatter.add.f32 [tilespmem:s26], [sflag:$0x4], $0x80, s3, s24, $0xb8;
	[tilespmem:$0x1E800] =	vst v63  }
0x6c: {  	_ =	swait.ge [sflag:s29], $0x4000  }
0x6d: {  	[sflag:s29] =	ssyncset.done $0x0  }
0x6e: {  	[sflag:s29] =	ssyncadd.s32 $0xFFFFC000  }
0x6f: {  	[tilespmem:s21], [sflag:$0x1] =	stream.indirect.gather [hbm4b:s4+s24], $0x80, s0, s24, $0xb8;
	[tilespmem:$0x1E800] =	vst v63  }
0x70: {  	_ =	swait.ge [sflag:s30], $0x4000  }
0x71: {  	[sflag:s30] =	ssyncset.done $0x0  }
0x72: {  	[sflag:s30] =	ssyncadd.s32 $0xFFFFC000  }
0x73: {  	_ =	swait.ge [sflag:s25], $0x4000  }
0x74: {  	[sflag:s25] =	ssyncset.done $0x0  }
0x75: {  	s11 =	simm.s32 $0x0;
	s12 =	rddreg [dreg:$0x7];
	[sflag:s25] =	ssyncadd.s32 $0xFFFFC000  }
0x76: {  	[tilespmem:s11], [sflag:$0x5] =	stream.linear.gather [hbm4b:s12+s11], $0x1400, $0x38;
	[tilespmem:$0x1E800] =	vst v63  }
0x77: {  	_ =	swait.ge [sflag:s22], $0x1400  }
0x78: {  	[sflag:s22] =	ssyncset.done $0x0  }
0x79: {  	[sflag:s22] =	ssyncadd.s32 $0xFFFFEC00  }
0x7a: {  	[tilespmem:s23], [sflag:$0x5] =	stream.linear.gather [hbm4b:s14+s11], $0x1400, $0x38;
	[tilespmem:$0x1E800] =	vst v63  }
0x7b: {  	_ =	swait.ge [sflag:s22], $0x1400  }
0x7c: {  	[sflag:s22] =	ssyncset.done $0x0  }
0x7d: {  	[sflag:s22] =	ssyncadd.s32 $0xFFFFEC00  }
0x7e: {  	[tilespmem:s21], [sflag:$0x1] =	stream.indirect.gather [hbm4b:s4+s24], $0x80, s11, s24, $0xb8;
	[tilespmem:$0x1E800] =	vst v63  }
0x7f: {  	_ =	swait.ge [sflag:s25], $0x4000  }
0x80: {  	[sflag:s25] =	ssyncset.done $0x0  }
0x81: {  	s12 =	simm.s32 $0x1400;
	[sflag:s25] =	ssyncadd.s32 $0xFFFFC000  }
0x82: {  	[spmem:s1] =	stream.indirect.scatter.add.f32 [tilespmem:s21], [sflag:$0x3], $0x80, s12, s24, $0xb8;
	[tilespmem:$0x1E800] =	vst v63  }
0x83: {  	s13 =	simm.s32 $0x80  }
0x84: {  	[tilespmem:s26], [sflag:$0x2] =	stream.indirect.gather [hbm4b:s4+s24], $0x80, s13, s24, $0xb8;
	[tilespmem:$0x1E800] =	vst v63  }
0x85: {  	_ =	swait.ge [sflag:s28], $0x4000  }
0x86: {  	[sflag:s28] =	ssyncset.done $0x0  }
0x87: {  	s12 =	simm.s32 $0x1480;
	[sflag:s28] =	ssyncadd.s32 $0xFFFFC000  }
0x88: {  	[spmem:s1] =	stream.indirect.scatter.add.f32 [tilespmem:s26], [sflag:$0x4], $0x80, s12, s24, $0xb8;
	[tilespmem:$0x1E800] =	vst v63  }
0x89: {  	_ =	swait.ge [sflag:s29], $0x4000  }
0x8a: {  	[sflag:s29] =	ssyncset.done $0x0  }
0x8b: {  	s13 =	simm.s32 $0x100;
	[sflag:s29] =	ssyncadd.s32 $0xFFFFC000  }
0x8c: {  	[tilespmem:s21], [sflag:$0x1] =	stream.indirect.gather [hbm4b:s4+s24], $0x80, s13, s24, $0xb8;
	[tilespmem:$0x1E800] =	vst v63  }
0x8d: {  	_ =	swait.ge [sflag:s30], $0x4000  }
0x8e: {  	s11 =	simm.s32 $0x400;
	[sflag:s30] =	ssyncset.done $0x0  }
.LBB2_4:
0x8f: {  	p0 =	sne.s32 s11, $0x4800  }
0x90: {  	[sflag:s30] =	ssyncadd.s32 $0xFFFFC000;
	s12 =	smov.u32 s11;
	s11 =	sadd.s32 $0x400, s11  }
0x91: {  	_ =	swait.ge [sflag:s25], $0x4000  }
0x92: {  	s12 =	sshra.s32 s12, $0x2;
	[sflag:s25] =	ssyncset.done $0x0  }
0x93: {  	s13 =	sadd.s32 $0x1400, s12;
	[sflag:s25] =	ssyncadd.s32 $0xFFFFC000  }
0x94: {  	[spmem:s1] =	stream.indirect.scatter.add.f32 [tilespmem:s21], [sflag:$0x3], $0x80, s13, s24, $0xb8;
	[tilespmem:$0x1E800] =	vst v63  }
0x95: {  	s13 =	sadd.s32 $0x80, s12  }
0x96: {  	[tilespmem:s26], [sflag:$0x2] =	stream.indirect.gather [hbm4b:s4+s24], $0x80, s13, s24, $0xb8;
	[tilespmem:$0x1E800] =	vst v63  }
0x97: {  	_ =	swait.ge [sflag:s28], $0x4000  }
0x98: {  	[sflag:s28] =	ssyncset.done $0x0  }
0x99: {  	s13 =	sadd.s32 $0x1480, s12;
	[sflag:s28] =	ssyncadd.s32 $0xFFFFC000  }
0x9a: {  	[spmem:s1] =	stream.indirect.scatter.add.f32 [tilespmem:s26], [sflag:$0x4], $0x80, s13, s24, $0xb8;
	[tilespmem:$0x1E800] =	vst v63  }
0x9b: {  	_ =	swait.ge [sflag:s29], $0x4000  }
.Ltmp1:
0x9c: {  	[sflag:s29] =	ssyncset.done $0x0;
	(pc) =	sbr.rel @p0 .LBB2_4-.Ltmp1, $4  }
0x9d: {  	s12 =	sadd.s32 $0x100, s12;
	[sflag:s29] =	ssyncadd.s32 $0xFFFFC000  }
0x9e: {  	[tilespmem:s21], [sflag:$0x1] =	stream.indirect.gather [hbm4b:s4+s24], $0x80, s12, s24, $0xb8;
	[tilespmem:$0x1E800] =	vst v63  }
0x9f: {  	_ =	swait.ge [sflag:s30], $0x4000  }
0xa0: {  	[sflag:s30] =	ssyncset.done $0x0  }
0xa1: {  	[sflag:s30] =	ssyncadd.s32 $0xFFFFC000  }
0xa2: {  	_ =	swait.ge [sflag:s25], $0x4000  }
0xa3: {  	[sflag:s25] =	ssyncset.done $0x0  }
0xa4: {  	[sflag:s25] =	ssyncadd.s32 $0xFFFFC000  }
0xa5: {  	[spmem:s1] =	stream.indirect.scatter.add.f32 [tilespmem:s21], [sflag:$0x3], $0x80, s31, s24, $0xb8;
	[tilespmem:$0x1E800] =	vst v63  }
0xa6: {  	_ = 	snop  }
0xa7: {  	[tilespmem:s26], [sflag:$0x2] =	stream.indirect.gather [hbm4b:s4+s24], $0x80, s0, s24, $0xb8;
	[tilespmem:$0x1E800] =	vst v63  }
0xa8: {  	_ =	swait.ge [sflag:s28], $0x4000  }
0xa9: {  	[sflag:s28] =	ssyncset.done $0x0  }
0xaa: {  	[sflag:s28] =	ssyncadd.s32 $0xFFFFC000  }
0xab: {  	[spmem:s1] =	stream.indirect.scatter.add.f32 [tilespmem:s26], [sflag:$0x4], $0x80, s3, s24, $0xb8;
	[tilespmem:$0x1E800] =	vst v63  }
0xac: {  	_ =	swait.ge [sflag:s29], $0x4000  }
0xad: {  	[sflag:s29] =	ssyncset.done $0x0  }
0xae: {  	[sflag:s29] =	ssyncadd.s32 $0xFFFFC000  }
0xaf: {  	[tilespmem:s21], [sflag:$0x1] =	stream.indirect.gather [hbm4b:s4+s24], $0x80, s0, s24, $0xb8;
	[tilespmem:$0x1E800] =	vst v63  }
0xb0: {  	_ =	swait.ge [sflag:s30], $0x4000  }
0xb1: {  	[sflag:s30] =	ssyncset.done $0x0  }
0xb2: {  	[sflag:s30] =	ssyncadd.s32 $0xFFFFC000  }
0xb3: {  	_ =	swait.ge [sflag:s25], $0x4000  }
0xb4: {  	[sflag:s25] =	ssyncset.done $0x0  }
0xb5: {  	[sflag:s25] =	ssyncadd.s32 $0xFFFFC000  }
0xb6: {  	[bflag:$0x0] =	sbarrier.arrive $0xFFFF  }
0xb7: {  	[tilespmem:s21], [sflag:$0x5] =	stream.linear.gather [spmem:s6], $0x4000, $0x38;
	[tilespmem:$0x1E800] =	vst v63  }
0xb8: {  	_ =	swait.ge [sflag:s22], $0x4000  }
0xb9: {  	[sflag:s22] =	ssyncset.done $0x0  }
0xba: {  	[sflag:s22] =	ssyncadd.s32 $0xFFFFC000  }
0xbb: {  	[hbm4b:s15+s2] =	stream.linear.scatter [tilespmem:s21], [sflag:$0x5], $0x4000, $0x38;
	[tilespmem:$0x1E800] =	vst v63  }
0xbc: {  	_ =	swait.ge [sflag:s22], $0x4000  }
0xbd: {  	[sflag:s22] =	ssyncset.done $0x0  }
0xbe: {  	[sflag:s22] =	ssyncadd.s32 $0xFFFFC000  }
0xbf: {  	[tilespmem:s21], [sflag:$0x5] =	stream.linear.gather [spmem:s7], $0x4000, $0x38;
	[tilespmem:$0x1E800] =	vst v63  }
0xc0: {  	_ =	swait.ge [sflag:s22], $0x4000  }
0xc1: {  	[sflag:s22] =	ssyncset.done $0x0  }
0xc2: {  	[sflag:s22] =	ssyncadd.s32 $0xFFFFC000  }
0xc3: {  	[hbm4b:s16+s2] =	stream.linear.scatter [tilespmem:s21], [sflag:$0x5], $0x4000, $0x38;
	[tilespmem:$0x1E800] =	vst v63  }
0xc4: {  	_ =	swait.ge [sflag:s22], $0x4000  }
0xc5: {  	[sflag:s22] =	ssyncset.done $0x0  }
0xc6: {  	[sflag:s22] =	ssyncadd.s32 $0xFFFFC000  }
0xc7: {  	[tilespmem:s21], [sflag:$0x5] =	stream.linear.gather [spmem:s8], $0x4000, $0x38;
	[tilespmem:$0x1E800] =	vst v63  }
0xc8: {  	_ =	swait.ge [sflag:s22], $0x4000  }
0xc9: {  	[sflag:s22] =	ssyncset.done $0x0  }
0xca: {  	[sflag:s22] =	ssyncadd.s32 $0xFFFFC000  }
0xcb: {  	[hbm4b:s17+s2] =	stream.linear.scatter [tilespmem:s21], [sflag:$0x5], $0x4000, $0x38;
	[tilespmem:$0x1E800] =	vst v63  }
0xcc: {  	_ =	swait.ge [sflag:s22], $0x4000  }
0xcd: {  	[sflag:s22] =	ssyncset.done $0x0  }
0xce: {  	[sflag:s22] =	ssyncadd.s32 $0xFFFFC000  }
0xcf: {  	[tilespmem:s21], [sflag:$0x5] =	stream.linear.gather [spmem:s9], $0x4000, $0x38;
	[tilespmem:$0x1E800] =	vst v63  }
0xd0: {  	_ =	swait.ge [sflag:s22], $0x4000  }
0xd1: {  	[sflag:s22] =	ssyncset.done $0x0  }
0xd2: {  	[sflag:s22] =	ssyncadd.s32 $0xFFFFC000  }
0xd3: {  	[hbm4b:s18+s2] =	stream.linear.scatter [tilespmem:s21], [sflag:$0x5], $0x4000, $0x38;
	[tilespmem:$0x1E800] =	vst v63  }
0xd4: {  	_ =	swait.ge [sflag:s22], $0x4000  }
0xd5: {  	[sflag:s22] =	ssyncset.done $0x0  }
0xd6: {  	[sflag:s22] =	ssyncadd.s32 $0xFFFFC000  }
0xd7: {  	[tilespmem:s21], [sflag:$0x5] =	stream.linear.gather [spmem:s10], $0x4000, $0x38;
	[tilespmem:$0x1E800] =	vst v63  }
0xd8: {  	s5 =	sadd.s32 $0x1, s5;
	_ =	swait.ge [sflag:s22], $0x4000  }
0xd9: {  	p0 =	sne.s32 s5, s20;
	[sflag:s22] =	ssyncset.done $0x0  }
.Ltmp2:
0xda: {  	[sflag:s22] =	ssyncadd.s32 $0xFFFFC000;
	(pc) =	sbr.rel @p0 .LBB2_1-.Ltmp2, $4  }
0xdb: {  	[hbm4b:s19+s2] =	stream.linear.scatter [tilespmem:s21], [sflag:$0x5], $0x4000, $0x38;
	[tilespmem:$0x1E800] =	vst v63  }
0xdc: {  	_ =	swait.ge [sflag:s22], $0x4000  }
0xdd: {  	[sflag:s22] =	ssyncset.done $0x0  }
0xde: {  	[sflag:s22] =	ssyncadd.s32 $0xFFFFC000  }
0xdf: {  	_ =	sfence.sel $0x180000  }
0xe0: {  	[bflag:$0x0] =	sbarrier.arrive $0xFFFF  }
0xe1: {  	_ =	strace $0x9000004D  }
0xe2: {  	s0 =	stileid.u32;
	[bflag:$0x2] =	sbarrier.arrive $0xFFFF  }
0xe3: {  	p0 =	sne.s32 s0, $0x0;
	s0 =	rddreg [dreg:$0x3]  }
0xe4: {  	s0 =	sadd.s32 @!p0 $0x100000, s0  }
0xe5: {  	[sflag:s0] =	ssyncadd.tile.s32 @!p0 $0x1;
	_ =	shalt  }
.Lfunc_end2:
_tile_overlayer_lowered:
.L_overlay_start_2:
0xe6: {  	(tag) =	ssettag $0x2  }
0xe7: {  	s0 =	rddreg [dreg:$0x0];
	s2 =	stileid.u32  }
0xe8: {  	s1 =	rddreg [dreg:$0x1];
	p0 =	sne.s32 s2, $0x0  }
0xe9: {  	s3 =	rddreg [dreg:$0x2];
	[bflag:$0x3] =	sbarrier.arrive $0xFFFF;
	s2 =	simm.s32 @!p0 $0x1C05  }
0xea: {  	[timem:s3], [sflag:s2] =	dma.local @!p0 [hbm:s0], s1  }
0xeb: {  	s0 =	simm.s32 @!p0 $0x5  }
0xec: {  	_ =	swait.ge @!p0 [sflag:s0], s1  }
0xed: {  	s1 =	ssub.s32 @!p0 $0x0, s1;
	[sflag:s0] =	ssyncset.done @!p0 $0x0  }
0xee: {  	[sflag:s0] =	ssyncadd.s32 @!p0 s1  }
0xef: {  	[bflag:$0x3] =	sbarrier.arrive $0xFFFF  }
0xf0: {  	_ =	shalt  }

// kernel: kernel.8.cloned.1.call-start
scs
__scs_entry_jumppad:
0x0: {  	(pc) =	sbr.rel $0x88, $3  }
0x1: {  	(tag) =	ssettag $0x0;
	lr =	simm.s32 $0x1  }
0x2: {  	[smem:$0x3F9E] =	sst lr;
	_ =	strace $0xD0000000  }
0x3: {  	_ = 	snop  }
0x4: {  	_ = 	snop  }
0x5: {  	_ = 	snop  }
0x6: {  	_ = 	snop  }
0x7: {  	_ = 	snop  }
__scs_overlays_trampoline_lowered:
0x8: {  	[smem:$0x3FAD] =	sst s0  }
0x9: {  	[smem:$0x3FAE] =	sst s1  }
0xa: {  	[smem:$0x3FAF] =	sst s2  }
0xb: {  	[smem:$0x3FB0] =	sst s3  }
0xc: {  	[smem:$0x3FB1] =	sst s4  }
0xd: {  	[smem:$0x3FB2] =	sst s5  }
0xe: {  	[smem:$0x3FB3] =	sst s6  }
0xf: {  	[smem:$0x3FB4] =	sst s7  }
0x10: {  	[smem:$0x3FB5] =	sst s8  }
0x11: {  	[smem:$0x3FB6] =	sst s9;
	s0 =	simm.s32 @!p0 $0x0  }
0x12: {  	s1 =	sld [smem:$0x3F9C];
	s0 =	simm.s32 @p0 $0x1  }
0x13: {  	[smem:$0x3FB7] =	sst s0;
	s0 =	simm.s32 @!p1 $0x0  }
0x14: {  	s2 =	sld [smem:$0x3F9B];
	s0 =	simm.s32 @p1 $0x1  }
0x15: {  	[smem:$0x3FB8] =	sst s0;
	s0 =	simm.s32 @!p2 $0x0  }
0x16: {  	s3 =	sld [smem:$0x3FDB];
	s0 =	simm.s32 @p2 $0x1  }
0x17: {  	s4 =	simm.s32 $0x1BF5;
	[smem:$0x3FBA] =	sst s0  }
0x18: {  	s0 =	sld [smem:$0x3F9D];
	_ =	swait.ge [sflag:s4], $0x0  }
0x19: {  	s7 =	sld [smem:$0x3F9E]  }
0x1a: {  	s8 =	sadd.s32 $0xFFFFE003, lr  }
0x1b: {  	s9 =	sadd.s32 $0xFFFFFEF7, lr;
	s5 =	simm.s32 $0xFFFFFFFF;
	p2 =	slt.u32 s8, $0xFFFFF086  }
0x1c: {  	p1 =	slt.u32 s9, $0xF7A;
	s5 =	simm.s32 @!p2 $0x0  }
0x1d: {  	s5 =	simm.s32 @p1 $0x1;
	p0 =	seq.s32 s7, s2  }
0x1e: {  	s7 =	smul.u32 @!p0 $0xF7A, s2;
	p2 =	seq.s32 @!p0 s5, $0x0  }
0x1f: {  	s9 =	smul.u32 $0xF7A, s1;
	s8 =	simm.s32 @!p0 $0x1BF5;
	p2 =	por !p2, p0  }
0x20: {  	[sflag:s8] =	ssyncset.s32 @!p0 $0xFFFFF086;
	s6 =	sadd.s32 @!p0 s3, s7;
	s7 =	simm.s32 @!p0 $0x108  }
0x21: {  	s3 =	sadd.s32 s3, s9;
	s6 =	sadd.s32 @!p0 $0x88, s6;
	s7 =	simm.s32 @p2 $0x1082  }
0x22: {  	[simem:s7], [sflag:s8] =	dma.local @!p0 [hbm:s6], $0xF7A  }
0x23: {  	s9 =	sor.u32 $0xD0000000, s2;
	s6 =	simm.s32 $0x108;
	_ =	swait.ge @!p0 [sflag:s8], $0x0  }
0x24: {  	s3 =	sadd.s32 $0x88, s3;
	s6 =	simm.s32 @!p1 $0x1082;
	[sflag:s4] =	ssyncset.s32 $0xFFFFF086  }
0x25: {  	[simem:s6], [sflag:s4] =	dma.local [hbm:s3], $0xF7A  }
0x26: {  	[smem:$0x3F9E] =	sst s1;
	(tag) =	ssettag s2;
	_ =	strace s9  }
0x27: {  	s1 =	sld [smem:$0x3FAE]  }
0x28: {  	s2 =	sld [smem:$0x3FAF]  }
0x29: {  	s4 =	sld [smem:$0x3FB1]  }
0x2a: {  	p0 =	seq.s32 s5, $0x0;
	s5 =	sld [smem:$0x3FB2]  }
0x2b: {  	s6 =	sld [smem:$0x3FB3]  }
0x2c: {  	s7 =	sld [smem:$0x3FB4]  }
0x2d: {  	s3 =	simm.s32 $0x108;
	s8 =	sld [smem:$0x3FB5]  }
0x2e: {  	s3 =	simm.s32 @!p0 $0x1082;
	s9 =	sld [smem:$0x3FB6]  }
0x2f: {  	lr =	sadd.s32 s0, s3;
	s0 =	sld [smem:$0x3FAD]  }
0x30: {  	s3 =	sld [smem:$0x3FB0]  }
0x31: {  	[smem:$0x3FB9] =	sst s10  }
0x32: {  	s10 =	sld [smem:$0x3FB7];
	_ =	sdelay $0x3  }
0x33: {  	p0 =	seq.s32 s10, $0x1;
	s10 =	sld [smem:$0x3FB9];
	_ =	sdelay $0x3  }
0x34: {  	[smem:$0x3FB9] =	sst s10  }
0x35: {  	s10 =	sld [smem:$0x3FB8];
	_ =	sdelay $0x3  }
0x36: {  	p1 =	seq.s32 s10, $0x1;
	s10 =	sld [smem:$0x3FB9];
	_ =	sdelay $0x3  }
0x37: {  	[smem:$0x3FB9] =	sst s10  }
0x38: {  	s10 =	sld [smem:$0x3FBA]  }
0x39: {  	_ = 	snop;
	(pc) =	sbr.ind lr, $3  }
0x3a: {  	_ = 	snop  }
0x3b: {  	_ = 	snop  }
0x3c: {  	p2 =	seq.s32 s10, $0x1;
	s10 =	sld [smem:$0x3FB9]  }
0x3d: {  	_ =	shalt  }
0x3e: {  	_ =	shalt  }
0x3f: {  	_ =	shalt  }
0x40: {  	_ =	shalt  }
0x41: {  	_ =	shalt  }
0x42: {  	_ =	shalt  }
0x43: {  	_ =	shalt  }
0x44: {  	_ =	shalt  }
0x45: {  	_ =	shalt  }
0x46: {  	_ =	shalt  }
0x47: {  	_ =	shalt  }
0x48: {  	_ =	shalt  }
0x49: {  	_ =	shalt  }
0x4a: {  	_ =	shalt  }
0x4b: {  	_ =	shalt  }
0x4c: {  	_ =	shalt  }
0x4d: {  	_ =	shalt  }
0x4e: {  	_ =	shalt  }
0x4f: {  	_ =	shalt  }
0x50: {  	_ =	shalt  }
0x51: {  	_ =	shalt  }
0x52: {  	_ =	shalt  }
0x53: {  	_ =	shalt  }
0x54: {  	_ =	shalt  }
0x55: {  	_ =	shalt  }
0x56: {  	_ =	shalt  }
0x57: {  	_ =	shalt  }
0x58: {  	_ =	shalt  }
0x59: {  	_ =	shalt  }
0x5a: {  	_ =	shalt  }
0x5b: {  	_ =	shalt  }
0x5c: {  	_ =	shalt  }
0x5d: {  	_ =	shalt  }
0x5e: {  	_ =	shalt  }
0x5f: {  	_ =	shalt  }
0x60: {  	_ =	shalt  }
0x61: {  	_ =	shalt  }
0x62: {  	_ =	shalt  }
0x63: {  	_ =	shalt  }
0x64: {  	_ =	shalt  }
0x65: {  	_ =	shalt  }
0x66: {  	_ =	shalt  }
0x67: {  	_ =	shalt  }
0x68: {  	_ =	shalt  }
0x69: {  	_ =	shalt  }
0x6a: {  	_ =	shalt  }
0x6b: {  	_ =	shalt  }
0x6c: {  	_ =	shalt  }
0x6d: {  	_ =	shalt  }
0x6e: {  	_ =	shalt  }
0x6f: {  	_ =	shalt  }
0x70: {  	_ =	shalt  }
0x71: {  	_ =	shalt  }
0x72: {  	_ =	shalt  }
0x73: {  	_ =	shalt  }
0x74: {  	_ =	shalt  }
0x75: {  	_ =	shalt  }
0x76: {  	_ =	shalt  }
0x77: {  	_ =	shalt  }
0x78: {  	_ =	shalt  }
0x79: {  	_ =	shalt  }
0x7a: {  	_ =	shalt  }
0x7b: {  	_ =	shalt  }
0x7c: {  	_ =	shalt  }
0x7d: {  	_ =	shalt  }
0x7e: {  	_ =	shalt  }
0x7f: {  	_ =	shalt  }
0x80: {  	_ =	shalt  }
0x81: {  	_ =	shalt  }
0x82: {  	_ =	shalt  }
0x83: {  	_ =	shalt  }
0x84: {  	_ =	shalt  }
0x85: {  	_ =	shalt  }
0x86: {  	_ =	shalt  }
0x87: {  	_ =	shalt  }
.Lfunc_end0:
.L_simem_size_0:
called_computation_lowered:
.L_overlay_start_0:
0x88: {  	s2 =	sld [smem:$0x3FD9]  }
0x89: {  	s3 =	sld [smem:$0x3FFE];
	_ =	sdelay $0x1  }
0x8a: {  	s1 =	srdreg.scid  }
0x8b: {  	s0 =	sand.u32 $0x1, s1  }
0x8c: {  	s16 =	sshll.u32 s0, $0xA;
	s2 =	sadd.s32 s3, s2  }
0x8d: {  	s2 =	sadd.s32 s2, s16  }
0x8e: {  	[smem:$0x3FC5] =	sst s2  }
0x8f: {  	_ = 	snop  }
0x90: {  	(tm) =	ssettm $0x1  }
0x91: {  	s17 =	sld [smem:$0x3FFB];
	_ =	sdelay $0x3  }
0x92: {  	_ =	strace s17  }
0x93: {  	s2 =	sld [smem:$0x3FFC];
	_ =	sdelay $0x3  }
0x94: {  	_ =	strace s2  }
0x95: {  	s2 =	sld [smem:$0x3FFD];
	_ =	sdelay $0x3  }
0x96: {  	_ =	strace s2  }
0x97: {  	_ =	strace $0x8FFFFFFF  }
0x98: {  	s18 =	sld [smem:$0x3FDB];
	_ =	sdelay $0x1  }
0x99: {  	s19 =	simm.s32 $_scs_section_size  }
0x9a: {  	s4 =	simm.s32 $_size__tile_overlayer_lowered;
	s5 =	simm.s32 $_tile_overlayer_lowered  }
0x9b: {  	s22 =	simm.s32 $0x1BFF;
	s21 =	sshll.u32 s5, $0x1;
	s2 =	sadd.s32 s19, s18  }
0x9c: {  	s6 =	simm.s32 $0x0;
	s20 =	sshll.u32 s4, $0x1;
	s4 =	sadd.s32 s21, s2  }
0x9d: {  	[timem:s6], [sflag:s22] =	dma.local [hbm:s4], s20  }
0x9e: {  	_ =	swait.ge [sflag:s22], s20  }
0x9f: {  	s3 =	ssub.s32 $0x0, s20;
	[sflag:s22] =	ssyncset.done $0x0  }
0xa0: {  	[sflag:s22] =	ssyncadd.s32 s3;
	_ =	sdelay $0x1  }
0xa1: {  	s23 =	simm.s32 $0x1B8B  }
0xa2: {  	_ =	swait.ge [sflag:s23], $0x1  }
0xa3: {  	[sflag:s23] =	ssyncset.done $0x0  }
0xa4: {  	s25 =	simm.s32 $0x1B8E;
	s24 =	sld [smem:$0x3FFE];
	[sflag:s23] =	ssyncadd.s32 $0xFFFFFFFF  }
0xa5: {  	s26 =	simm.s32 $execute0_lowered;
	[smem:$0x3FD2] =	sst s25  }
0xa6: {  	s4 =	sshll.u32 s26, $0x1;
	_ =	strace $0x80000046;
	[dreg:$0x1] =	wrdreg $0xFFFFFFFF  }
0xa7: {  	s28 =	simm.s32 $_size_execute0_lowered;
	s2 =	sadd.s32 s2, s4;
	[dreg:$0x0] =	wrdreg $0x0  }
0xa8: {  	s4 =	sshll.u32 s28, $0x1;
	[dreg:$0x2] =	wrdreg s2  }
0xa9: {  	[dreg:$0x3] =	wrdreg s4  }
0xaa: {  	[dreg:$0x4] =	wrdreg $0xC0  }
0xab: {  	_ =	task [dreg:s6], $0x5FFFF  }
0xac: {  	[dreg:$0x1] =	wrdreg $0xFFFFFFFF  }
0xad: {  	[dreg:$0x0] =	wrdreg $0x60  }
0xae: {  	[dreg:$0x2] =	wrdreg s24  }
0xaf: {  	[dreg:$0x3] =	wrdreg $0xA8000  }
0xb0: {  	[dreg:$0x4] =	wrdreg $0x9  }
0xb1: {  	_ =	task.clear_ibuf [dreg:s6], $0x5FFFF;
	_ =	strace $0x90000046  }
0xb2: {  	s29 =	simm.s32 $0x9;
	_ =	strace $0x80000048  }
0xb3: {  	_ =	swait.ge [sflag:s29], $0x1  }
0xb4: {  	[sflag:s29] =	ssyncadd.s32 $0xFFFFFFFF  }
0xb5: {  	_ =	strace $0x90000048  }
0xb6: {  	_ =	sfence  }
0xb7: {  	s30 =	sld [smem:$0x0];
	_ =	sdelay $0x2  }
0xb8: {  	s31 =	sshll.u32 s1, $0xD;
	s1 =	sshrl.u32 s1, $0x2  }
0xb9: {  	s3 =	sand.u32 $0x4000, s31;
	s1 =	sadd.s32 s1, s30  }
0xba: {  	s0 =	sor.u32 s3, s0;
	s1 =	sshll.u32 s1, $0x11  }
0xbb: {  	s0 =	sor.u32 s1, s0  }
0xbc: {  	s0 =	sadd.s32 $0x8F2B, s0  }
0xbd: {  	[sflag:s0] =	ssyncadd.remote.s32 $0x1  }
0xbe: {  	_ =	sfence.sel $0xFFFF  }
0xbf: {  	[dreg:$0x0] =	wrdreg $0xFFFFFFFF;
	(pc) =	sbr.abs _section_cstart, $3  }
0xc0: {  	[dreg:$0x1] =	wrdreg $0xFFFFFFFF  }
0xc1: {  	_ =	task.clear_ibuf [dreg:s6], $0x2FFFF;
	_ =	strace $0x9FFFFFFF  }
0xc2: {  	(tm) =	ssettm $0x7FFFFFFF  }
0xc3: {  	_ =	shalt  }
tec
execute0_lowered:
.L_overlay_start_1:
0x0: {  	(tag) =	ssettag $0x1  }
0x1: {  	s0 =	srdreg.scid;
	s1 =	rddreg [dreg:$0x0]  }
0x2: {  	s10 =	stileid.u32;
	s2 =	rddreg [dreg:$0x1]  }
0x3: {  	s19 =	simm.s32 $0x2800;
	s20 =	simm.s32 $0x6800;
	s21 =	simm.s32 $0x80  }
0x4: {  	s24 =	simm.s32 $0x200;
	s25 =	simm.s32 $0x280;
	s26 =	simm.s32 $0x300  }
0x5: {  	s28 =	simm.s32 $0x380;
	s29 =	simm.s32 $0x1;
	s30 =	simm.s32 $0x0  }
0x6: {  	s0 =	sand.u32 $0x1, s0;
	s8 =	smul.u32 $0x50000, s10;
	s5 =	sadd.s32 $0xB000, s1  }
0x7: {  	s11 =	smul.u32 $0x14000, s10;
	s3 =	sshll.u32 s0, $0x4;
	s7 =	ssub.s32 $0x2, s0  }
0x8: {  	s0 =	smul.u32 $0x140000, s0;
	s4 =	sor.u32 s10, s3;
	s3 =	simm.s32 $0x0  }
0x9: {  	s9 =	sshrl.u32 s7, $0x1;
	s31 =	sshrl.u32 s8, $0x2;
	s12 =	sadd.s32 $0x4000, s11  }
0xa: {  	s14 =	sadd.s32 $0x8000, s11;
	s15 =	sadd.s32 $0xC000, s11;
	s16 =	sadd.s32 $0x10000, s11  }
0xb: {  	s4 =	smul.u32 $0x500, s4;
	[smem:$0x7FF] =	sst s3;
	s17 =	ssub.s32 s7, s9  }
0xc: {  	s7 =	sadd.s32 s31, s2;
	s8 =	sadd.s32 s12, s2;
	s9 =	sadd.s32 s14, s2  }
0xd: {  	s10 =	sadd.s32 s15, s2;
	s13 =	sadd.s32 s11, s0;
	s12 =	sadd.s32 s0, s12  }
0xe: {  	s11 =	sadd.s32 s16, s2;
	s14 =	sadd.s32 s0, s14;
	s15 =	sadd.s32 s0, s15  }
0xf: {  	s0 =	sadd.s32 s0, s16;
	_ =	strace $0x80000047;
	s13 =	sshrl.u32 s13, $0x3  }
0x10: {  	s18 =	sshrl.u32 s12, $0x3;
	s14 =	sshrl.u32 s14, $0x3;
	s15 =	sshrl.u32 s15, $0x3  }
0x11: {  	s0 =	sshrl.u32 s0, $0x3;
	s17 =	smax.u32 s17, $0x1;
	s6 =	sadd.s32 s4, s1  }
0x12: {  	s4 =	sadd.s32 $0xB800, s1;
	s1 =	sadd.s32 $0xC000, s1;
	s6 =	sadd.s32 $0x1000, s6  }
0x13: {  	s12 =	sadd.s32 s1, s13;
	s13 =	sadd.s32 s1, s18;
	s14 =	sadd.s32 s1, s14  }
0x14: {  	s15 =	sadd.s32 s1, s15;
	s16 =	sadd.s32 s1, s0;
	s18 =	simm.s32 $0x2  }
.LBB2_1:
0x15: {  	[tilespmem:s3], [sflag:$0x2] =	stream.linear.gather [hbm4b:s6+s3], $0x2800, $0x38;
	[tilespmem:$0x1E800] =	vst v63  }
0x16: {  	_ =	swait.ge [sflag:s18], $0x2800  }
0x17: {  	[sflag:s18] =	ssyncset.done $0x0  }
0x18: {  	[sflag:s18] =	ssyncadd.s32 $0xFFFFD800  }
0x19: {  	[tilespmem:s19], [sflag:$0x2] =	stream.linear.gather [hbm4b:s4+s3], $0x4000, $0x38;
	[tilespmem:$0x1E800] =	vst v63  }
0x1a: {  	_ =	swait.ge [sflag:s18], $0x4000  }
0x1b: {  	[sflag:s18] =	ssyncset.done $0x0  }
0x1c: {  	[sflag:s18] =	ssyncadd.s32 $0xFFFFC000  }
0x1d: {  	[tilespmem:s20], [sflag:$0x2] =	stream.linear.gather [hbm4b:s5+s3], $0x4000, $0x38;
	[tilespmem:$0x1E800] =	vst v63  }
0x1e: {  	_ =	swait.ge [sflag:s18], $0x4000  }
0x1f: {  	[sflag:s18] =	ssyncset.done $0x0  }
0x20: {  	[sflag:s18] =	ssyncadd.s32 $0xFFFFC000  }
0x21: {  	[spmem:s7] =	stream.linear.scatter [tilespmem:s20], [sflag:$0x2], $0x4000, $0x38;
	[tilespmem:$0x1E800] =	vst v63  }
0x22: {  	_ =	swait.ge [sflag:s18], $0x4000  }
0x23: {  	[sflag:s18] =	ssyncset.done $0x0  }
0x24: {  	[sflag:s18] =	ssyncadd.s32 $0xFFFFC000  }
0x25: {  	[spmem:s8] =	stream.linear.scatter [tilespmem:s20], [sflag:$0x2], $0x4000, $0x38;
	[tilespmem:$0x1E800] =	vst v63  }
0x26: {  	_ =	swait.ge [sflag:s18], $0x4000  }
0x27: {  	[sflag:s18] =	ssyncset.done $0x0  }
0x28: {  	[sflag:s18] =	ssyncadd.s32 $0xFFFFC000  }
0x29: {  	[spmem:s9] =	stream.linear.scatter [tilespmem:s20], [sflag:$0x2], $0x4000, $0x38;
	[tilespmem:$0x1E800] =	vst v63  }
0x2a: {  	_ =	swait.ge [sflag:s18], $0x4000  }
0x2b: {  	[sflag:s18] =	ssyncset.done $0x0  }
0x2c: {  	[sflag:s18] =	ssyncadd.s32 $0xFFFFC000  }
0x2d: {  	[spmem:s10] =	stream.linear.scatter [tilespmem:s20], [sflag:$0x2], $0x4000, $0x38;
	[tilespmem:$0x1E800] =	vst v63  }
0x2e: {  	_ =	swait.ge [sflag:s18], $0x4000  }
0x2f: {  	[sflag:s18] =	ssyncset.done $0x0  }
0x30: {  	[sflag:s18] =	ssyncadd.s32 $0xFFFFC000  }
0x31: {  	[spmem:s11] =	stream.linear.scatter [tilespmem:s20], [sflag:$0x2], $0x4000, $0x38;
	[tilespmem:$0x1E800] =	vst v63  }
0x32: {  	_ =	swait.ge [sflag:s18], $0x4000  }
0x33: {  	[sflag:s18] =	ssyncset.done $0x0  }
0x34: {  	[sflag:s18] =	ssyncadd.s32 $0xFFFFC000  }
0x35: {  	[bflag:$0x0] =	sbarrier.arrive $0xFFFF  }
0x36: {  	[spmem:s2] =	stream.indirect.scatter.add.f32 [tilespmem:s19], [sflag:$0x1], $0x80, s3, s21, $0xb8;
	[tilespmem:$0x1E800] =	vst v63  }
0x37: {  	_ = 	snop  }
0x38: {  	[spmem:s2] =	stream.indirect.scatter.add.f32 [tilespmem:s19], [sflag:$0x1], $0x80, s21, s21, $0xb8;
	[tilespmem:$0x1E800] =	vst v63  }
0x39: {  	s0 =	simm.s32 $0x100  }
0x3a: {  	[spmem:s2] =	stream.indirect.scatter.add.f32 [tilespmem:s19], [sflag:$0x1], $0x80, s0, s21, $0xb8;
	[tilespmem:$0x1E800] =	vst v63  }
0x3b: {  	s23 =	simm.s32 $0x180  }
0x3c: {  	[spmem:s2] =	stream.indirect.scatter.add.f32 [tilespmem:s19], [sflag:$0x1], $0x80, s23, s21, $0xb8;
	[tilespmem:$0x1E800] =	vst v63  }
0x3d: {  	_ = 	snop  }
0x3e: {  	[spmem:s2] =	stream.indirect.scatter.add.f32 [tilespmem:s19], [sflag:$0x1], $0x80, s24, s21, $0xb8;
	[tilespmem:$0x1E800] =	vst v63  }
0x3f: {  	_ = 	snop  }
0x40: {  	[spmem:s2] =	stream.indirect.scatter.add.f32 [tilespmem:s19], [sflag:$0x1], $0x80, s25, s21, $0xb8;
	[tilespmem:$0x1E800] =	vst v63  }
0x41: {  	_ = 	snop  }
0x42: {  	[spmem:s2] =	stream.indirect.scatter.add.f32 [tilespmem:s19], [sflag:$0x1], $0x80, s26, s21, $0xb8;
	[tilespmem:$0x1E800] =	vst v63  }
0x43: {  	_ = 	snop  }
0x44: {  	[spmem:s2] =	stream.indirect.scatter.add.f32 [tilespmem:s19], [sflag:$0x1], $0x80, s28, s21, $0xb8;
	[tilespmem:$0x1E800] =	vst v63  }
0x45: {  	s1 =	simm.s32 $0x400;
	p0 =	por $0x0, $0x0;
	_ =	swait.ge [sflag:s29], $0x4000  }
0x46: {  	s31 =	simm.s32 $0x1;
	s22 =	simm.s32 @!p0 $0x80;
	[sflag:s29] =	ssyncset.done $0x0  }
0x47: {  	s0 =	simm.s32 $0x480;
	s23 =	simm.s32 @!p0 $0x2800;
	[sflag:s29] =	ssyncadd.s32 $0xFFFFC000  }
.LBB2_2:
0x48: {  	[spmem:s2] =	stream.indirect.scatter.add.f32 @!p0 [tilespmem:s23], [sflag:$0x1], $0x80, s1, s22, $0xb8;
	[tilespmem:$0x1E800] =	vst v63  }
0x49: {  	s22 =	smov.u32 s31;
	s31 =	sadd.s32 $0x1, s31  }
0x4a: {  	p1 =	sne.s32 s31, $0x50  }
.Ltmp0:
0x4b: {  	(pc) =	sbr.rel @p1 .LBB2_2-.Ltmp0, $4  }
0x4c: {  	s1 =	smov.u32 s0  }
0x4d: {  	_ =	swait.ge [sflag:s29], $0x4000  }
0x4e: {  	s0 =	sadd.s32 $0x80, s0;
	p0 =	sgt.u32 s22, $0x47;
	[sflag:s29] =	ssyncset.done $0x0  }
0x4f: {  	s22 =	simm.s32 @!p0 $0x80;
	s23 =	simm.s32 @!p0 $0x2800;
	[sflag:s29] =	ssyncadd.s32 $0xFFFFC000  }
0x50: {  	[spmem:s2] =	stream.indirect.scatter.add.f32 @!p0 [tilespmem:s23], [sflag:$0x1], $0x80, s1, s22, $0xb8;
	[tilespmem:$0x1E800] =	vst v63  }
0x51: {  	[bflag:$0x0] =	sbarrier.arrive $0xFFFF  }
0x52: {  	[tilespmem:s20], [sflag:$0x2] =	stream.linear.gather [spmem:s7], $0x4000, $0x38;
	[tilespmem:$0x1E800] =	vst v63  }
0x53: {  	_ =	swait.ge [sflag:s18], $0x4000  }
0x54: {  	[sflag:s18] =	ssyncset.done $0x0  }
0x55: {  	[sflag:s18] =	ssyncadd.s32 $0xFFFFC000  }
0x56: {  	[hbm4b:s12+s3] =	stream.linear.scatter [tilespmem:s20], [sflag:$0x2], $0x4000, $0x38;
	[tilespmem:$0x1E800] =	vst v63  }
0x57: {  	_ =	swait.ge [sflag:s18], $0x4000  }
0x58: {  	[sflag:s18] =	ssyncset.done $0x0  }
0x59: {  	[sflag:s18] =	ssyncadd.s32 $0xFFFFC000  }
0x5a: {  	[tilespmem:s20], [sflag:$0x2] =	stream.linear.gather [spmem:s8], $0x4000, $0x38;
	[tilespmem:$0x1E800] =	vst v63  }
0x5b: {  	_ =	swait.ge [sflag:s18], $0x4000  }
0x5c: {  	[sflag:s18] =	ssyncset.done $0x0  }
0x5d: {  	[sflag:s18] =	ssyncadd.s32 $0xFFFFC000  }
0x5e: {  	[hbm4b:s13+s3] =	stream.linear.scatter [tilespmem:s20], [sflag:$0x2], $0x4000, $0x38;
	[tilespmem:$0x1E800] =	vst v63  }
0x5f: {  	_ =	swait.ge [sflag:s18], $0x4000  }
0x60: {  	[sflag:s18] =	ssyncset.done $0x0  }
0x61: {  	[sflag:s18] =	ssyncadd.s32 $0xFFFFC000  }
0x62: {  	[tilespmem:s20], [sflag:$0x2] =	stream.linear.gather [spmem:s9], $0x4000, $0x38;
	[tilespmem:$0x1E800] =	vst v63  }
0x63: {  	_ =	swait.ge [sflag:s18], $0x4000  }
0x64: {  	[sflag:s18] =	ssyncset.done $0x0  }
0x65: {  	[sflag:s18] =	ssyncadd.s32 $0xFFFFC000  }
0x66: {  	[hbm4b:s14+s3] =	stream.linear.scatter [tilespmem:s20], [sflag:$0x2], $0x4000, $0x38;
	[tilespmem:$0x1E800] =	vst v63  }
0x67: {  	_ =	swait.ge [sflag:s18], $0x4000  }
0x68: {  	[sflag:s18] =	ssyncset.done $0x0  }
0x69: {  	[sflag:s18] =	ssyncadd.s32 $0xFFFFC000  }
0x6a: {  	[tilespmem:s20], [sflag:$0x2] =	stream.linear.gather [spmem:s10], $0x4000, $0x38;
	[tilespmem:$0x1E800] =	vst v63  }
0x6b: {  	_ =	swait.ge [sflag:s18], $0x4000  }
0x6c: {  	[sflag:s18] =	ssyncset.done $0x0  }
0x6d: {  	[sflag:s18] =	ssyncadd.s32 $0xFFFFC000  }
0x6e: {  	[hbm4b:s15+s3] =	stream.linear.scatter [tilespmem:s20], [sflag:$0x2], $0x4000, $0x38;
	[tilespmem:$0x1E800] =	vst v63  }
0x6f: {  	_ =	swait.ge [sflag:s18], $0x4000  }
0x70: {  	[sflag:s18] =	ssyncset.done $0x0  }
0x71: {  	[sflag:s18] =	ssyncadd.s32 $0xFFFFC000  }
0x72: {  	[tilespmem:s20], [sflag:$0x2] =	stream.linear.gather [spmem:s11], $0x4000, $0x38;
	[tilespmem:$0x1E800] =	vst v63  }
0x73: {  	s30 =	sadd.s32 $0x1, s30;
	_ =	swait.ge [sflag:s18], $0x4000  }
0x74: {  	p0 =	sne.s32 s30, s17;
	[sflag:s18] =	ssyncset.done $0x0  }
.Ltmp1:
0x75: {  	[sflag:s18] =	ssyncadd.s32 $0xFFFFC000;
	(pc) =	sbr.rel @p0 .LBB2_1-.Ltmp1, $4  }
0x76: {  	[hbm4b:s16+s3] =	stream.linear.scatter [tilespmem:s20], [sflag:$0x2], $0x4000, $0x38;
	[tilespmem:$0x1E800] =	vst v63  }
0x77: {  	_ =	swait.ge [sflag:s18], $0x4000  }
0x78: {  	[sflag:s18] =	ssyncset.done $0x0  }
0x79: {  	[sflag:s18] =	ssyncadd.s32 $0xFFFFC000  }
0x7a: {  	_ =	sfence.sel $0x180000  }
0x7b: {  	[bflag:$0x0] =	sbarrier.arrive $0xFFFF  }
0x7c: {  	_ =	strace $0x90000047  }
0x7d: {  	s0 =	stileid.u32;
	[bflag:$0x2] =	sbarrier.arrive $0xFFFF  }
0x7e: {  	p0 =	sne.s32 s0, $0x0;
	s0 =	rddreg [dreg:$0x2]  }
0x7f: {  	s0 =	sadd.s32 @!p0 $0x100000, s0  }
0x80: {  	[sflag:s0] =	ssyncadd.tile.s32 @!p0 $0x1;
	_ =	shalt  }
.Lfunc_end2:
_tile_overlayer_lowered:
.L_overlay_start_2:
0x81: {  	(tag) =	ssettag $0x2  }
0x82: {  	s0 =	rddreg [dreg:$0x0];
	s2 =	stileid.u32  }
0x83: {  	s1 =	rddreg [dreg:$0x1];
	p0 =	sne.s32 s2, $0x0  }
0x84: {  	s3 =	rddreg [dreg:$0x2];
	[bflag:$0x3] =	sbarrier.arrive $0xFFFF;
	s2 =	simm.s32 @!p0 $0x1C02  }
0x85: {  	[timem:s3], [sflag:s2] =	dma.local @!p0 [hbm:s0], s1  }
0x86: {  	s0 =	simm.s32 @!p0 $0x2  }
0x87: {  	_ =	swait.ge @!p0 [sflag:s0], s1  }
0x88: {  	s1 =	ssub.s32 @!p0 $0x0, s1;
	[sflag:s0] =	ssyncset.done @!p0 $0x0  }
0x89: {  	[sflag:s0] =	ssyncadd.s32 @!p0 s1  }
0x8a: {  	[bflag:$0x3] =	sbarrier.arrive $0xFFFF  }
0x8b: {  	_ =	shalt  }

</sc_bundles>
